<compile_context>
chip_gen: v7x
topology: tpu7x:2x2x1
jax: 0.10.2.dev20260603
libtpu: 0.0.44.dev20260713+nightly
codegen_flags: <defaults>
</compile_context>

<pallas_src>
import functools

import jax
import jax.numpy as jnp
from jax import lax
from jax.experimental import pallas as pl
from jax.experimental.pallas import tpu as pltpu
from jax.experimental.pallas import tpu_sc as plsc

N = 10000
E = 320000
D = 128

NC = 2
NS = 16
NW = NC * NS

K = 128
CH = 80
TOTCH = NW * CH
EP = TOTCH * K
NP = 10240
RPT = NP // NS

CNT0 = 80
CNT1 = CH * 2 - CNT0
CNTMAX = max(CNT0, CNT1)

_MESH = plsc.VectorSubcoreMesh(core_axis_name="c", subcore_axis_name="s")



@functools.partial(
    pl.kernel,
    out_type=jax.ShapeDtypeStruct((NC, NP), jnp.float32),
    mesh=_MESH,
    scratch_types=[
        pltpu.VMEM((CH, K), jnp.int32),
        pltpu.VMEM((K,), jnp.float32),
        pltpu.VMEM_SHARED((NP,), jnp.float32),
    ],
)
def _sc_degree(dst2, ones_h, z1d, out, dst_v, ones_v, acc_sh):
    cid = lax.axis_index("c")
    sid = lax.axis_index("s")
    wid = cid * NS + sid
    row0 = pl.multiple_of(sid * RPT, RPT)
    pltpu.sync_copy(z1d, acc_sh.at[pl.ds(row0, RPT)])
    pltpu.sync_copy(dst2.at[pl.ds(wid * CH, CH)], dst_v)
    pltpu.sync_copy(ones_h, ones_v)
    plsc.subcore_barrier()

    def body(j, carry):
        pltpu.sync_copy(ones_v, acc_sh.at[dst_v.at[j]], add=True)
        return carry

    lax.fori_loop(0, CH, body, 0)
    plsc.subcore_barrier()
    pltpu.sync_copy(acc_sh.at[pl.ds(row0, RPT)], out.at[cid, pl.ds(row0, RPT)])


@functools.partial(
    pl.kernel,
    out_type=jax.ShapeDtypeStruct((NC, NP, D), jnp.float32),
    mesh=_MESH,
    scratch_types=[
        pltpu.VMEM((CH, K), jnp.int32),
        pltpu.VMEM((CH // 2, K), jnp.int32),
        pltpu.VMEM((2, 2, K), jnp.int32),
        pltpu.VMEM((2, K, D), jnp.float32),
        pltpu.VMEM_SHARED((NP, D), jnp.float32),
        pltpu.SemaphoreType.DMA,
        pltpu.SemaphoreType.DMA,
    ],
)
def _sc_aggregate(table, src2, dstp, zblk, out, src_v, dstp_v, dstu_v, rows_v,
                  acc_sh, gsem0, gsem1):
    cid = lax.axis_index("c")
    sid = lax.axis_index("s")
    wid = cid * NS + sid
    row0 = pl.multiple_of(sid * RPT, RPT)
    pltpu.sync_copy(zblk, acc_sh.at[pl.ds(row0, RPT)])
    pltpu.sync_copy(src2.at[pl.ds(pl.multiple_of(wid * CH, CH), CH)], src_v)
    pltpu.sync_copy(
        dstp.at[pl.ds(pl.multiple_of(wid * (CH // 2), CH // 2), CH // 2)],
        dstp_v)
    plsc.subcore_barrier()

    gsems = (gsem0, gsem1)

    def unpack_pair(q, par):
        for g in range(8):
            v = dstp_v[q, pl.ds(16 * g, 16)]
            lo = lax.bitwise_and(v, jnp.int32(0xFFFF))
            hi = lax.shift_right_logical(v, jnp.int32(16))
            dstu_v[par, g // 4, pl.ds((32 * g) % K, 16)] = lo
            dstu_v[par, g // 4, pl.ds((32 * g + 16) % K, 16)] = hi

    unpack_pair(0, 0)
    pltpu.async_copy(table.at[src_v.at[0]], rows_v.at[0], gsems[0])

    def body(sb, carry):
        for p in range(2):
            q = 2 * sb + p

            @pl.when(q + 1 < CH // 2)
            def _unpack_next():
                unpack_pair(q + 1, 1 - p)

            for b in range(2):
                j = 2 * q + b
                pltpu.make_async_copy(
                    table.at[src_v.at[j]], rows_v.at[b], gsems[b]).wait()

                @pl.when(j + 1 < CH)
                def _fire():
                    pltpu.async_copy(table.at[src_v.at[j + 1]],
                                     rows_v.at[1 - b], gsems[1 - b])

                pltpu.sync_copy(rows_v.at[b], acc_sh.at[dstu_v.at[p, b]],
                                add=True)
        return carry

    lax.fori_loop(0, CH // 4, body, 0)
    plsc.subcore_barrier()
    pltpu.sync_copy(acc_sh.at[pl.ds(row0, RPT)], out.at[cid, pl.ds(row0, RPT)])



_R = 2048


def _dinv_of(deg_ref):
    deg = deg_ref[:, 0:1] + deg_ref[:, 1:2] + 1.0
    return jnp.where(deg > 0, lax.rsqrt(deg), 0.0)


def _tc1_body(x_ref, w_ref, deg_ref, out_ref):
    dinv = _dinv_of(deg_ref)
    h = jnp.dot(x_ref[...], w_ref[...], preferred_element_type=jnp.float32)
    out_ref[...] = h * dinv


def _tc1(x_pad, W1, deg_t):
    return pl.pallas_call(
        _tc1_body,
        grid=(NP // _R,),
        in_specs=[
            pl.BlockSpec((_R, D), lambda i: (i, 0)),
            pl.BlockSpec((D, D), lambda i: (0, 0)),
            pl.BlockSpec((_R, NC), lambda i: (i, 0)),
        ],
        out_specs=pl.BlockSpec((_R, D), lambda i: (i, 0)),
        out_shape=jax.ShapeDtypeStruct((NP, D), jnp.float32),
    )(x_pad, W1, deg_t)


def _tc2_body(accp_ref, t1_ref, deg_ref, w_ref, b_ref, out_ref):
    dinv = _dinv_of(deg_ref)
    acc = accp_ref[0] + accp_ref[1]
    o1 = dinv * (acc + t1_ref[...]) + b_ref[...]
    g = jnp.maximum(o1, 0.0)
    h2 = jnp.dot(g, w_ref[...], preferred_element_type=jnp.float32)
    out_ref[...] = h2 * dinv


def _tc2(acc1, table1, deg_t, W2, b1):
    return pl.pallas_call(
        _tc2_body,
        grid=(NP // _R,),
        in_specs=[
            pl.BlockSpec((NC, _R, D), lambda i: (0, i, 0)),
            pl.BlockSpec((_R, D), lambda i: (i, 0)),
            pl.BlockSpec((_R, NC), lambda i: (i, 0)),
            pl.BlockSpec((D, D), lambda i: (0, 0)),
            pl.BlockSpec((1, D), lambda i: (0, 0)),
        ],
        out_specs=pl.BlockSpec((_R, D), lambda i: (i, 0)),
        out_shape=jax.ShapeDtypeStruct((NP, D), jnp.float32),
    )(acc1, table1, deg_t, W2, b1)


def _tc3_body(accp_ref, t2_ref, deg_ref, b_ref, out_ref):
    dinv = _dinv_of(deg_ref)
    acc = accp_ref[0] + accp_ref[1]
    out_ref[...] = dinv * (acc + t2_ref[...]) + b_ref[...]


def _tc3(acc2, table2, deg_t, b2):
    return pl.pallas_call(
        _tc3_body,
        grid=(NP // _R,),
        in_specs=[
            pl.BlockSpec((NC, _R, D), lambda i: (0, i, 0)),
            pl.BlockSpec((_R, D), lambda i: (i, 0)),
            pl.BlockSpec((_R, NC), lambda i: (i, 0)),
            pl.BlockSpec((1, D), lambda i: (0, 0)),
        ],
        out_specs=pl.BlockSpec((_R, D), lambda i: (i, 0)),
        out_shape=jax.ShapeDtypeStruct((NP, D), jnp.float32),
    )(acc2, table2, deg_t, b2)



def kernel(x, edge_index, W1, b1, W2, b2):
    pad = EP - E
    padv = jnp.full((pad,), N, dtype=jnp.int32)
    src2 = jnp.concatenate([edge_index[0], padv]).reshape(TOTCH, K)
    dflat = jnp.concatenate([edge_index[1], padv])
    dst2 = dflat.reshape(TOTCH, K)
    dr = dflat.reshape(EP // 32, 2, 16)
    dstp = jnp.bitwise_or(dr[:, 0, :],
                          jnp.left_shift(dr[:, 1, :], 16)).reshape(
                              TOTCH // 2, K)
    x_pad = jnp.concatenate(
        [x, jnp.zeros((NP - N, D), dtype=jnp.float32)], axis=0)
    zblk = jnp.zeros((RPT, D), dtype=jnp.float32)
    z1d = jnp.zeros((RPT,), dtype=jnp.float32)
    ones_h = jnp.ones((K,), dtype=jnp.float32)

    degp = _sc_degree(dst2, ones_h, z1d)
    deg_t = degp.T

    table1 = _tc1(x_pad, W1, deg_t)
    acc1 = _sc_aggregate(table1, src2, dstp, zblk)
    table2 = _tc2(acc1, table1, deg_t, W2, b1.reshape(1, D))
    acc2 = _sc_aggregate(table2, src2, dstp, zblk)
    out = _tc3(acc2, table2, deg_t, b2.reshape(1, D))
    return out[:N]

# --- scband reference (transcript-rebuilt; emitter-appended) ---
"""Pipeline reference for scband-basic-network-75230647157379 (READ-ONLY COPY).

The authoritative reference and input builder live on the scoring server;
editing this copy changes nothing except your own understanding.
"""

import jax, jax.numpy as jnp
import numpy as np

N = 10000
E = 320000
D_IN = 128
D_HID = 128
D_OUT = 128


def setup_inputs(seed: int = 0) -> dict:
    key = jax.random.key(seed)
    k1, k2, k3, k4, k5, k6 = jax.random.split(key, 6)
    x = jax.random.normal(k1, (N, D_IN), dtype=jnp.float32)
    edge_index = jax.random.randint(k2, (2, E), 0, N, dtype=jnp.int32)
    # GCNConv linear weights (PyG lin.weight is [out,in]; we store [in,out] and do x @ W)
    s1 = 1.0 / np.sqrt(D_IN)
    s2 = 1.0 / np.sqrt(D_HID)
    W1 = jax.random.uniform(k3, (D_IN, D_HID), dtype=jnp.float32, minval=-s1, maxval=s1)
    b1 = jnp.zeros((D_HID,), dtype=jnp.float32)
    W2 = jax.random.uniform(k4, (D_HID, D_OUT), dtype=jnp.float32, minval=-s2, maxval=s2)
    b2 = jnp.zeros((D_OUT,), dtype=jnp.float32)
    return {"x": x, "edge_index": edge_index, "W1": W1, "b1": b1, "W2": W2, "b2": b2}


def _gcn_conv(x, edge_index, W, b):
    # PyG GCNConv with add_self_loops=True, normalize=True (defaults)
    src = edge_index[0]
    dst = edge_index[1]
    loop = jnp.arange(N, dtype=src.dtype)
    src = jnp.concatenate([src, loop])
    dst = jnp.concatenate([dst, loop])
    ones = jnp.ones(dst.shape[0], dtype=jnp.float32)
    deg = jax.ops.segment_sum(ones, dst, num_segments=N)
    dinv = jnp.where(deg > 0, jax.lax.rsqrt(deg), 0.0)
    norm = dinv[src] * dinv[dst]
    h = x @ W
    msg = h[src] * norm[:, None]
    out = jax.ops.segment_sum(msg, dst, num_segments=N)
    return out + b


def reference(x, edge_index, W1, b1, W2, b2):
    # eval mode: dropout is identity
    h = _gcn_conv(x, edge_index, W1, b1)
    h = jax.nn.relu(h)
    out = _gcn_conv(h, edge_index, W2, b2)
    return out

if __name__ == "__main__":
    import jax
    _d = setup_inputs()
    print(jax.jit(kernel)(*tuple(_d.values())))

</pallas_src>

<mosaic_0001>
#map = affine_map<(d0, d1) -> (0, 0)>
#map1 = affine_map<(d0, d1) -> (0)>
module attributes {stable_mosaic.version = 14 : i64} {
  func.func @_sc_degree(%arg0: i32, %arg1: i32, %arg2: memref<2560x128xi32, #tpu.memory_space<hbm>>, %arg3: memref<128xf32, #tpu.memory_space<hbm>>, %arg4: memref<640xf32, #tpu.memory_space<hbm>>, %arg5: memref<2x10240xf32, #tpu.memory_space<hbm>>, %arg6: memref<80x128xi32, #tpu.memory_space<vmem>>, %arg7: memref<128xf32, #tpu.memory_space<vmem>>, %arg8: memref<10240xf32, #tpu.memory_space<vmem_shared>>) attributes {dimension_semantics = [#tpu.dimension_semantics<core_parallel>, #tpu.dimension_semantics<subcore_parallel>], iteration_bounds = array<i64: 2, 16>, scalar_prefetch = 0 : i64, scratch_operands = 3 : i64, tpu.core_type = #tpu.core_type<sc_vector_subcore>, window_params = [{transform_indices = #map}, {transform_indices = #map1}, {transform_indices = #map1}, {transform_indices = #map}]} {
    %mul3A = arith.constant 16 : i32
    %mul3A_0 = arith.muli %arg0, %mul3A : i32
    %add3A = arith.addi %mul3A_0, %arg1 : i32
    %mul3A_1 = arith.constant 640 : i32
    %mul3A_2 = arith.muli %arg1, %mul3A_1 : i32
    %multiple_of3A = tpu.assume_multiple %mul3A_2, 640 : i32
    "tpu.region"() ({
      %run_scoped3A = tpu.sem_alloc : memref<!tpu.dma_semaphore, #tpu.memory_space<semaphore_mem>>
      %dma_start3A = tpu.memref_slice %arg8[%multiple_of3A] : memref<10240xf32, #tpu.memory_space<vmem_shared>> -> memref<640xf32, #tpu.memory_space<vmem_shared>>
      tpu.enqueue_dma source(%arg4 : memref<640xf32, #tpu.memory_space<hbm>>) target(%dma_start3A : memref<640xf32, #tpu.memory_space<vmem_shared>>) target_semaphore(%run_scoped3A : memref<!tpu.dma_semaphore, #tpu.memory_space<semaphore_mem>>)
      %dma_wait3A = tpu.memref_slice %arg8[%multiple_of3A] : memref<10240xf32, #tpu.memory_space<vmem_shared>> -> memref<640xf32, #tpu.memory_space<vmem_shared>>
      tpu.wait_dma2 semaphore(%run_scoped3A : memref<!tpu.dma_semaphore, #tpu.memory_space<semaphore_mem>>) src(%arg4 : memref<640xf32, #tpu.memory_space<hbm>>) dst(%dma_wait3A : memref<640xf32, #tpu.memory_space<vmem_shared>>)
      tpu.yield
    }) : () -> ()
    %mul3A_3 = arith.constant 80 : i32
    %mul3A_4 = arith.muli %add3A, %mul3A_3 : i32
    "tpu.region"() ({
      %run_scoped3A = tpu.sem_alloc : memref<!tpu.dma_semaphore, #tpu.memory_space<semaphore_mem>>
      %dma_start3A = arith.constant 0 : i32
      %dma_start3A_11 = tpu.memref_slice %arg2[%mul3A_4, %dma_start3A] : memref<2560x128xi32, #tpu.memory_space<hbm>> -> memref<80x128xi32, #tpu.memory_space<hbm>>
      %dma_start3A_12 = arith.constant 0 : i32
      %dma_start3A_13 = tpu.memref_slice %arg2[%mul3A_4, %dma_start3A_12] : memref<2560x128xi32, #tpu.memory_space<hbm>> -> memref<80x128xi32, #tpu.memory_space<hbm>>
      tpu.enqueue_dma source(%dma_start3A_13 : memref<80x128xi32, #tpu.memory_space<hbm>>) target(%arg6 : memref<80x128xi32, #tpu.memory_space<vmem>>) target_semaphore(%run_scoped3A : memref<!tpu.dma_semaphore, #tpu.memory_space<semaphore_mem>>)
      %dma_wait3A = arith.constant 0 : i32
      %dma_wait3A_14 = tpu.memref_slice %arg2[%mul3A_4, %dma_wait3A] : memref<2560x128xi32, #tpu.memory_space<hbm>> -> memref<80x128xi32, #tpu.memory_space<hbm>>
      %dma_wait3A_15 = arith.constant 0 : i32
      %dma_wait3A_16 = tpu.memref_slice %arg2[%mul3A_4, %dma_wait3A_15] : memref<2560x128xi32, #tpu.memory_space<hbm>> -> memref<80x128xi32, #tpu.memory_space<hbm>>
      tpu.wait_dma2 semaphore(%run_scoped3A : memref<!tpu.dma_semaphore, #tpu.memory_space<semaphore_mem>>) src(%dma_wait3A_16 : memref<80x128xi32, #tpu.memory_space<hbm>>) dst(%arg6 : memref<80x128xi32, #tpu.memory_space<vmem>>)
      tpu.yield
    }) : () -> ()
    "tpu.region"() ({
      %run_scoped3A = tpu.sem_alloc : memref<!tpu.dma_semaphore, #tpu.memory_space<semaphore_mem>>
      tpu.enqueue_dma source(%arg3 : memref<128xf32, #tpu.memory_space<hbm>>) target(%arg7 : memref<128xf32, #tpu.memory_space<vmem>>) target_semaphore(%run_scoped3A : memref<!tpu.dma_semaphore, #tpu.memory_space<semaphore_mem>>)
      tpu.wait_dma2 semaphore(%run_scoped3A : memref<!tpu.dma_semaphore, #tpu.memory_space<semaphore_mem>>) src(%arg3 : memref<128xf32, #tpu.memory_space<hbm>>) dst(%arg7 : memref<128xf32, #tpu.memory_space<vmem>>)
      tpu.yield
    }) : () -> ()
    %barrier3A = arith.constant 0 : index
    tpu.barrier barrier_id(%barrier3A)
    %scan3A = arith.constant 0 : i32
    %scan3A_5 = arith.constant 0 : i32
    %scan3A_6 = arith.constant 80 : i32
    %scan3A_7 = arith.addi %scan3A_5, %scan3A_6 : i32
    %scan3A_8 = arith.constant 1 : i32
    scf.for %scan3A_11 = %scan3A_5 to %scan3A_7 step %scan3A_8  : i32 {
      "tpu.region"() ({
        %run_scoped3A = tpu.sem_alloc : memref<!tpu.dma_semaphore, #tpu.memory_space<semaphore_mem>>
        %dma_start3A = arith.constant 0 : i32
        %dma_start3A_12 = tpu.memref_slice %arg6[%scan3A_11, %dma_start3A] : memref<80x128xi32, #tpu.memory_space<vmem>> -> memref<1x128xi32, #tpu.memory_space<vmem>>
        %dma_start3A_13 = tpu.memref_squeeze %dma_start3A_12 : memref<1x128xi32, #tpu.memory_space<vmem>> -> memref<128xi32, #tpu.memory_space<vmem>>
        %dma_start3A_14 = arith.constant 0 : i32
        %dma_start3A_15 = tpu.memref_slice %arg8[%dma_start3A_14] : memref<10240xf32, #tpu.memory_space<vmem_shared>> -> memref<10240xf32, #tpu.memory_space<vmem_shared>>
        tpu.enqueue_indirect_dma source(%arg7 : memref<128xf32, #tpu.memory_space<vmem>>) target(%dma_start3A_15 : memref<10240xf32, #tpu.memory_space<vmem_shared>>) offsets(%dma_start3A_13 : memref<128xi32, #tpu.memory_space<vmem>>) semaphore(%run_scoped3A : memref<!tpu.dma_semaphore, #tpu.memory_space<semaphore_mem>>) {add = true}
        %dma_wait3A = arith.constant 0 : i32
        %dma_wait3A_16 = tpu.memref_slice %arg6[%scan3A_11, %dma_wait3A] : memref<80x128xi32, #tpu.memory_space<vmem>> -> memref<1x128xi32, #tpu.memory_space<vmem>>
        %dma_wait3A_17 = tpu.memref_squeeze %dma_wait3A_16 : memref<1x128xi32, #tpu.memory_space<vmem>> -> memref<128xi32, #tpu.memory_space<vmem>>
        %dma_wait3A_18 = arith.constant 0 : i32
        %dma_wait3A_19 = tpu.memref_slice %arg8[%dma_wait3A_18] : memref<10240xf32, #tpu.memory_space<vmem_shared>> -> memref<10240xf32, #tpu.memory_space<vmem_shared>>
        tpu.wait_indirect_dma semaphore(%run_scoped3A : memref<!tpu.dma_semaphore, #tpu.memory_space<semaphore_mem>>) src(%arg7 : memref<128xf32, #tpu.memory_space<vmem>>) dst(%dma_wait3A_19 : memref<10240xf32, #tpu.memory_space<vmem_shared>>)
        tpu.yield
      }) : () -> ()
    }
    %scan3A_9 = arith.constant 80 : i32
    %barrier3A_10 = arith.constant 0 : index
    tpu.barrier barrier_id(%barrier3A_10)
    "tpu.region"() ({
      %run_scoped3A = tpu.sem_alloc : memref<!tpu.dma_semaphore, #tpu.memory_space<semaphore_mem>>
      %dma_start3A = tpu.memref_slice %arg5[%arg0, %multiple_of3A] : memref<2x10240xf32, #tpu.memory_space<hbm>> -> memref<1x640xf32, #tpu.memory_space<hbm>>
      %dma_start3A_11 = tpu.memref_squeeze %dma_start3A : memref<1x640xf32, #tpu.memory_space<hbm>> -> memref<640xf32, #tpu.memory_space<hbm>>
      %dma_start3A_12 = tpu.memref_slice %arg8[%multiple_of3A] : memref<10240xf32, #tpu.memory_space<vmem_shared>> -> memref<640xf32, #tpu.memory_space<vmem_shared>>
      tpu.enqueue_dma source(%dma_start3A_12 : memref<640xf32, #tpu.memory_space<vmem_shared>>) target(%dma_start3A_11 : memref<640xf32, #tpu.memory_space<hbm>>) target_semaphore(%run_scoped3A : memref<!tpu.dma_semaphore, #tpu.memory_space<semaphore_mem>>)
      %dma_wait3A = tpu.memref_slice %arg5[%arg0, %multiple_of3A] : memref<2x10240xf32, #tpu.memory_space<hbm>> -> memref<1x640xf32, #tpu.memory_space<hbm>>
      %dma_wait3A_13 = tpu.memref_squeeze %dma_wait3A : memref<1x640xf32, #tpu.memory_space<hbm>> -> memref<640xf32, #tpu.memory_space<hbm>>
      %dma_wait3A_14 = tpu.memref_slice %arg8[%multiple_of3A] : memref<10240xf32, #tpu.memory_space<vmem_shared>> -> memref<640xf32, #tpu.memory_space<vmem_shared>>
      tpu.wait_dma2 semaphore(%run_scoped3A : memref<!tpu.dma_semaphore, #tpu.memory_space<semaphore_mem>>) src(%dma_wait3A_14 : memref<640xf32, #tpu.memory_space<vmem_shared>>) dst(%dma_wait3A_13 : memref<640xf32, #tpu.memory_space<hbm>>)
      tpu.yield
    }) : () -> ()
    return
  }
}

#map = affine_map<(d0, d1) -> (0, 0)>
#map1 = affine_map<(d0, d1) -> (0, 0, 0)>
module attributes {stable_mosaic.version = 14 : i64} {
  func.func @_sc_aggregate(%arg0: i32, %arg1: i32, %arg2: memref<10240x128xf32, #tpu.memory_space<hbm>>, %arg3: memref<2560x128xi32, #tpu.memory_space<hbm>>, %arg4: memref<1280x128xi32, #tpu.memory_space<hbm>>, %arg5: memref<640x128xf32, #tpu.memory_space<hbm>>, %arg6: memref<2x10240x128xf32, #tpu.memory_space<hbm>>, %arg7: memref<80x128xi32, #tpu.memory_space<vmem>>, %arg8: memref<40x128xi32, #tpu.memory_space<vmem>>, %arg9: memref<2x2x128xi32, #tpu.memory_space<vmem>>, %arg10: memref<2x128x128xf32, #tpu.memory_space<vmem>>, %arg11: memref<10240x128xf32, #tpu.memory_space<vmem_shared>>, %arg12: memref<!tpu.dma_semaphore, #tpu.memory_space<semaphore_mem>>, %arg13: memref<!tpu.dma_semaphore, #tpu.memory_space<semaphore_mem>>) attributes {dimension_semantics = [#tpu.dimension_semantics<core_parallel>, #tpu.dimension_semantics<subcore_parallel>], iteration_bounds = array<i64: 2, 16>, scalar_prefetch = 0 : i64, scratch_operands = 7 : i64, tpu.core_type = #tpu.core_type<sc_vector_subcore>, window_params = [{transform_indices = #map}, {transform_indices = #map}, {transform_indices = #map}, {transform_indices = #map}, {transform_indices = #map1}]} {
    %mul3A = arith.constant 16 : i32
    %mul3A_0 = arith.muli %arg0, %mul3A : i32
    %add3A = arith.addi %mul3A_0, %arg1 : i32
    %mul3A_1 = arith.constant 640 : i32
    %mul3A_2 = arith.muli %arg1, %mul3A_1 : i32
    %multiple_of3A = tpu.assume_multiple %mul3A_2, 640 : i32
    "tpu.region"() ({
      %run_scoped3A = tpu.sem_alloc : memref<!tpu.dma_semaphore, #tpu.memory_space<semaphore_mem>>
      %dma_start3A_238 = arith.constant 0 : i32
      %dma_start3A_239 = tpu.memref_slice %arg11[%multiple_of3A, %dma_start3A_238] : memref<10240x128xf32, #tpu.memory_space<vmem_shared>> -> memref<640x128xf32, #tpu.memory_space<vmem_shared>>
      tpu.enqueue_dma source(%arg5 : memref<640x128xf32, #tpu.memory_space<hbm>>) target(%dma_start3A_239 : memref<640x128xf32, #tpu.memory_space<vmem_shared>>) target_semaphore(%run_scoped3A : memref<!tpu.dma_semaphore, #tpu.memory_space<semaphore_mem>>)
      %dma_wait3A = arith.constant 0 : i32
      %dma_wait3A_240 = tpu.memref_slice %arg11[%multiple_of3A, %dma_wait3A] : memref<10240x128xf32, #tpu.memory_space<vmem_shared>> -> memref<640x128xf32, #tpu.memory_space<vmem_shared>>
      tpu.wait_dma2 semaphore(%run_scoped3A : memref<!tpu.dma_semaphore, #tpu.memory_space<semaphore_mem>>) src(%arg5 : memref<640x128xf32, #tpu.memory_space<hbm>>) dst(%dma_wait3A_240 : memref<640x128xf32, #tpu.memory_space<vmem_shared>>)
      tpu.yield
    }) : () -> ()
    %mul3A_3 = arith.constant 80 : i32
    %mul3A_4 = arith.muli %add3A, %mul3A_3 : i32
    %multiple_of3A_5 = tpu.assume_multiple %mul3A_4, 80 : i32
    "tpu.region"() ({
      %run_scoped3A = tpu.sem_alloc : memref<!tpu.dma_semaphore, #tpu.memory_space<semaphore_mem>>
      %dma_start3A_238 = arith.constant 0 : i32
      %dma_start3A_239 = tpu.memref_slice %arg3[%multiple_of3A_5, %dma_start3A_238] : memref<2560x128xi32, #tpu.memory_space<hbm>> -> memref<80x128xi32, #tpu.memory_space<hbm>>
      %dma_start3A_240 = arith.constant 0 : i32
      %dma_start3A_241 = tpu.memref_slice %arg3[%multiple_of3A_5, %dma_start3A_240] : memref<2560x128xi32, #tpu.memory_space<hbm>> -> memref<80x128xi32, #tpu.memory_space<hbm>>
      tpu.enqueue_dma source(%dma_start3A_241 : memref<80x128xi32, #tpu.memory_space<hbm>>) target(%arg7 : memref<80x128xi32, #tpu.memory_space<vmem>>) target_semaphore(%run_scoped3A : memref<!tpu.dma_semaphore, #tpu.memory_space<semaphore_mem>>)
      %dma_wait3A = arith.constant 0 : i32
      %dma_wait3A_242 = tpu.memref_slice %arg3[%multiple_of3A_5, %dma_wait3A] : memref<2560x128xi32, #tpu.memory_space<hbm>> -> memref<80x128xi32, #tpu.memory_space<hbm>>
      %dma_wait3A_243 = arith.constant 0 : i32
      %dma_wait3A_244 = tpu.memref_slice %arg3[%multiple_of3A_5, %dma_wait3A_243] : memref<2560x128xi32, #tpu.memory_space<hbm>> -> memref<80x128xi32, #tpu.memory_space<hbm>>
      tpu.wait_dma2 semaphore(%run_scoped3A : memref<!tpu.dma_semaphore, #tpu.memory_space<semaphore_mem>>) src(%dma_wait3A_244 : memref<80x128xi32, #tpu.memory_space<hbm>>) dst(%arg7 : memref<80x128xi32, #tpu.memory_space<vmem>>)
      tpu.yield
    }) : () -> ()
    %mul3A_6 = arith.constant 40 : i32
    %mul3A_7 = arith.muli %add3A, %mul3A_6 : i32
    %multiple_of3A_8 = tpu.assume_multiple %mul3A_7, 40 : i32
    "tpu.region"() ({
      %run_scoped3A = tpu.sem_alloc : memref<!tpu.dma_semaphore, #tpu.memory_space<semaphore_mem>>
      %dma_start3A_238 = arith.constant 0 : i32
      %dma_start3A_239 = tpu.memref_slice %arg4[%multiple_of3A_8, %dma_start3A_238] : memref<1280x128xi32, #tpu.memory_space<hbm>> -> memref<40x128xi32, #tpu.memory_space<hbm>>
      %dma_start3A_240 = arith.constant 0 : i32
      %dma_start3A_241 = tpu.memref_slice %arg4[%multiple_of3A_8, %dma_start3A_240] : memref<1280x128xi32, #tpu.memory_space<hbm>> -> memref<40x128xi32, #tpu.memory_space<hbm>>
      tpu.enqueue_dma source(%dma_start3A_241 : memref<40x128xi32, #tpu.memory_space<hbm>>) target(%arg8 : memref<40x128xi32, #tpu.memory_space<vmem>>) target_semaphore(%run_scoped3A : memref<!tpu.dma_semaphore, #tpu.memory_space<semaphore_mem>>)
      %dma_wait3A = arith.constant 0 : i32
      %dma_wait3A_242 = tpu.memref_slice %arg4[%multiple_of3A_8, %dma_wait3A] : memref<1280x128xi32, #tpu.memory_space<hbm>> -> memref<40x128xi32, #tpu.memory_space<hbm>>
      %dma_wait3A_243 = arith.constant 0 : i32
      %dma_wait3A_244 = tpu.memref_slice %arg4[%multiple_of3A_8, %dma_wait3A_243] : memref<1280x128xi32, #tpu.memory_space<hbm>> -> memref<40x128xi32, #tpu.memory_space<hbm>>
      tpu.wait_dma2 semaphore(%run_scoped3A : memref<!tpu.dma_semaphore, #tpu.memory_space<semaphore_mem>>) src(%dma_wait3A_244 : memref<40x128xi32, #tpu.memory_space<hbm>>) dst(%arg8 : memref<40x128xi32, #tpu.memory_space<vmem>>)
      tpu.yield
    }) : () -> ()
    %barrier3A = arith.constant 0 : index
    tpu.barrier barrier_id(%barrier3A)
    %get3A = arith.constant 0 : i32
    %get3A_9 = arith.index_cast %get3A : i32 to index
    %get3A_10 = arith.constant 0 : index
    %get3A_11 = tpu.vector_load %arg8[%get3A_9, %get3A_10] {strides = array<i32>} : memref<40x128xi32, #tpu.memory_space<vmem>>, vector<1x16xi32>,
    %get3A_12 = vector.shape_cast %get3A_11 : vector<1x16xi32> to vector<16xi32>
    %and3A = arith.constant 65535 : i32
    %and3A_13 = vector.broadcast %and3A : i32 to vector<16xi32>
    %and3A_14 = arith.andi %get3A_12, %and3A_13 : vector<16xi32>
    %shift_right_logical3A = arith.constant 16 : i32
    %shift_right_logical3A_15 = vector.broadcast %shift_right_logical3A : i32 to vector<16xi32>
    %shift_right_logical3A_16 = arith.shrui %get3A_12, %shift_right_logical3A_15 : vector<16xi32>
    %swap3A = arith.constant 0 : i32
    %swap3A_17 = arith.constant 0 : i32
    %swap3A_18 = arith.index_cast %swap3A : i32 to index
    %swap3A_19 = arith.index_cast %swap3A_17 : i32 to index
    %swap3A_20 = arith.constant 0 : index
    %swap3A_21 = tpu.vector_load %arg9[%swap3A_18, %swap3A_19, %swap3A_20] {strides = array<i32>} : memref<2x2x128xi32, #tpu.memory_space<vmem>>, vector<1x1x16xi32>,
    %swap3A_22 = vector.shape_cast %swap3A_21 : vector<1x1x16xi32> to vector<16xi32>
    %swap3A_23 = vector.shape_cast %and3A_14 : vector<16xi32> to vector<1x1x16xi32>
    tpu.vector_store %arg9[%swap3A_18, %swap3A_19, %swap3A_20], %swap3A_23 {strides = array<i32>} : memref<2x2x128xi32, #tpu.memory_space<vmem>>, vector<1x1x16xi32>,
    %swap3A_24 = arith.constant 0 : i32
    %swap3A_25 = arith.constant 0 : i32
    %swap3A_26 = arith.index_cast %swap3A_24 : i32 to index
    %swap3A_27 = arith.index_cast %swap3A_25 : i32 to index
    %swap3A_28 = arith.constant 16 : index
    %swap3A_29 = tpu.vector_load %arg9[%swap3A_26, %swap3A_27, %swap3A_28] {strides = array<i32>} : memref<2x2x128xi32, #tpu.memory_space<vmem>>, vector<1x1x16xi32>,
    %swap3A_30 = vector.shape_cast %swap3A_29 : vector<1x1x16xi32> to vector<16xi32>
    %swap3A_31 = vector.shape_cast %shift_right_logical3A_16 : vector<16xi32> to vector<1x1x16xi32>
    tpu.vector_store %arg9[%swap3A_26, %swap3A_27, %swap3A_28], %swap3A_31 {strides = array<i32>} : memref<2x2x128xi32, #tpu.memory_space<vmem>>, vector<1x1x16xi32>,
    %get3A_32 = arith.constant 0 : i32
    %get3A_33 = arith.index_cast %get3A_32 : i32 to index
    %get3A_34 = arith.constant 16 : index
    %get3A_35 = tpu.vector_load %arg8[%get3A_33, %get3A_34] {strides = array<i32>} : memref<40x128xi32, #tpu.memory_space<vmem>>, vector<1x16xi32>,
    %get3A_36 = vector.shape_cast %get3A_35 : vector<1x16xi32> to vector<16xi32>
    %and3A_37 = arith.constant 65535 : i32
    %and3A_38 = vector.broadcast %and3A_37 : i32 to vector<16xi32>
    %and3A_39 = arith.andi %get3A_36, %and3A_38 : vector<16xi32>
    %shift_right_logical3A_40 = arith.constant 16 : i32
    %shift_right_logical3A_41 = vector.broadcast %shift_right_logical3A_40 : i32 to vector<16xi32>
    %shift_right_logical3A_42 = arith.shrui %get3A_36, %shift_right_logical3A_41 : vector<16xi32>
    %swap3A_43 = arith.constant 0 : i32
    %swap3A_44 = arith.constant 0 : i32
    %swap3A_45 = arith.index_cast %swap3A_43 : i32 to index
    %swap3A_46 = arith.index_cast %swap3A_44 : i32 to index
    %swap3A_47 = arith.constant 32 : index
    %swap3A_48 = tpu.vector_load %arg9[%swap3A_45, %swap3A_46, %swap3A_47] {strides = array<i32>} : memref<2x2x128xi32, #tpu.memory_space<vmem>>, vector<1x1x16xi32>,
    %swap3A_49 = vector.shape_cast %swap3A_48 : vector<1x1x16xi32> to vector<16xi32>
    %swap3A_50 = vector.shape_cast %and3A_39 : vector<16xi32> to vector<1x1x16xi32>
    tpu.vector_store %arg9[%swap3A_45, %swap3A_46, %swap3A_47], %swap3A_50 {strides = array<i32>} : memref<2x2x128xi32, #tpu.memory_space<vmem>>, vector<1x1x16xi32>,
    %swap3A_51 = arith.constant 0 : i32
    %swap3A_52 = arith.constant 0 : i32
    %swap3A_53 = arith.index_cast %swap3A_51 : i32 to index
    %swap3A_54 = arith.index_cast %swap3A_52 : i32 to index
    %swap3A_55 = arith.constant 48 : index
    %swap3A_56 = tpu.vector_load %arg9[%swap3A_53, %swap3A_54, %swap3A_55] {strides = array<i32>} : memref<2x2x128xi32, #tpu.memory_space<vmem>>, vector<1x1x16xi32>,
    %swap3A_57 = vector.shape_cast %swap3A_56 : vector<1x1x16xi32> to vector<16xi32>
    %swap3A_58 = vector.shape_cast %shift_right_logical3A_42 : vector<16xi32> to vector<1x1x16xi32>
    tpu.vector_store %arg9[%swap3A_53, %swap3A_54, %swap3A_55], %swap3A_58 {strides = array<i32>} : memref<2x2x128xi32, #tpu.memory_space<vmem>>, vector<1x1x16xi32>,
    %get3A_59 = arith.constant 0 : i32
    %get3A_60 = arith.index_cast %get3A_59 : i32 to index
    %get3A_61 = arith.constant 32 : index
    %get3A_62 = tpu.vector_load %arg8[%get3A_60, %get3A_61] {strides = array<i32>} : memref<40x128xi32, #tpu.memory_space<vmem>>, vector<1x16xi32>,
    %get3A_63 = vector.shape_cast %get3A_62 : vector<1x16xi32> to vector<16xi32>
    %and3A_64 = arith.constant 65535 : i32
    %and3A_65 = vector.broadcast %and3A_64 : i32 to vector<16xi32>
    %and3A_66 = arith.andi %get3A_63, %and3A_65 : vector<16xi32>
    %shift_right_logical3A_67 = arith.constant 16 : i32
    %shift_right_logical3A_68 = vector.broadcast %shift_right_logical3A_67 : i32 to vector<16xi32>
    %shift_right_logical3A_69 = arith.shrui %get3A_63, %shift_right_logical3A_68 : vector<16xi32>
    %swap3A_70 = arith.constant 0 : i32
    %swap3A_71 = arith.constant 0 : i32
    %swap3A_72 = arith.index_cast %swap3A_70 : i32 to index
    %swap3A_73 = arith.index_cast %swap3A_71 : i32 to index
    %swap3A_74 = arith.constant 64 : index
    %swap3A_75 = tpu.vector_load %arg9[%swap3A_72, %swap3A_73, %swap3A_74] {strides = array<i32>} : memref<2x2x128xi32, #tpu.memory_space<vmem>>, vector<1x1x16xi32>,
    %swap3A_76 = vector.shape_cast %swap3A_75 : vector<1x1x16xi32> to vector<16xi32>
    %swap3A_77 = vector.shape_cast %and3A_66 : vector<16xi32> to vector<1x1x16xi32>
    tpu.vector_store %arg9[%swap3A_72, %swap3A_73, %swap3A_74], %swap3A_77 {strides = array<i32>} : memref<2x2x128xi32, #tpu.memory_space<vmem>>, vector<1x1x16xi32>,
    %swap3A_78 = arith.constant 0 : i32
    %swap3A_79 = arith.constant 0 : i32
    %swap3A_80 = arith.index_cast %swap3A_78 : i32 to index
    %swap3A_81 = arith.index_cast %swap3A_79 : i32 to index
    %swap3A_82 = arith.constant 80 : index
    %swap3A_83 = tpu.vector_load %arg9[%swap3A_80, %swap3A_81, %swap3A_82] {strides = array<i32>} : memref<2x2x128xi32, #tpu.memory_space<vmem>>, vector<1x1x16xi32>,
    %swap3A_84 = vector.shape_cast %swap3A_83 : vector<1x1x16xi32> to vector<16xi32>
    %swap3A_85 = vector.shape_cast %shift_right_logical3A_69 : vector<16xi32> to vector<1x1x16xi32>
    tpu.vector_store %arg9[%swap3A_80, %swap3A_81, %swap3A_82], %swap3A_85 {strides = array<i32>} : memref<2x2x128xi32, #tpu.memory_space<vmem>>, vector<1x1x16xi32>,
    %get3A_86 = arith.constant 0 : i32
    %get3A_87 = arith.index_cast %get3A_86 : i32 to index
    %get3A_88 = arith.constant 48 : index
    %get3A_89 = tpu.vector_load %arg8[%get3A_87, %get3A_88] {strides = array<i32>} : memref<40x128xi32, #tpu.memory_space<vmem>>, vector<1x16xi32>,
    %get3A_90 = vector.shape_cast %get3A_89 : vector<1x16xi32> to vector<16xi32>
    %and3A_91 = arith.constant 65535 : i32
    %and3A_92 = vector.broadcast %and3A_91 : i32 to vector<16xi32>
    %and3A_93 = arith.andi %get3A_90, %and3A_92 : vector<16xi32>
    %shift_right_logical3A_94 = arith.constant 16 : i32
    %shift_right_logical3A_95 = vector.broadcast %shift_right_logical3A_94 : i32 to vector<16xi32>
    %shift_right_logical3A_96 = arith.shrui %get3A_90, %shift_right_logical3A_95 : vector<16xi32>
    %swap3A_97 = arith.constant 0 : i32
    %swap3A_98 = arith.constant 0 : i32
    %swap3A_99 = arith.index_cast %swap3A_97 : i32 to index
    %swap3A_100 = arith.index_cast %swap3A_98 : i32 to index
    %swap3A_101 = arith.constant 96 : index
    %swap3A_102 = tpu.vector_load %arg9[%swap3A_99, %swap3A_100, %swap3A_101] {strides = array<i32>} : memref<2x2x128xi32, #tpu.memory_space<vmem>>, vector<1x1x16xi32>,
    %swap3A_103 = vector.shape_cast %swap3A_102 : vector<1x1x16xi32> to vector<16xi32>
    %swap3A_104 = vector.shape_cast %and3A_93 : vector<16xi32> to vector<1x1x16xi32>
    tpu.vector_store %arg9[%swap3A_99, %swap3A_100, %swap3A_101], %swap3A_104 {strides = array<i32>} : memref<2x2x128xi32, #tpu.memory_space<vmem>>, vector<1x1x16xi32>,
    %swap3A_105 = arith.constant 0 : i32
    %swap3A_106 = arith.constant 0 : i32
    %swap3A_107 = arith.index_cast %swap3A_105 : i32 to index
    %swap3A_108 = arith.index_cast %swap3A_106 : i32 to index
    %swap3A_109 = arith.constant 112 : index
    %swap3A_110 = tpu.vector_load %arg9[%swap3A_107, %swap3A_108, %swap3A_109] {strides = array<i32>} : memref<2x2x128xi32, #tpu.memory_space<vmem>>, vector<1x1x16xi32>,
    %swap3A_111 = vector.shape_cast %swap3A_110 : vector<1x1x16xi32> to vector<16xi32>
    %swap3A_112 = vector.shape_cast %shift_right_logical3A_96 : vector<16xi32> to vector<1x1x16xi32>
    tpu.vector_store %arg9[%swap3A_107, %swap3A_108, %swap3A_109], %swap3A_112 {strides = array<i32>} : memref<2x2x128xi32, #tpu.memory_space<vmem>>, vector<1x1x16xi32>,
    %get3A_113 = arith.constant 0 : i32
    %get3A_114 = arith.index_cast %get3A_113 : i32 to index
    %get3A_115 = arith.constant 64 : index
    %get3A_116 = tpu.vector_load %arg8[%get3A_114, %get3A_115] {strides = array<i32>} : memref<40x128xi32, #tpu.memory_space<vmem>>, vector<1x16xi32>,
    %get3A_117 = vector.shape_cast %get3A_116 : vector<1x16xi32> to vector<16xi32>
    %and3A_118 = arith.constant 65535 : i32
    %and3A_119 = vector.broadcast %and3A_118 : i32 to vector<16xi32>
    %and3A_120 = arith.andi %get3A_117, %and3A_119 : vector<16xi32>
    %shift_right_logical3A_121 = arith.constant 16 : i32
    %shift_right_logical3A_122 = vector.broadcast %shift_right_logical3A_121 : i32 to vector<16xi32>
    %shift_right_logical3A_123 = arith.shrui %get3A_117, %shift_right_logical3A_122 : vector<16xi32>
    %swap3A_124 = arith.constant 0 : i32
    %swap3A_125 = arith.constant 1 : i32
    %swap3A_126 = arith.index_cast %swap3A_124 : i32 to index
    %swap3A_127 = arith.index_cast %swap3A_125 : i32 to index
    %swap3A_128 = arith.constant 0 : index
    %swap3A_129 = tpu.vector_load %arg9[%swap3A_126, %swap3A_127, %swap3A_128] {strides = array<i32>} : memref<2x2x128xi32, #tpu.memory_space<vmem>>, vector<1x1x16xi32>,
    %swap3A_130 = vector.shape_cast %swap3A_129 : vector<1x1x16xi32> to vector<16xi32>
    %swap3A_131 = vector.shape_cast %and3A_120 : vector<16xi32> to vector<1x1x16xi32>
    tpu.vector_store %arg9[%swap3A_126, %swap3A_127, %swap3A_128], %swap3A_131 {strides = array<i32>} : memref<2x2x128xi32, #tpu.memory_space<vmem>>, vector<1x1x16xi32>,
    %swap3A_132 = arith.constant 0 : i32
    %swap3A_133 = arith.constant 1 : i32
    %swap3A_134 = arith.index_cast %swap3A_132 : i32 to index
    %swap3A_135 = arith.index_cast %swap3A_133 : i32 to index
    %swap3A_136 = arith.constant 16 : index
    %swap3A_137 = tpu.vector_load %arg9[%swap3A_134, %swap3A_135, %swap3A_136] {strides = array<i32>} : memref<2x2x128xi32, #tpu.memory_space<vmem>>, vector<1x1x16xi32>,
    %swap3A_138 = vector.shape_cast %swap3A_137 : vector<1x1x16xi32> to vector<16xi32>
    %swap3A_139 = vector.shape_cast %shift_right_logical3A_123 : vector<16xi32> to vector<1x1x16xi32>
    tpu.vector_store %arg9[%swap3A_134, %swap3A_135, %swap3A_136], %swap3A_139 {strides = array<i32>} : memref<2x2x128xi32, #tpu.memory_space<vmem>>, vector<1x1x16xi32>,
    %get3A_140 = arith.constant 0 : i32
    %get3A_141 = arith.index_cast %get3A_140 : i32 to index
    %get3A_142 = arith.constant 80 : index
    %get3A_143 = tpu.vector_load %arg8[%get3A_141, %get3A_142] {strides = array<i32>} : memref<40x128xi32, #tpu.memory_space<vmem>>, vector<1x16xi32>,
    %get3A_144 = vector.shape_cast %get3A_143 : vector<1x16xi32> to vector<16xi32>
    %and3A_145 = arith.constant 65535 : i32
    %and3A_146 = vector.broadcast %and3A_145 : i32 to vector<16xi32>
    %and3A_147 = arith.andi %get3A_144, %and3A_146 : vector<16xi32>
    %shift_right_logical3A_148 = arith.constant 16 : i32
    %shift_right_logical3A_149 = vector.broadcast %shift_right_logical3A_148 : i32 to vector<16xi32>
    %shift_right_logical3A_150 = arith.shrui %get3A_144, %shift_right_logical3A_149 : vector<16xi32>
    %swap3A_151 = arith.constant 0 : i32
    %swap3A_152 = arith.constant 1 : i32
    %swap3A_153 = arith.index_cast %swap3A_151 : i32 to index
    %swap3A_154 = arith.index_cast %swap3A_152 : i32 to index
    %swap3A_155 = arith.constant 32 : index
    %swap3A_156 = tpu.vector_load %arg9[%swap3A_153, %swap3A_154, %swap3A_155] {strides = array<i32>} : memref<2x2x128xi32, #tpu.memory_space<vmem>>, vector<1x1x16xi32>,
    %swap3A_157 = vector.shape_cast %swap3A_156 : vector<1x1x16xi32> to vector<16xi32>
    %swap3A_158 = vector.shape_cast %and3A_147 : vector<16xi32> to vector<1x1x16xi32>
    tpu.vector_store %arg9[%swap3A_153, %swap3A_154, %swap3A_155], %swap3A_158 {strides = array<i32>} : memref<2x2x128xi32, #tpu.memory_space<vmem>>, vector<1x1x16xi32>,
    %swap3A_159 = arith.constant 0 : i32
    %swap3A_160 = arith.constant 1 : i32
    %swap3A_161 = arith.index_cast %swap3A_159 : i32 to index
    %swap3A_162 = arith.index_cast %swap3A_160 : i32 to index
    %swap3A_163 = arith.constant 48 : index
    %swap3A_164 = tpu.vector_load %arg9[%swap3A_161, %swap3A_162, %swap3A_163] {strides = array<i32>} : memref<2x2x128xi32, #tpu.memory_space<vmem>>, vector<1x1x16xi32>,
    %swap3A_165 = vector.shape_cast %swap3A_164 : vector<1x1x16xi32> to vector<16xi32>
    %swap3A_166 = vector.shape_cast %shift_right_logical3A_150 : vector<16xi32> to vector<1x1x16xi32>
    tpu.vector_store %arg9[%swap3A_161, %swap3A_162, %swap3A_163], %swap3A_166 {strides = array<i32>} : memref<2x2x128xi32, #tpu.memory_space<vmem>>, vector<1x1x16xi32>,
    %get3A_167 = arith.constant 0 : i32
    %get3A_168 = arith.index_cast %get3A_167 : i32 to index
    %get3A_169 = arith.constant 96 : index
    %get3A_170 = tpu.vector_load %arg8[%get3A_168, %get3A_169] {strides = array<i32>} : memref<40x128xi32, #tpu.memory_space<vmem>>, vector<1x16xi32>,
    %get3A_171 = vector.shape_cast %get3A_170 : vector<1x16xi32> to vector<16xi32>
    %and3A_172 = arith.constant 65535 : i32
    %and3A_173 = vector.broadcast %and3A_172 : i32 to vector<16xi32>
    %and3A_174 = arith.andi %get3A_171, %and3A_173 : vector<16xi32>
    %shift_right_logical3A_175 = arith.constant 16 : i32
    %shift_right_logical3A_176 = vector.broadcast %shift_right_logical3A_175 : i32 to vector<16xi32>
    %shift_right_logical3A_177 = arith.shrui %get3A_171, %shift_right_logical3A_176 : vector<16xi32>
    %swap3A_178 = arith.constant 0 : i32
    %swap3A_179 = arith.constant 1 : i32
    %swap3A_180 = arith.index_cast %swap3A_178 : i32 to index
    %swap3A_181 = arith.index_cast %swap3A_179 : i32 to index
    %swap3A_182 = arith.constant 64 : index
    %swap3A_183 = tpu.vector_load %arg9[%swap3A_180, %swap3A_181, %swap3A_182] {strides = array<i32>} : memref<2x2x128xi32, #tpu.memory_space<vmem>>, vector<1x1x16xi32>,
    %swap3A_184 = vector.shape_cast %swap3A_183 : vector<1x1x16xi32> to vector<16xi32>
    %swap3A_185 = vector.shape_cast %and3A_174 : vector<16xi32> to vector<1x1x16xi32>
    tpu.vector_store %arg9[%swap3A_180, %swap3A_181, %swap3A_182], %swap3A_185 {strides = array<i32>} : memref<2x2x128xi32, #tpu.memory_space<vmem>>, vector<1x1x16xi32>,
    %swap3A_186 = arith.constant 0 : i32
    %swap3A_187 = arith.constant 1 : i32
    %swap3A_188 = arith.index_cast %swap3A_186 : i32 to index
    %swap3A_189 = arith.index_cast %swap3A_187 : i32 to index
    %swap3A_190 = arith.constant 80 : index
    %swap3A_191 = tpu.vector_load %arg9[%swap3A_188, %swap3A_189, %swap3A_190] {strides = array<i32>} : memref<2x2x128xi32, #tpu.memory_space<vmem>>, vector<1x1x16xi32>,
    %swap3A_192 = vector.shape_cast %swap3A_191 : vector<1x1x16xi32> to vector<16xi32>
    %swap3A_193 = vector.shape_cast %shift_right_logical3A_177 : vector<16xi32> to vector<1x1x16xi32>
    tpu.vector_store %arg9[%swap3A_188, %swap3A_189, %swap3A_190], %swap3A_193 {strides = array<i32>} : memref<2x2x128xi32, #tpu.memory_space<vmem>>, vector<1x1x16xi32>,
    %get3A_194 = arith.constant 0 : i32
    %get3A_195 = arith.index_cast %get3A_194 : i32 to index
    %get3A_196 = arith.constant 112 : index
    %get3A_197 = tpu.vector_load %arg8[%get3A_195, %get3A_196] {strides = array<i32>} : memref<40x128xi32, #tpu.memory_space<vmem>>, vector<1x16xi32>,
    %get3A_198 = vector.shape_cast %get3A_197 : vector<1x16xi32> to vector<16xi32>
    %and3A_199 = arith.constant 65535 : i32
    %and3A_200 = vector.broadcast %and3A_199 : i32 to vector<16xi32>
    %and3A_201 = arith.andi %get3A_198, %and3A_200 : vector<16xi32>
    %shift_right_logical3A_202 = arith.constant 16 : i32
    %shift_right_logical3A_203 = vector.broadcast %shift_right_logical3A_202 : i32 to vector<16xi32>
    %shift_right_logical3A_204 = arith.shrui %get3A_198, %shift_right_logical3A_203 : vector<16xi32>
    %swap3A_205 = arith.constant 0 : i32
    %swap3A_206 = arith.constant 1 : i32
    %swap3A_207 = arith.index_cast %swap3A_205 : i32 to index
    %swap3A_208 = arith.index_cast %swap3A_206 : i32 to index
    %swap3A_209 = arith.constant 96 : index
    %swap3A_210 = tpu.vector_load %arg9[%swap3A_207, %swap3A_208, %swap3A_209] {strides = array<i32>} : memref<2x2x128xi32, #tpu.memory_space<vmem>>, vector<1x1x16xi32>,
    %swap3A_211 = vector.shape_cast %swap3A_210 : vector<1x1x16xi32> to vector<16xi32>
    %swap3A_212 = vector.shape_cast %and3A_201 : vector<16xi32> to vector<1x1x16xi32>
    tpu.vector_store %arg9[%swap3A_207, %swap3A_208, %swap3A_209], %swap3A_212 {strides = array<i32>} : memref<2x2x128xi32, #tpu.memory_space<vmem>>, vector<1x1x16xi32>,
    %swap3A_213 = arith.constant 0 : i32
    %swap3A_214 = arith.constant 1 : i32
    %swap3A_215 = arith.index_cast %swap3A_213 : i32 to index
    %swap3A_216 = arith.index_cast %swap3A_214 : i32 to index
    %swap3A_217 = arith.constant 112 : index
    %swap3A_218 = tpu.vector_load %arg9[%swap3A_215, %swap3A_216, %swap3A_217] {strides = array<i32>} : memref<2x2x128xi32, #tpu.memory_space<vmem>>, vector<1x1x16xi32>,
    %swap3A_219 = vector.shape_cast %swap3A_218 : vector<1x1x16xi32> to vector<16xi32>
    %swap3A_220 = vector.shape_cast %shift_right_logical3A_204 : vector<16xi32> to vector<1x1x16xi32>
    tpu.vector_store %arg9[%swap3A_215, %swap3A_216, %swap3A_217], %swap3A_220 {strides = array<i32>} : memref<2x2x128xi32, #tpu.memory_space<vmem>>, vector<1x1x16xi32>,
    %dma_start3A = arith.constant 0 : i32
    %dma_start3A_221 = arith.constant 0 : i32
    %dma_start3A_222 = arith.constant 0 : i32
    %dma_start3A_223 = arith.constant 0 : i32
    %dma_start3A_224 = tpu.memref_slice %arg10[%dma_start3A_221, %dma_start3A_222, %dma_start3A_223] : memref<2x128x128xf32, #tpu.memory_space<vmem>> -> memref<1x128x128xf32, #tpu.memory_space<vmem>>
    %dma_start3A_225 = tpu.memref_squeeze %dma_start3A_224 : memref<1x128x128xf32, #tpu.memory_space<vmem>> -> memref<128x128xf32, #tpu.memory_space<vmem>>
    %dma_start3A_226 = arith.constant 0 : i32
    %dma_start3A_227 = tpu.memref_slice %arg7[%dma_start3A, %dma_start3A_226] : memref<80x128xi32, #tpu.memory_space<vmem>> -> memref<1x128xi32, #tpu.memory_space<vmem>>
    %dma_start3A_228 = tpu.memref_squeeze %dma_start3A_227 : memref<1x128xi32, #tpu.memory_space<vmem>> -> memref<128xi32, #tpu.memory_space<vmem>>
    %dma_start3A_229 = arith.constant 0 : i32
    %dma_start3A_230 = arith.constant 0 : i32
    %dma_start3A_231 = tpu.memref_slice %arg2[%dma_start3A_229, %dma_start3A_230] : memref<10240x128xf32, #tpu.memory_space<hbm>> -> memref<10240x128xf32, #tpu.memory_space<hbm>>
    tpu.enqueue_indirect_dma source(%dma_start3A_231 : memref<10240x128xf32, #tpu.memory_space<hbm>>) target(%dma_start3A_225 : memref<128x128xf32, #tpu.memory_space<vmem>>) offsets(%dma_start3A_228 : memref<128xi32, #tpu.memory_space<vmem>>) semaphore(%arg12 : memref<!tpu.dma_semaphore, #tpu.memory_space<semaphore_mem>>)
    %scan3A = arith.constant 0 : i32
    %scan3A_232 = arith.constant 0 : i32
    %scan3A_233 = arith.constant 20 : i32
    %scan3A_234 = arith.addi %scan3A_232, %scan3A_233 : i32
    %scan3A_235 = arith.constant 1 : i32
    scf.for %scan3A_238 = %scan3A_232 to %scan3A_234 step %scan3A_235  : i32 {
      %mul3A_239 = arith.constant 2 : i32
      %mul3A_240 = arith.muli %mul3A_239, %scan3A_238 : i32
      %add3A_241 = arith.constant 0 : i32
      %add3A_242 = arith.addi %mul3A_240, %add3A_241 : i32
      %add3A_243 = arith.constant 1 : i32
      %add3A_244 = arith.addi %add3A_242, %add3A_243 : i32
      %lt3A = arith.constant 40 : i32
      %lt3A_245 = arith.cmpi slt, %add3A_244, %lt3A : i32
      %convert_element_type3A = arith.extui %lt3A_245 : i1 to i32
      %cond3A = arith.constant 0 : i32
      %cond3A_246 = arith.cmpi ne, %convert_element_type3A, %cond3A : i32
      scf.if %cond3A_246 {
        %add3A_356 = arith.constant 1 : i32
        %add3A_357 = arith.addi %add3A_242, %add3A_356 : i32
        %get3A_358 = arith.index_cast %add3A_357 : i32 to index
        %get3A_359 = arith.constant 0 : index
        %get3A_360 = tpu.vector_load %arg8[%get3A_358, %get3A_359] {strides = array<i32>} : memref<40x128xi32, #tpu.memory_space<vmem>>, vector<1x16xi32>,
        %get3A_361 = vector.shape_cast %get3A_360 : vector<1x16xi32> to vector<16xi32>
        %and3A_362 = arith.constant 65535 : i32
        %and3A_363 = vector.broadcast %and3A_362 : i32 to vector<16xi32>
        %and3A_364 = arith.andi %get3A_361, %and3A_363 : vector<16xi32>
        %shift_right_logical3A_365 = arith.constant 16 : i32
        %shift_right_logical3A_366 = vector.broadcast %shift_right_logical3A_365 : i32 to vector<16xi32>
        %shift_right_logical3A_367 = arith.shrui %get3A_361, %shift_right_logical3A_366 : vector<16xi32>
        %swap3A_368 = arith.constant 1 : i32
        %swap3A_369 = arith.constant 0 : i32
        %swap3A_370 = arith.index_cast %swap3A_368 : i32 to index
        %swap3A_371 = arith.index_cast %swap3A_369 : i32 to index
        %swap3A_372 = arith.constant 0 : index
        %swap3A_373 = tpu.vector_load %arg9[%swap3A_370, %swap3A_371, %swap3A_372] {strides = array<i32>} : memref<2x2x128xi32, #tpu.memory_space<vmem>>, vector<1x1x16xi32>,
        %swap3A_374 = vector.shape_cast %swap3A_373 : vector<1x1x16xi32> to vector<16xi32>
        %swap3A_375 = vector.shape_cast %and3A_364 : vector<16xi32> to vector<1x1x16xi32>
        tpu.vector_store %arg9[%swap3A_370, %swap3A_371, %swap3A_372], %swap3A_375 {strides = array<i32>} : memref<2x2x128xi32, #tpu.memory_space<vmem>>, vector<1x1x16xi32>,
        %swap3A_376 = arith.constant 1 : i32
        %swap3A_377 = arith.constant 0 : i32
        %swap3A_378 = arith.index_cast %swap3A_376 : i32 to index
        %swap3A_379 = arith.index_cast %swap3A_377 : i32 to index
        %swap3A_380 = arith.constant 16 : index
        %swap3A_381 = tpu.vector_load %arg9[%swap3A_378, %swap3A_379, %swap3A_380] {strides = array<i32>} : memref<2x2x128xi32, #tpu.memory_space<vmem>>, vector<1x1x16xi32>,
        %swap3A_382 = vector.shape_cast %swap3A_381 : vector<1x1x16xi32> to vector<16xi32>
        %swap3A_383 = vector.shape_cast %shift_right_logical3A_367 : vector<16xi32> to vector<1x1x16xi32>
        tpu.vector_store %arg9[%swap3A_378, %swap3A_379, %swap3A_380], %swap3A_383 {strides = array<i32>} : memref<2x2x128xi32, #tpu.memory_space<vmem>>, vector<1x1x16xi32>,
        %get3A_384 = arith.index_cast %add3A_357 : i32 to index
        %get3A_385 = arith.constant 16 : index
        %get3A_386 = tpu.vector_load %arg8[%get3A_384, %get3A_385] {strides = array<i32>} : memref<40x128xi32, #tpu.memory_space<vmem>>, vector<1x16xi32>,
        %get3A_387 = vector.shape_cast %get3A_386 : vector<1x16xi32> to vector<16xi32>
        %and3A_388 = arith.constant 65535 : i32
        %and3A_389 = vector.broadcast %and3A_388 : i32 to vector<16xi32>
        %and3A_390 = arith.andi %get3A_387, %and3A_389 : vector<16xi32>
        %shift_right_logical3A_391 = arith.constant 16 : i32
        %shift_right_logical3A_392 = vector.broadcast %shift_right_logical3A_391 : i32 to vector<16xi32>
        %shift_right_logical3A_393 = arith.shrui %get3A_387, %shift_right_logical3A_392 : vector<16xi32>
        %swap3A_394 = arith.constant 1 : i32
        %swap3A_395 = arith.constant 0 : i32
        %swap3A_396 = arith.index_cast %swap3A_394 : i32 to index
        %swap3A_397 = arith.index_cast %swap3A_395 : i32 to index
        %swap3A_398 = arith.constant 32 : index
        %swap3A_399 = tpu.vector_load %arg9[%swap3A_396, %swap3A_397, %swap3A_398] {strides = array<i32>} : memref<2x2x128xi32, #tpu.memory_space<vmem>>, vector<1x1x16xi32>,
        %swap3A_400 = vector.shape_cast %swap3A_399 : vector<1x1x16xi32> to vector<16xi32>
        %swap3A_401 = vector.shape_cast %and3A_390 : vector<16xi32> to vector<1x1x16xi32>
        tpu.vector_store %arg9[%swap3A_396, %swap3A_397, %swap3A_398], %swap3A_401 {strides = array<i32>} : memref<2x2x128xi32, #tpu.memory_space<vmem>>, vector<1x1x16xi32>,
        %swap3A_402 = arith.constant 1 : i32
        %swap3A_403 = arith.constant 0 : i32
        %swap3A_404 = arith.index_cast %swap3A_402 : i32 to index
        %swap3A_405 = arith.index_cast %swap3A_403 : i32 to index
        %swap3A_406 = arith.constant 48 : index
        %swap3A_407 = tpu.vector_load %arg9[%swap3A_404, %swap3A_405, %swap3A_406] {strides = array<i32>} : memref<2x2x128xi32, #tpu.memory_space<vmem>>, vector<1x1x16xi32>,
        %swap3A_408 = vector.shape_cast %swap3A_407 : vector<1x1x16xi32> to vector<16xi32>
        %swap3A_409 = vector.shape_cast %shift_right_logical3A_393 : vector<16xi32> to vector<1x1x16xi32>
        tpu.vector_store %arg9[%swap3A_404, %swap3A_405, %swap3A_406], %swap3A_409 {strides = array<i32>} : memref<2x2x128xi32, #tpu.memory_space<vmem>>, vector<1x1x16xi32>,
        %get3A_410 = arith.index_cast %add3A_357 : i32 to index
        %get3A_411 = arith.constant 32 : index
        %get3A_412 = tpu.vector_load %arg8[%get3A_410, %get3A_411] {strides = array<i32>} : memref<40x128xi32, #tpu.memory_space<vmem>>, vector<1x16xi32>,
        %get3A_413 = vector.shape_cast %get3A_412 : vector<1x16xi32> to vector<16xi32>
        %and3A_414 = arith.constant 65535 : i32
        %and3A_415 = vector.broadcast %and3A_414 : i32 to vector<16xi32>
        %and3A_416 = arith.andi %get3A_413, %and3A_415 : vector<16xi32>
        %shift_right_logical3A_417 = arith.constant 16 : i32
        %shift_right_logical3A_418 = vector.broadcast %shift_right_logical3A_417 : i32 to vector<16xi32>
        %shift_right_logical3A_419 = arith.shrui %get3A_413, %shift_right_logical3A_418 : vector<16xi32>
        %swap3A_420 = arith.constant 1 : i32
        %swap3A_421 = arith.constant 0 : i32
        %swap3A_422 = arith.index_cast %swap3A_420 : i32 to index
        %swap3A_423 = arith.index_cast %swap3A_421 : i32 to index
        %swap3A_424 = arith.constant 64 : index
        %swap3A_425 = tpu.vector_load %arg9[%swap3A_422, %swap3A_423, %swap3A_424] {strides = array<i32>} : memref<2x2x128xi32, #tpu.memory_space<vmem>>, vector<1x1x16xi32>,
        %swap3A_426 = vector.shape_cast %swap3A_425 : vector<1x1x16xi32> to vector<16xi32>
        %swap3A_427 = vector.shape_cast %and3A_416 : vector<16xi32> to vector<1x1x16xi32>
        tpu.vector_store %arg9[%swap3A_422, %swap3A_423, %swap3A_424], %swap3A_427 {strides = array<i32>} : memref<2x2x128xi32, #tpu.memory_space<vmem>>, vector<1x1x16xi32>,
        %swap3A_428 = arith.constant 1 : i32
        %swap3A_429 = arith.constant 0 : i32
        %swap3A_430 = arith.index_cast %swap3A_428 : i32 to index
        %swap3A_431 = arith.index_cast %swap3A_429 : i32 to index
        %swap3A_432 = arith.constant 80 : index
        %swap3A_433 = tpu.vector_load %arg9[%swap3A_430, %swap3A_431, %swap3A_432] {strides = array<i32>} : memref<2x2x128xi32, #tpu.memory_space<vmem>>, vector<1x1x16xi32>,
        %swap3A_434 = vector.shape_cast %swap3A_433 : vector<1x1x16xi32> to vector<16xi32>
        %swap3A_435 = vector.shape_cast %shift_right_logical3A_419 : vector<16xi32> to vector<1x1x16xi32>
        tpu.vector_store %arg9[%swap3A_430, %swap3A_431, %swap3A_432], %swap3A_435 {strides = array<i32>} : memref<2x2x128xi32, #tpu.memory_space<vmem>>, vector<1x1x16xi32>,
        %get3A_436 = arith.index_cast %add3A_357 : i32 to index
        %get3A_437 = arith.constant 48 : index
        %get3A_438 = tpu.vector_load %arg8[%get3A_436, %get3A_437] {strides = array<i32>} : memref<40x128xi32, #tpu.memory_space<vmem>>, vector<1x16xi32>,
        %get3A_439 = vector.shape_cast %get3A_438 : vector<1x16xi32> to vector<16xi32>
        %and3A_440 = arith.constant 65535 : i32
        %and3A_441 = vector.broadcast %and3A_440 : i32 to vector<16xi32>
        %and3A_442 = arith.andi %get3A_439, %and3A_441 : vector<16xi32>
        %shift_right_logical3A_443 = arith.constant 16 : i32
        %shift_right_logical3A_444 = vector.broadcast %shift_right_logical3A_443 : i32 to vector<16xi32>
        %shift_right_logical3A_445 = arith.shrui %get3A_439, %shift_right_logical3A_444 : vector<16xi32>
        %swap3A_446 = arith.constant 1 : i32
        %swap3A_447 = arith.constant 0 : i32
        %swap3A_448 = arith.index_cast %swap3A_446 : i32 to index
        %swap3A_449 = arith.index_cast %swap3A_447 : i32 to index
        %swap3A_450 = arith.constant 96 : index
        %swap3A_451 = tpu.vector_load %arg9[%swap3A_448, %swap3A_449, %swap3A_450] {strides = array<i32>} : memref<2x2x128xi32, #tpu.memory_space<vmem>>, vector<1x1x16xi32>,
        %swap3A_452 = vector.shape_cast %swap3A_451 : vector<1x1x16xi32> to vector<16xi32>
        %swap3A_453 = vector.shape_cast %and3A_442 : vector<16xi32> to vector<1x1x16xi32>
        tpu.vector_store %arg9[%swap3A_448, %swap3A_449, %swap3A_450], %swap3A_453 {strides = array<i32>} : memref<2x2x128xi32, #tpu.memory_space<vmem>>, vector<1x1x16xi32>,
        %swap3A_454 = arith.constant 1 : i32
        %swap3A_455 = arith.constant 0 : i32
        %swap3A_456 = arith.index_cast %swap3A_454 : i32 to index
        %swap3A_457 = arith.index_cast %swap3A_455 : i32 to index
        %swap3A_458 = arith.constant 112 : index
        %swap3A_459 = tpu.vector_load %arg9[%swap3A_456, %swap3A_457, %swap3A_458] {strides = array<i32>} : memref<2x2x128xi32, #tpu.memory_space<vmem>>, vector<1x1x16xi32>,
        %swap3A_460 = vector.shape_cast %swap3A_459 : vector<1x1x16xi32> to vector<16xi32>
        %swap3A_461 = vector.shape_cast %shift_right_logical3A_445 : vector<16xi32> to vector<1x1x16xi32>
        tpu.vector_store %arg9[%swap3A_456, %swap3A_457, %swap3A_458], %swap3A_461 {strides = array<i32>} : memref<2x2x128xi32, #tpu.memory_space<vmem>>, vector<1x1x16xi32>,
        %get3A_462 = arith.index_cast %add3A_357 : i32 to index
        %get3A_463 = arith.constant 64 : index
        %get3A_464 = tpu.vector_load %arg8[%get3A_462, %get3A_463] {strides = array<i32>} : memref<40x128xi32, #tpu.memory_space<vmem>>, vector<1x16xi32>,
        %get3A_465 = vector.shape_cast %get3A_464 : vector<1x16xi32> to vector<16xi32>
        %and3A_466 = arith.constant 65535 : i32
        %and3A_467 = vector.broadcast %and3A_466 : i32 to vector<16xi32>
        %and3A_468 = arith.andi %get3A_465, %and3A_467 : vector<16xi32>
        %shift_right_logical3A_469 = arith.constant 16 : i32
        %shift_right_logical3A_470 = vector.broadcast %shift_right_logical3A_469 : i32 to vector<16xi32>
        %shift_right_logical3A_471 = arith.shrui %get3A_465, %shift_right_logical3A_470 : vector<16xi32>
        %swap3A_472 = arith.constant 1 : i32
        %swap3A_473 = arith.constant 1 : i32
        %swap3A_474 = arith.index_cast %swap3A_472 : i32 to index
        %swap3A_475 = arith.index_cast %swap3A_473 : i32 to index
        %swap3A_476 = arith.constant 0 : index
        %swap3A_477 = tpu.vector_load %arg9[%swap3A_474, %swap3A_475, %swap3A_476] {strides = array<i32>} : memref<2x2x128xi32, #tpu.memory_space<vmem>>, vector<1x1x16xi32>,
        %swap3A_478 = vector.shape_cast %swap3A_477 : vector<1x1x16xi32> to vector<16xi32>
        %swap3A_479 = vector.shape_cast %and3A_468 : vector<16xi32> to vector<1x1x16xi32>
        tpu.vector_store %arg9[%swap3A_474, %swap3A_475, %swap3A_476], %swap3A_479 {strides = array<i32>} : memref<2x2x128xi32, #tpu.memory_space<vmem>>, vector<1x1x16xi32>,
        %swap3A_480 = arith.constant 1 : i32
        %swap3A_481 = arith.constant 1 : i32
        %swap3A_482 = arith.index_cast %swap3A_480 : i32 to index
        %swap3A_483 = arith.index_cast %swap3A_481 : i32 to index
        %swap3A_484 = arith.constant 16 : index
        %swap3A_485 = tpu.vector_load %arg9[%swap3A_482, %swap3A_483, %swap3A_484] {strides = array<i32>} : memref<2x2x128xi32, #tpu.memory_space<vmem>>, vector<1x1x16xi32>,
        %swap3A_486 = vector.shape_cast %swap3A_485 : vector<1x1x16xi32> to vector<16xi32>
        %swap3A_487 = vector.shape_cast %shift_right_logical3A_471 : vector<16xi32> to vector<1x1x16xi32>
        tpu.vector_store %arg9[%swap3A_482, %swap3A_483, %swap3A_484], %swap3A_487 {strides = array<i32>} : memref<2x2x128xi32, #tpu.memory_space<vmem>>, vector<1x1x16xi32>,
        %get3A_488 = arith.index_cast %add3A_357 : i32 to index
        %get3A_489 = arith.constant 80 : index
        %get3A_490 = tpu.vector_load %arg8[%get3A_488, %get3A_489] {strides = array<i32>} : memref<40x128xi32, #tpu.memory_space<vmem>>, vector<1x16xi32>,
        %get3A_491 = vector.shape_cast %get3A_490 : vector<1x16xi32> to vector<16xi32>
        %and3A_492 = arith.constant 65535 : i32
        %and3A_493 = vector.broadcast %and3A_492 : i32 to vector<16xi32>
        %and3A_494 = arith.andi %get3A_491, %and3A_493 : vector<16xi32>
        %shift_right_logical3A_495 = arith.constant 16 : i32
        %shift_right_logical3A_496 = vector.broadcast %shift_right_logical3A_495 : i32 to vector<16xi32>
        %shift_right_logical3A_497 = arith.shrui %get3A_491, %shift_right_logical3A_496 : vector<16xi32>
        %swap3A_498 = arith.constant 1 : i32
        %swap3A_499 = arith.constant 1 : i32
        %swap3A_500 = arith.index_cast %swap3A_498 : i32 to index
        %swap3A_501 = arith.index_cast %swap3A_499 : i32 to index
        %swap3A_502 = arith.constant 32 : index
        %swap3A_503 = tpu.vector_load %arg9[%swap3A_500, %swap3A_501, %swap3A_502] {strides = array<i32>} : memref<2x2x128xi32, #tpu.memory_space<vmem>>, vector<1x1x16xi32>,
        %swap3A_504 = vector.shape_cast %swap3A_503 : vector<1x1x16xi32> to vector<16xi32>
        %swap3A_505 = vector.shape_cast %and3A_494 : vector<16xi32> to vector<1x1x16xi32>
        tpu.vector_store %arg9[%swap3A_500, %swap3A_501, %swap3A_502], %swap3A_505 {strides = array<i32>} : memref<2x2x128xi32, #tpu.memory_space<vmem>>, vector<1x1x16xi32>,
        %swap3A_506 = arith.constant 1 : i32
        %swap3A_507 = arith.constant 1 : i32
        %swap3A_508 = arith.index_cast %swap3A_506 : i32 to index
        %swap3A_509 = arith.index_cast %swap3A_507 : i32 to index
        %swap3A_510 = arith.constant 48 : index
        %swap3A_511 = tpu.vector_load %arg9[%swap3A_508, %swap3A_509, %swap3A_510] {strides = array<i32>} : memref<2x2x128xi32, #tpu.memory_space<vmem>>, vector<1x1x16xi32>,
        %swap3A_512 = vector.shape_cast %swap3A_511 : vector<1x1x16xi32> to vector<16xi32>
        %swap3A_513 = vector.shape_cast %shift_right_logical3A_497 : vector<16xi32> to vector<1x1x16xi32>
        tpu.vector_store %arg9[%swap3A_508, %swap3A_509, %swap3A_510], %swap3A_513 {strides = array<i32>} : memref<2x2x128xi32, #tpu.memory_space<vmem>>, vector<1x1x16xi32>,
        %get3A_514 = arith.index_cast %add3A_357 : i32 to index
        %get3A_515 = arith.constant 96 : index
        %get3A_516 = tpu.vector_load %arg8[%get3A_514, %get3A_515] {strides = array<i32>} : memref<40x128xi32, #tpu.memory_space<vmem>>, vector<1x16xi32>,
        %get3A_517 = vector.shape_cast %get3A_516 : vector<1x16xi32> to vector<16xi32>
        %and3A_518 = arith.constant 65535 : i32
        %and3A_519 = vector.broadcast %and3A_518 : i32 to vector<16xi32>
        %and3A_520 = arith.andi %get3A_517, %and3A_519 : vector<16xi32>
        %shift_right_logical3A_521 = arith.constant 16 : i32
        %shift_right_logical3A_522 = vector.broadcast %shift_right_logical3A_521 : i32 to vector<16xi32>
        %shift_right_logical3A_523 = arith.shrui %get3A_517, %shift_right_logical3A_522 : vector<16xi32>
        %swap3A_524 = arith.constant 1 : i32
        %swap3A_525 = arith.constant 1 : i32
        %swap3A_526 = arith.index_cast %swap3A_524 : i32 to index
        %swap3A_527 = arith.index_cast %swap3A_525 : i32 to index
        %swap3A_528 = arith.constant 64 : index
        %swap3A_529 = tpu.vector_load %arg9[%swap3A_526, %swap3A_527, %swap3A_528] {strides = array<i32>} : memref<2x2x128xi32, #tpu.memory_space<vmem>>, vector<1x1x16xi32>,
        %swap3A_530 = vector.shape_cast %swap3A_529 : vector<1x1x16xi32> to vector<16xi32>
        %swap3A_531 = vector.shape_cast %and3A_520 : vector<16xi32> to vector<1x1x16xi32>
        tpu.vector_store %arg9[%swap3A_526, %swap3A_527, %swap3A_528], %swap3A_531 {strides = array<i32>} : memref<2x2x128xi32, #tpu.memory_space<vmem>>, vector<1x1x16xi32>,
        %swap3A_532 = arith.constant 1 : i32
        %swap3A_533 = arith.constant 1 : i32
        %swap3A_534 = arith.index_cast %swap3A_532 : i32 to index
        %swap3A_535 = arith.index_cast %swap3A_533 : i32 to index
        %swap3A_536 = arith.constant 80 : index
        %swap3A_537 = tpu.vector_load %arg9[%swap3A_534, %swap3A_535, %swap3A_536] {strides = array<i32>} : memref<2x2x128xi32, #tpu.memory_space<vmem>>, vector<1x1x16xi32>,
        %swap3A_538 = vector.shape_cast %swap3A_537 : vector<1x1x16xi32> to vector<16xi32>
        %swap3A_539 = vector.shape_cast %shift_right_logical3A_523 : vector<16xi32> to vector<1x1x16xi32>
        tpu.vector_store %arg9[%swap3A_534, %swap3A_535, %swap3A_536], %swap3A_539 {strides = array<i32>} : memref<2x2x128xi32, #tpu.memory_space<vmem>>, vector<1x1x16xi32>,
        %get3A_540 = arith.index_cast %add3A_357 : i32 to index
        %get3A_541 = arith.constant 112 : index
        %get3A_542 = tpu.vector_load %arg8[%get3A_540, %get3A_541] {strides = array<i32>} : memref<40x128xi32, #tpu.memory_space<vmem>>, vector<1x16xi32>,
        %get3A_543 = vector.shape_cast %get3A_542 : vector<1x16xi32> to vector<16xi32>
        %and3A_544 = arith.constant 65535 : i32
        %and3A_545 = vector.broadcast %and3A_544 : i32 to vector<16xi32>
        %and3A_546 = arith.andi %get3A_543, %and3A_545 : vector<16xi32>
        %shift_right_logical3A_547 = arith.constant 16 : i32
        %shift_right_logical3A_548 = vector.broadcast %shift_right_logical3A_547 : i32 to vector<16xi32>
        %shift_right_logical3A_549 = arith.shrui %get3A_543, %shift_right_logical3A_548 : vector<16xi32>
        %swap3A_550 = arith.constant 1 : i32
        %swap3A_551 = arith.constant 1 : i32
        %swap3A_552 = arith.index_cast %swap3A_550 : i32 to index
        %swap3A_553 = arith.index_cast %swap3A_551 : i32 to index
        %swap3A_554 = arith.constant 96 : index
        %swap3A_555 = tpu.vector_load %arg9[%swap3A_552, %swap3A_553, %swap3A_554] {strides = array<i32>} : memref<2x2x128xi32, #tpu.memory_space<vmem>>, vector<1x1x16xi32>,
        %swap3A_556 = vector.shape_cast %swap3A_555 : vector<1x1x16xi32> to vector<16xi32>
        %swap3A_557 = vector.shape_cast %and3A_546 : vector<16xi32> to vector<1x1x16xi32>
        tpu.vector_store %arg9[%swap3A_552, %swap3A_553, %swap3A_554], %swap3A_557 {strides = array<i32>} : memref<2x2x128xi32, #tpu.memory_space<vmem>>, vector<1x1x16xi32>,
        %swap3A_558 = arith.constant 1 : i32
        %swap3A_559 = arith.constant 1 : i32
        %swap3A_560 = arith.index_cast %swap3A_558 : i32 to index
        %swap3A_561 = arith.index_cast %swap3A_559 : i32 to index
        %swap3A_562 = arith.constant 112 : index
        %swap3A_563 = tpu.vector_load %arg9[%swap3A_560, %swap3A_561, %swap3A_562] {strides = array<i32>} : memref<2x2x128xi32, #tpu.memory_space<vmem>>, vector<1x1x16xi32>,
        %swap3A_564 = vector.shape_cast %swap3A_563 : vector<1x1x16xi32> to vector<16xi32>
        %swap3A_565 = vector.shape_cast %shift_right_logical3A_549 : vector<16xi32> to vector<1x1x16xi32>
        tpu.vector_store %arg9[%swap3A_560, %swap3A_561, %swap3A_562], %swap3A_565 {strides = array<i32>} : memref<2x2x128xi32, #tpu.memory_space<vmem>>, vector<1x1x16xi32>,
      } else {
      }
      %mul3A_247 = arith.constant 2 : i32
      %mul3A_248 = arith.muli %mul3A_247, %add3A_242 : i32
      %add3A_249 = arith.constant 0 : i32
      %add3A_250 = arith.addi %mul3A_248, %add3A_249 : i32
      %dma_wait3A = arith.constant 0 : i32
      %dma_wait3A_251 = arith.constant 0 : i32
      %dma_wait3A_252 = arith.constant 0 : i32
      %dma_wait3A_253 = tpu.memref_slice %arg10[%dma_wait3A, %dma_wait3A_251, %dma_wait3A_252] : memref<2x128x128xf32, #tpu.memory_space<vmem>> -> memref<1x128x128xf32, #tpu.memory_space<vmem>>
      %dma_wait3A_254 = tpu.memref_squeeze %dma_wait3A_253 : memref<1x128x128xf32, #tpu.memory_space<vmem>> -> memref<128x128xf32, #tpu.memory_space<vmem>>
      %dma_wait3A_255 = arith.constant 0 : i32
      %dma_wait3A_256 = tpu.memref_slice %arg7[%add3A_250, %dma_wait3A_255] : memref<80x128xi32, #tpu.memory_space<vmem>> -> memref<1x128xi32, #tpu.memory_space<vmem>>
      %dma_wait3A_257 = tpu.memref_squeeze %dma_wait3A_256 : memref<1x128xi32, #tpu.memory_space<vmem>> -> memref<128xi32, #tpu.memory_space<vmem>>
      %dma_wait3A_258 = arith.constant 0 : i32
      %dma_wait3A_259 = arith.constant 0 : i32
      %dma_wait3A_260 = tpu.memref_slice %arg2[%dma_wait3A_258, %dma_wait3A_259] : memref<10240x128xf32, #tpu.memory_space<hbm>> -> memref<10240x128xf32, #tpu.memory_space<hbm>>
      tpu.wait_indirect_dma semaphore(%arg12 : memref<!tpu.dma_semaphore, #tpu.memory_space<semaphore_mem>>) src(%dma_wait3A_260 : memref<10240x128xf32, #tpu.memory_space<hbm>>) dst(%dma_wait3A_254 : memref<128x128xf32, #tpu.memory_space<vmem>>)
      %add3A_261 = arith.constant 1 : i32
      %add3A_262 = arith.addi %add3A_250, %add3A_261 : i32
      %lt3A_263 = arith.constant 80 : i32
      %lt3A_264 = arith.cmpi slt, %add3A_262, %lt3A_263 : i32
      %convert_element_type3A_265 = arith.extui %lt3A_264 : i1 to i32
      %cond3A_266 = arith.constant 0 : i32
      %cond3A_267 = arith.cmpi ne, %convert_element_type3A_265, %cond3A_266 : i32
      scf.if %cond3A_267 {
        %add3A_356 = arith.constant 1 : i32
        %add3A_357 = arith.addi %add3A_250, %add3A_356 : i32
        %dma_start3A_358 = arith.constant 1 : i32
        %dma_start3A_359 = arith.constant 0 : i32
        %dma_start3A_360 = arith.constant 0 : i32
        %dma_start3A_361 = tpu.memref_slice %arg10[%dma_start3A_358, %dma_start3A_359, %dma_start3A_360] : memref<2x128x128xf32, #tpu.memory_space<vmem>> -> memref<1x128x128xf32, #tpu.memory_space<vmem>>
        %dma_start3A_362 = tpu.memref_squeeze %dma_start3A_361 : memref<1x128x128xf32, #tpu.memory_space<vmem>> -> memref<128x128xf32, #tpu.memory_space<vmem>>
        %dma_start3A_363 = arith.constant 0 : i32
        %dma_start3A_364 = tpu.memref_slice %arg7[%add3A_357, %dma_start3A_363] : memref<80x128xi32, #tpu.memory_space<vmem>> -> memref<1x128xi32, #tpu.memory_space<vmem>>
        %dma_start3A_365 = tpu.memref_squeeze %dma_start3A_364 : memref<1x128xi32, #tpu.memory_space<vmem>> -> memref<128xi32, #tpu.memory_space<vmem>>
        %dma_start3A_366 = arith.constant 0 : i32
        %dma_start3A_367 = arith.constant 0 : i32
        %dma_start3A_368 = tpu.memref_slice %arg2[%dma_start3A_366, %dma_start3A_367] : memref<10240x128xf32, #tpu.memory_space<hbm>> -> memref<10240x128xf32, #tpu.memory_space<hbm>>
        tpu.enqueue_indirect_dma source(%dma_start3A_368 : memref<10240x128xf32, #tpu.memory_space<hbm>>) target(%dma_start3A_362 : memref<128x128xf32, #tpu.memory_space<vmem>>) offsets(%dma_start3A_365 : memref<128xi32, #tpu.memory_space<vmem>>) semaphore(%arg13 : memref<!tpu.dma_semaphore, #tpu.memory_space<semaphore_mem>>)
      } else {
      }
      %run_scoped3A = arith.constant 0 : i32
      %run_scoped3A_268 = arith.constant 0 : i32
      %run_scoped3A_269 = arith.constant 0 : i32
      "tpu.region"() ({
        %run_scoped3A_356 = tpu.sem_alloc : memref<!tpu.dma_semaphore, #tpu.memory_space<semaphore_mem>>
        %dma_start3A_357 = arith.constant 0 : i32
        %dma_start3A_358 = arith.constant 0 : i32
        %dma_start3A_359 = tpu.memref_slice %arg10[%run_scoped3A, %dma_start3A_357, %dma_start3A_358] : memref<2x128x128xf32, #tpu.memory_space<vmem>> -> memref<1x128x128xf32, #tpu.memory_space<vmem>>
        %dma_start3A_360 = tpu.memref_squeeze %dma_start3A_359 : memref<1x128x128xf32, #tpu.memory_space<vmem>> -> memref<128x128xf32, #tpu.memory_space<vmem>>
        %dma_start3A_361 = arith.constant 0 : i32
        %dma_start3A_362 = tpu.memref_slice %arg9[%run_scoped3A_268, %run_scoped3A_269, %dma_start3A_361] : memref<2x2x128xi32, #tpu.memory_space<vmem>> -> memref<1x1x128xi32, #tpu.memory_space<vmem>>
        %dma_start3A_363 = tpu.memref_squeeze %dma_start3A_362 : memref<1x1x128xi32, #tpu.memory_space<vmem>> -> memref<128xi32, #tpu.memory_space<vmem>>
        %dma_start3A_364 = arith.constant 0 : i32
        %dma_start3A_365 = arith.constant 0 : i32
        %dma_start3A_366 = tpu.memref_slice %arg11[%dma_start3A_364, %dma_start3A_365] : memref<10240x128xf32, #tpu.memory_space<vmem_shared>> -> memref<10240x128xf32, #tpu.memory_space<vmem_shared>>
        tpu.enqueue_indirect_dma source(%dma_start3A_360 : memref<128x128xf32, #tpu.memory_space<vmem>>) target(%dma_start3A_366 : memref<10240x128xf32, #tpu.memory_space<vmem_shared>>) offsets(%dma_start3A_363 : memref<128xi32, #tpu.memory_space<vmem>>) semaphore(%run_scoped3A_356 : memref<!tpu.dma_semaphore, #tpu.memory_space<semaphore_mem>>) {add = true}
        %dma_wait3A_367 = arith.constant 0 : i32
        %dma_wait3A_368 = arith.constant 0 : i32
        %dma_wait3A_369 = tpu.memref_slice %arg10[%run_scoped3A, %dma_wait3A_367, %dma_wait3A_368] : memref<2x128x128xf32, #tpu.memory_space<vmem>> -> memref<1x128x128xf32, #tpu.memory_space<vmem>>
        %dma_wait3A_370 = tpu.memref_squeeze %dma_wait3A_369 : memref<1x128x128xf32, #tpu.memory_space<vmem>> -> memref<128x128xf32, #tpu.memory_space<vmem>>
        %dma_wait3A_371 = arith.constant 0 : i32
        %dma_wait3A_372 = tpu.memref_slice %arg9[%run_scoped3A_268, %run_scoped3A_269, %dma_wait3A_371] : memref<2x2x128xi32, #tpu.memory_space<vmem>> -> memref<1x1x128xi32, #tpu.memory_space<vmem>>
        %dma_wait3A_373 = tpu.memref_squeeze %dma_wait3A_372 : memref<1x1x128xi32, #tpu.memory_space<vmem>> -> memref<128xi32, #tpu.memory_space<vmem>>
        %dma_wait3A_374 = arith.constant 0 : i32
        %dma_wait3A_375 = arith.constant 0 : i32
        %dma_wait3A_376 = tpu.memref_slice %arg11[%dma_wait3A_374, %dma_wait3A_375] : memref<10240x128xf32, #tpu.memory_space<vmem_shared>> -> memref<10240x128xf32, #tpu.memory_space<vmem_shared>>
        tpu.wait_indirect_dma semaphore(%run_scoped3A_356 : memref<!tpu.dma_semaphore, #tpu.memory_space<semaphore_mem>>) src(%dma_wait3A_370 : memref<128x128xf32, #tpu.memory_space<vmem>>) dst(%dma_wait3A_376 : memref<10240x128xf32, #tpu.memory_space<vmem_shared>>)
        tpu.yield
      }) : () -> ()
      %mul3A_270 = arith.constant 2 : i32
      %mul3A_271 = arith.muli %mul3A_270, %add3A_242 : i32
      %add3A_272 = arith.constant 1 : i32
      %add3A_273 = arith.addi %mul3A_271, %add3A_272 : i32
      %dma_wait3A_274 = arith.constant 1 : i32
      %dma_wait3A_275 = arith.constant 0 : i32
      %dma_wait3A_276 = arith.constant 0 : i32
      %dma_wait3A_277 = tpu.memref_slice %arg10[%dma_wait3A_274, %dma_wait3A_275, %dma_wait3A_276] : memref<2x128x128xf32, #tpu.memory_space<vmem>> -> memref<1x128x128xf32, #tpu.memory_space<vmem>>
      %dma_wait3A_278 = tpu.memref_squeeze %dma_wait3A_277 : memref<1x128x128xf32, #tpu.memory_space<vmem>> -> memref<128x128xf32, #tpu.memory_space<vmem>>
      %dma_wait3A_279 = arith.constant 0 : i32
      %dma_wait3A_280 = tpu.memref_slice %arg7[%add3A_273, %dma_wait3A_279] : memref<80x128xi32, #tpu.memory_space<vmem>> -> memref<1x128xi32, #tpu.memory_space<vmem>>
      %dma_wait3A_281 = tpu.memref_squeeze %dma_wait3A_280 : memref<1x128xi32, #tpu.memory_space<vmem>> -> memref<128xi32, #tpu.memory_space<vmem>>
      %dma_wait3A_282 = arith.constant 0 : i32
      %dma_wait3A_283 = arith.constant 0 : i32
      %dma_wait3A_284 = tpu.memref_slice %arg2[%dma_wait3A_282, %dma_wait3A_283] : memref<10240x128xf32, #tpu.memory_space<hbm>> -> memref<10240x128xf32, #tpu.memory_space<hbm>>
      tpu.wait_indirect_dma semaphore(%arg13 : memref<!tpu.dma_semaphore, #tpu.memory_space<semaphore_mem>>) src(%dma_wait3A_284 : memref<10240x128xf32, #tpu.memory_space<hbm>>) dst(%dma_wait3A_278 : memref<128x128xf32, #tpu.memory_space<vmem>>)
      %add3A_285 = arith.constant 1 : i32
      %add3A_286 = arith.addi %add3A_273, %add3A_285 : i32
      %lt3A_287 = arith.constant 80 : i32
      %lt3A_288 = arith.cmpi slt, %add3A_286, %lt3A_287 : i32
      %convert_element_type3A_289 = arith.extui %lt3A_288 : i1 to i32
      %cond3A_290 = arith.constant 0 : i32
      %cond3A_291 = arith.cmpi ne, %convert_element_type3A_289, %cond3A_290 : i32
      scf.if %cond3A_291 {
        %add3A_356 = arith.constant 1 : i32
        %add3A_357 = arith.addi %add3A_273, %add3A_356 : i32
        %dma_start3A_358 = arith.constant 0 : i32
        %dma_start3A_359 = arith.constant 0 : i32
        %dma_start3A_360 = arith.constant 0 : i32
        %dma_start3A_361 = tpu.memref_slice %arg10[%dma_start3A_358, %dma_start3A_359, %dma_start3A_360] : memref<2x128x128xf32, #tpu.memory_space<vmem>> -> memref<1x128x128xf32, #tpu.memory_space<vmem>>
        %dma_start3A_362 = tpu.memref_squeeze %dma_start3A_361 : memref<1x128x128xf32, #tpu.memory_space<vmem>> -> memref<128x128xf32, #tpu.memory_space<vmem>>
        %dma_start3A_363 = arith.constant 0 : i32
        %dma_start3A_364 = tpu.memref_slice %arg7[%add3A_357, %dma_start3A_363] : memref<80x128xi32, #tpu.memory_space<vmem>> -> memref<1x128xi32, #tpu.memory_space<vmem>>
        %dma_start3A_365 = tpu.memref_squeeze %dma_start3A_364 : memref<1x128xi32, #tpu.memory_space<vmem>> -> memref<128xi32, #tpu.memory_space<vmem>>
        %dma_start3A_366 = arith.constant 0 : i32
        %dma_start3A_367 = arith.constant 0 : i32
        %dma_start3A_368 = tpu.memref_slice %arg2[%dma_start3A_366, %dma_start3A_367] : memref<10240x128xf32, #tpu.memory_space<hbm>> -> memref<10240x128xf32, #tpu.memory_space<hbm>>
        tpu.enqueue_indirect_dma source(%dma_start3A_368 : memref<10240x128xf32, #tpu.memory_space<hbm>>) target(%dma_start3A_362 : memref<128x128xf32, #tpu.memory_space<vmem>>) offsets(%dma_start3A_365 : memref<128xi32, #tpu.memory_space<vmem>>) semaphore(%arg12 : memref<!tpu.dma_semaphore, #tpu.memory_space<semaphore_mem>>)
      } else {
      }
      %run_scoped3A_292 = arith.constant 1 : i32
      %run_scoped3A_293 = arith.constant 0 : i32
      %run_scoped3A_294 = arith.constant 1 : i32
      "tpu.region"() ({
        %run_scoped3A_356 = tpu.sem_alloc : memref<!tpu.dma_semaphore, #tpu.memory_space<semaphore_mem>>
        %dma_start3A_357 = arith.constant 0 : i32
        %dma_start3A_358 = arith.constant 0 : i32
        %dma_start3A_359 = tpu.memref_slice %arg10[%run_scoped3A_292, %dma_start3A_357, %dma_start3A_358] : memref<2x128x128xf32, #tpu.memory_space<vmem>> -> memref<1x128x128xf32, #tpu.memory_space<vmem>>
        %dma_start3A_360 = tpu.memref_squeeze %dma_start3A_359 : memref<1x128x128xf32, #tpu.memory_space<vmem>> -> memref<128x128xf32, #tpu.memory_space<vmem>>
        %dma_start3A_361 = arith.constant 0 : i32
        %dma_start3A_362 = tpu.memref_slice %arg9[%run_scoped3A_293, %run_scoped3A_294, %dma_start3A_361] : memref<2x2x128xi32, #tpu.memory_space<vmem>> -> memref<1x1x128xi32, #tpu.memory_space<vmem>>
        %dma_start3A_363 = tpu.memref_squeeze %dma_start3A_362 : memref<1x1x128xi32, #tpu.memory_space<vmem>> -> memref<128xi32, #tpu.memory_space<vmem>>
        %dma_start3A_364 = arith.constant 0 : i32
        %dma_start3A_365 = arith.constant 0 : i32
        %dma_start3A_366 = tpu.memref_slice %arg11[%dma_start3A_364, %dma_start3A_365] : memref<10240x128xf32, #tpu.memory_space<vmem_shared>> -> memref<10240x128xf32, #tpu.memory_space<vmem_shared>>
        tpu.enqueue_indirect_dma source(%dma_start3A_360 : memref<128x128xf32, #tpu.memory_space<vmem>>) target(%dma_start3A_366 : memref<10240x128xf32, #tpu.memory_space<vmem_shared>>) offsets(%dma_start3A_363 : memref<128xi32, #tpu.memory_space<vmem>>) semaphore(%run_scoped3A_356 : memref<!tpu.dma_semaphore, #tpu.memory_space<semaphore_mem>>) {add = true}
        %dma_wait3A_367 = arith.constant 0 : i32
        %dma_wait3A_368 = arith.constant 0 : i32
        %dma_wait3A_369 = tpu.memref_slice %arg10[%run_scoped3A_292, %dma_wait3A_367, %dma_wait3A_368] : memref<2x128x128xf32, #tpu.memory_space<vmem>> -> memref<1x128x128xf32, #tpu.memory_space<vmem>>
        %dma_wait3A_370 = tpu.memref_squeeze %dma_wait3A_369 : memref<1x128x128xf32, #tpu.memory_space<vmem>> -> memref<128x128xf32, #tpu.memory_space<vmem>>
        %dma_wait3A_371 = arith.constant 0 : i32
        %dma_wait3A_372 = tpu.memref_slice %arg9[%run_scoped3A_293, %run_scoped3A_294, %dma_wait3A_371] : memref<2x2x128xi32, #tpu.memory_space<vmem>> -> memref<1x1x128xi32, #tpu.memory_space<vmem>>
        %dma_wait3A_373 = tpu.memref_squeeze %dma_wait3A_372 : memref<1x1x128xi32, #tpu.memory_space<vmem>> -> memref<128xi32, #tpu.memory_space<vmem>>
        %dma_wait3A_374 = arith.constant 0 : i32
        %dma_wait3A_375 = arith.constant 0 : i32
        %dma_wait3A_376 = tpu.memref_slice %arg11[%dma_wait3A_374, %dma_wait3A_375] : memref<10240x128xf32, #tpu.memory_space<vmem_shared>> -> memref<10240x128xf32, #tpu.memory_space<vmem_shared>>
        tpu.wait_indirect_dma semaphore(%run_scoped3A_356 : memref<!tpu.dma_semaphore, #tpu.memory_space<semaphore_mem>>) src(%dma_wait3A_370 : memref<128x128xf32, #tpu.memory_space<vmem>>) dst(%dma_wait3A_376 : memref<10240x128xf32, #tpu.memory_space<vmem_shared>>)
        tpu.yield
      }) : () -> ()
      %mul3A_295 = arith.constant 2 : i32
      %mul3A_296 = arith.muli %mul3A_295, %scan3A_238 : i32
      %add3A_297 = arith.constant 1 : i32
      %add3A_298 = arith.addi %mul3A_296, %add3A_297 : i32
      %add3A_299 = arith.constant 1 : i32
      %add3A_300 = arith.addi %add3A_298, %add3A_299 : i32
      %lt3A_301 = arith.constant 40 : i32
      %lt3A_302 = arith.cmpi slt, %add3A_300, %lt3A_301 : i32
      %convert_element_type3A_303 = arith.extui %lt3A_302 : i1 to i32
      %cond3A_304 = arith.constant 0 : i32
      %cond3A_305 = arith.cmpi ne, %convert_element_type3A_303, %cond3A_304 : i32
      scf.if %cond3A_305 {
        %add3A_356 = arith.constant 1 : i32
        %add3A_357 = arith.addi %add3A_298, %add3A_356 : i32
        %get3A_358 = arith.index_cast %add3A_357 : i32 to index
        %get3A_359 = arith.constant 0 : index
        %get3A_360 = tpu.vector_load %arg8[%get3A_358, %get3A_359] {strides = array<i32>} : memref<40x128xi32, #tpu.memory_space<vmem>>, vector<1x16xi32>,
        %get3A_361 = vector.shape_cast %get3A_360 : vector<1x16xi32> to vector<16xi32>
        %and3A_362 = arith.constant 65535 : i32
        %and3A_363 = vector.broadcast %and3A_362 : i32 to vector<16xi32>
        %and3A_364 = arith.andi %get3A_361, %and3A_363 : vector<16xi32>
        %shift_right_logical3A_365 = arith.constant 16 : i32
        %shift_right_logical3A_366 = vector.broadcast %shift_right_logical3A_365 : i32 to vector<16xi32>
        %shift_right_logical3A_367 = arith.shrui %get3A_361, %shift_right_logical3A_366 : vector<16xi32>
        %swap3A_368 = arith.constant 0 : i32
        %swap3A_369 = arith.constant 0 : i32
        %swap3A_370 = arith.index_cast %swap3A_368 : i32 to index
        %swap3A_371 = arith.index_cast %swap3A_369 : i32 to index
        %swap3A_372 = arith.constant 0 : index
        %swap3A_373 = tpu.vector_load %arg9[%swap3A_370, %swap3A_371, %swap3A_372] {strides = array<i32>} : memref<2x2x128xi32, #tpu.memory_space<vmem>>, vector<1x1x16xi32>,
        %swap3A_374 = vector.shape_cast %swap3A_373 : vector<1x1x16xi32> to vector<16xi32>
        %swap3A_375 = vector.shape_cast %and3A_364 : vector<16xi32> to vector<1x1x16xi32>
        tpu.vector_store %arg9[%swap3A_370, %swap3A_371, %swap3A_372], %swap3A_375 {strides = array<i32>} : memref<2x2x128xi32, #tpu.memory_space<vmem>>, vector<1x1x16xi32>,
        %swap3A_376 = arith.constant 0 : i32
        %swap3A_377 = arith.constant 0 : i32
        %swap3A_378 = arith.index_cast %swap3A_376 : i32 to index
        %swap3A_379 = arith.index_cast %swap3A_377 : i32 to index
        %swap3A_380 = arith.constant 16 : index
        %swap3A_381 = tpu.vector_load %arg9[%swap3A_378, %swap3A_379, %swap3A_380] {strides = array<i32>} : memref<2x2x128xi32, #tpu.memory_space<vmem>>, vector<1x1x16xi32>,
        %swap3A_382 = vector.shape_cast %swap3A_381 : vector<1x1x16xi32> to vector<16xi32>
        %swap3A_383 = vector.shape_cast %shift_right_logical3A_367 : vector<16xi32> to vector<1x1x16xi32>
        tpu.vector_store %arg9[%swap3A_378, %swap3A_379, %swap3A_380], %swap3A_383 {strides = array<i32>} : memref<2x2x128xi32, #tpu.memory_space<vmem>>, vector<1x1x16xi32>,
        %get3A_384 = arith.index_cast %add3A_357 : i32 to index
        %get3A_385 = arith.constant 16 : index
        %get3A_386 = tpu.vector_load %arg8[%get3A_384, %get3A_385] {strides = array<i32>} : memref<40x128xi32, #tpu.memory_space<vmem>>, vector<1x16xi32>,
        %get3A_387 = vector.shape_cast %get3A_386 : vector<1x16xi32> to vector<16xi32>
        %and3A_388 = arith.constant 65535 : i32
        %and3A_389 = vector.broadcast %and3A_388 : i32 to vector<16xi32>
        %and3A_390 = arith.andi %get3A_387, %and3A_389 : vector<16xi32>
        %shift_right_logical3A_391 = arith.constant 16 : i32
        %shift_right_logical3A_392 = vector.broadcast %shift_right_logical3A_391 : i32 to vector<16xi32>
        %shift_right_logical3A_393 = arith.shrui %get3A_387, %shift_right_logical3A_392 : vector<16xi32>
        %swap3A_394 = arith.constant 0 : i32
        %swap3A_395 = arith.constant 0 : i32
        %swap3A_396 = arith.index_cast %swap3A_394 : i32 to index
        %swap3A_397 = arith.index_cast %swap3A_395 : i32 to index
        %swap3A_398 = arith.constant 32 : index
        %swap3A_399 = tpu.vector_load %arg9[%swap3A_396, %swap3A_397, %swap3A_398] {strides = array<i32>} : memref<2x2x128xi32, #tpu.memory_space<vmem>>, vector<1x1x16xi32>,
        %swap3A_400 = vector.shape_cast %swap3A_399 : vector<1x1x16xi32> to vector<16xi32>
        %swap3A_401 = vector.shape_cast %and3A_390 : vector<16xi32> to vector<1x1x16xi32>
        tpu.vector_store %arg9[%swap3A_396, %swap3A_397, %swap3A_398], %swap3A_401 {strides = array<i32>} : memref<2x2x128xi32, #tpu.memory_space<vmem>>, vector<1x1x16xi32>,
        %swap3A_402 = arith.constant 0 : i32
        %swap3A_403 = arith.constant 0 : i32
        %swap3A_404 = arith.index_cast %swap3A_402 : i32 to index
        %swap3A_405 = arith.index_cast %swap3A_403 : i32 to index
        %swap3A_406 = arith.constant 48 : index
        %swap3A_407 = tpu.vector_load %arg9[%swap3A_404, %swap3A_405, %swap3A_406] {strides = array<i32>} : memref<2x2x128xi32, #tpu.memory_space<vmem>>, vector<1x1x16xi32>,
        %swap3A_408 = vector.shape_cast %swap3A_407 : vector<1x1x16xi32> to vector<16xi32>
        %swap3A_409 = vector.shape_cast %shift_right_logical3A_393 : vector<16xi32> to vector<1x1x16xi32>
        tpu.vector_store %arg9[%swap3A_404, %swap3A_405, %swap3A_406], %swap3A_409 {strides = array<i32>} : memref<2x2x128xi32, #tpu.memory_space<vmem>>, vector<1x1x16xi32>,
        %get3A_410 = arith.index_cast %add3A_357 : i32 to index
        %get3A_411 = arith.constant 32 : index
        %get3A_412 = tpu.vector_load %arg8[%get3A_410, %get3A_411] {strides = array<i32>} : memref<40x128xi32, #tpu.memory_space<vmem>>, vector<1x16xi32>,
        %get3A_413 = vector.shape_cast %get3A_412 : vector<1x16xi32> to vector<16xi32>
        %and3A_414 = arith.constant 65535 : i32
        %and3A_415 = vector.broadcast %and3A_414 : i32 to vector<16xi32>
        %and3A_416 = arith.andi %get3A_413, %and3A_415 : vector<16xi32>
        %shift_right_logical3A_417 = arith.constant 16 : i32
        %shift_right_logical3A_418 = vector.broadcast %shift_right_logical3A_417 : i32 to vector<16xi32>
        %shift_right_logical3A_419 = arith.shrui %get3A_413, %shift_right_logical3A_418 : vector<16xi32>
        %swap3A_420 = arith.constant 0 : i32
        %swap3A_421 = arith.constant 0 : i32
        %swap3A_422 = arith.index_cast %swap3A_420 : i32 to index
        %swap3A_423 = arith.index_cast %swap3A_421 : i32 to index
        %swap3A_424 = arith.constant 64 : index
        %swap3A_425 = tpu.vector_load %arg9[%swap3A_422, %swap3A_423, %swap3A_424] {strides = array<i32>} : memref<2x2x128xi32, #tpu.memory_space<vmem>>, vector<1x1x16xi32>,
        %swap3A_426 = vector.shape_cast %swap3A_425 : vector<1x1x16xi32> to vector<16xi32>
        %swap3A_427 = vector.shape_cast %and3A_416 : vector<16xi32> to vector<1x1x16xi32>
        tpu.vector_store %arg9[%swap3A_422, %swap3A_423, %swap3A_424], %swap3A_427 {strides = array<i32>} : memref<2x2x128xi32, #tpu.memory_space<vmem>>, vector<1x1x16xi32>,
        %swap3A_428 = arith.constant 0 : i32
        %swap3A_429 = arith.constant 0 : i32
        %swap3A_430 = arith.index_cast %swap3A_428 : i32 to index
        %swap3A_431 = arith.index_cast %swap3A_429 : i32 to index
        %swap3A_432 = arith.constant 80 : index
        %swap3A_433 = tpu.vector_load %arg9[%swap3A_430, %swap3A_431, %swap3A_432] {strides = array<i32>} : memref<2x2x128xi32, #tpu.memory_space<vmem>>, vector<1x1x16xi32>,
        %swap3A_434 = vector.shape_cast %swap3A_433 : vector<1x1x16xi32> to vector<16xi32>
        %swap3A_435 = vector.shape_cast %shift_right_logical3A_419 : vector<16xi32> to vector<1x1x16xi32>
        tpu.vector_store %arg9[%swap3A_430, %swap3A_431, %swap3A_432], %swap3A_435 {strides = array<i32>} : memref<2x2x128xi32, #tpu.memory_space<vmem>>, vector<1x1x16xi32>,
        %get3A_436 = arith.index_cast %add3A_357 : i32 to index
        %get3A_437 = arith.constant 48 : index
        %get3A_438 = tpu.vector_load %arg8[%get3A_436, %get3A_437] {strides = array<i32>} : memref<40x128xi32, #tpu.memory_space<vmem>>, vector<1x16xi32>,
        %get3A_439 = vector.shape_cast %get3A_438 : vector<1x16xi32> to vector<16xi32>
        %and3A_440 = arith.constant 65535 : i32
        %and3A_441 = vector.broadcast %and3A_440 : i32 to vector<16xi32>
        %and3A_442 = arith.andi %get3A_439, %and3A_441 : vector<16xi32>
        %shift_right_logical3A_443 = arith.constant 16 : i32
        %shift_right_logical3A_444 = vector.broadcast %shift_right_logical3A_443 : i32 to vector<16xi32>
        %shift_right_logical3A_445 = arith.shrui %get3A_439, %shift_right_logical3A_444 : vector<16xi32>
        %swap3A_446 = arith.constant 0 : i32
        %swap3A_447 = arith.constant 0 : i32
        %swap3A_448 = arith.index_cast %swap3A_446 : i32 to index
        %swap3A_449 = arith.index_cast %swap3A_447 : i32 to index
        %swap3A_450 = arith.constant 96 : index
        %swap3A_451 = tpu.vector_load %arg9[%swap3A_448, %swap3A_449, %swap3A_450] {strides = array<i32>} : memref<2x2x128xi32, #tpu.memory_space<vmem>>, vector<1x1x16xi32>,
        %swap3A_452 = vector.shape_cast %swap3A_451 : vector<1x1x16xi32> to vector<16xi32>
        %swap3A_453 = vector.shape_cast %and3A_442 : vector<16xi32> to vector<1x1x16xi32>
        tpu.vector_store %arg9[%swap3A_448, %swap3A_449, %swap3A_450], %swap3A_453 {strides = array<i32>} : memref<2x2x128xi32, #tpu.memory_space<vmem>>, vector<1x1x16xi32>,
        %swap3A_454 = arith.constant 0 : i32
        %swap3A_455 = arith.constant 0 : i32
        %swap3A_456 = arith.index_cast %swap3A_454 : i32 to index
        %swap3A_457 = arith.index_cast %swap3A_455 : i32 to index
        %swap3A_458 = arith.constant 112 : index
        %swap3A_459 = tpu.vector_load %arg9[%swap3A_456, %swap3A_457, %swap3A_458] {strides = array<i32>} : memref<2x2x128xi32, #tpu.memory_space<vmem>>, vector<1x1x16xi32>,
        %swap3A_460 = vector.shape_cast %swap3A_459 : vector<1x1x16xi32> to vector<16xi32>
        %swap3A_461 = vector.shape_cast %shift_right_logical3A_445 : vector<16xi32> to vector<1x1x16xi32>
        tpu.vector_store %arg9[%swap3A_456, %swap3A_457, %swap3A_458], %swap3A_461 {strides = array<i32>} : memref<2x2x128xi32, #tpu.memory_space<vmem>>, vector<1x1x16xi32>,
        %get3A_462 = arith.index_cast %add3A_357 : i32 to index
        %get3A_463 = arith.constant 64 : index
        %get3A_464 = tpu.vector_load %arg8[%get3A_462, %get3A_463] {strides = array<i32>} : memref<40x128xi32, #tpu.memory_space<vmem>>, vector<1x16xi32>,
        %get3A_465 = vector.shape_cast %get3A_464 : vector<1x16xi32> to vector<16xi32>
        %and3A_466 = arith.constant 65535 : i32
        %and3A_467 = vector.broadcast %and3A_466 : i32 to vector<16xi32>
        %and3A_468 = arith.andi %get3A_465, %and3A_467 : vector<16xi32>
        %shift_right_logical3A_469 = arith.constant 16 : i32
        %shift_right_logical3A_470 = vector.broadcast %shift_right_logical3A_469 : i32 to vector<16xi32>
        %shift_right_logical3A_471 = arith.shrui %get3A_465, %shift_right_logical3A_470 : vector<16xi32>
        %swap3A_472 = arith.constant 0 : i32
        %swap3A_473 = arith.constant 1 : i32
        %swap3A_474 = arith.index_cast %swap3A_472 : i32 to index
        %swap3A_475 = arith.index_cast %swap3A_473 : i32 to index
        %swap3A_476 = arith.constant 0 : index
        %swap3A_477 = tpu.vector_load %arg9[%swap3A_474, %swap3A_475, %swap3A_476] {strides = array<i32>} : memref<2x2x128xi32, #tpu.memory_space<vmem>>, vector<1x1x16xi32>,
        %swap3A_478 = vector.shape_cast %swap3A_477 : vector<1x1x16xi32> to vector<16xi32>
        %swap3A_479 = vector.shape_cast %and3A_468 : vector<16xi32> to vector<1x1x16xi32>
        tpu.vector_store %arg9[%swap3A_474, %swap3A_475, %swap3A_476], %swap3A_479 {strides = array<i32>} : memref<2x2x128xi32, #tpu.memory_space<vmem>>, vector<1x1x16xi32>,
        %swap3A_480 = arith.constant 0 : i32
        %swap3A_481 = arith.constant 1 : i32
        %swap3A_482 = arith.index_cast %swap3A_480 : i32 to index
        %swap3A_483 = arith.index_cast %swap3A_481 : i32 to index
        %swap3A_484 = arith.constant 16 : index
        %swap3A_485 = tpu.vector_load %arg9[%swap3A_482, %swap3A_483, %swap3A_484] {strides = array<i32>} : memref<2x2x128xi32, #tpu.memory_space<vmem>>, vector<1x1x16xi32>,
        %swap3A_486 = vector.shape_cast %swap3A_485 : vector<1x1x16xi32> to vector<16xi32>
        %swap3A_487 = vector.shape_cast %shift_right_logical3A_471 : vector<16xi32> to vector<1x1x16xi32>
        tpu.vector_store %arg9[%swap3A_482, %swap3A_483, %swap3A_484], %swap3A_487 {strides = array<i32>} : memref<2x2x128xi32, #tpu.memory_space<vmem>>, vector<1x1x16xi32>,
        %get3A_488 = arith.index_cast %add3A_357 : i32 to index
        %get3A_489 = arith.constant 80 : index
        %get3A_490 = tpu.vector_load %arg8[%get3A_488, %get3A_489] {strides = array<i32>} : memref<40x128xi32, #tpu.memory_space<vmem>>, vector<1x16xi32>,
        %get3A_491 = vector.shape_cast %get3A_490 : vector<1x16xi32> to vector<16xi32>
        %and3A_492 = arith.constant 65535 : i32
        %and3A_493 = vector.broadcast %and3A_492 : i32 to vector<16xi32>
        %and3A_494 = arith.andi %get3A_491, %and3A_493 : vector<16xi32>
        %shift_right_logical3A_495 = arith.constant 16 : i32
        %shift_right_logical3A_496 = vector.broadcast %shift_right_logical3A_495 : i32 to vector<16xi32>
        %shift_right_logical3A_497 = arith.shrui %get3A_491, %shift_right_logical3A_496 : vector<16xi32>
        %swap3A_498 = arith.constant 0 : i32
        %swap3A_499 = arith.constant 1 : i32
        %swap3A_500 = arith.index_cast %swap3A_498 : i32 to index
        %swap3A_501 = arith.index_cast %swap3A_499 : i32 to index
        %swap3A_502 = arith.constant 32 : index
        %swap3A_503 = tpu.vector_load %arg9[%swap3A_500, %swap3A_501, %swap3A_502] {strides = array<i32>} : memref<2x2x128xi32, #tpu.memory_space<vmem>>, vector<1x1x16xi32>,
        %swap3A_504 = vector.shape_cast %swap3A_503 : vector<1x1x16xi32> to vector<16xi32>
        %swap3A_505 = vector.shape_cast %and3A_494 : vector<16xi32> to vector<1x1x16xi32>
        tpu.vector_store %arg9[%swap3A_500, %swap3A_501, %swap3A_502], %swap3A_505 {strides = array<i32>} : memref<2x2x128xi32, #tpu.memory_space<vmem>>, vector<1x1x16xi32>,
        %swap3A_506 = arith.constant 0 : i32
        %swap3A_507 = arith.constant 1 : i32
        %swap3A_508 = arith.index_cast %swap3A_506 : i32 to index
        %swap3A_509 = arith.index_cast %swap3A_507 : i32 to index
        %swap3A_510 = arith.constant 48 : index
        %swap3A_511 = tpu.vector_load %arg9[%swap3A_508, %swap3A_509, %swap3A_510] {strides = array<i32>} : memref<2x2x128xi32, #tpu.memory_space<vmem>>, vector<1x1x16xi32>,
        %swap3A_512 = vector.shape_cast %swap3A_511 : vector<1x1x16xi32> to vector<16xi32>
        %swap3A_513 = vector.shape_cast %shift_right_logical3A_497 : vector<16xi32> to vector<1x1x16xi32>
        tpu.vector_store %arg9[%swap3A_508, %swap3A_509, %swap3A_510], %swap3A_513 {strides = array<i32>} : memref<2x2x128xi32, #tpu.memory_space<vmem>>, vector<1x1x16xi32>,
        %get3A_514 = arith.index_cast %add3A_357 : i32 to index
        %get3A_515 = arith.constant 96 : index
        %get3A_516 = tpu.vector_load %arg8[%get3A_514, %get3A_515] {strides = array<i32>} : memref<40x128xi32, #tpu.memory_space<vmem>>, vector<1x16xi32>,
        %get3A_517 = vector.shape_cast %get3A_516 : vector<1x16xi32> to vector<16xi32>
        %and3A_518 = arith.constant 65535 : i32
        %and3A_519 = vector.broadcast %and3A_518 : i32 to vector<16xi32>
        %and3A_520 = arith.andi %get3A_517, %and3A_519 : vector<16xi32>
        %shift_right_logical3A_521 = arith.constant 16 : i32
        %shift_right_logical3A_522 = vector.broadcast %shift_right_logical3A_521 : i32 to vector<16xi32>
        %shift_right_logical3A_523 = arith.shrui %get3A_517, %shift_right_logical3A_522 : vector<16xi32>
        %swap3A_524 = arith.constant 0 : i32
        %swap3A_525 = arith.constant 1 : i32
        %swap3A_526 = arith.index_cast %swap3A_524 : i32 to index
        %swap3A_527 = arith.index_cast %swap3A_525 : i32 to index
        %swap3A_528 = arith.constant 64 : index
        %swap3A_529 = tpu.vector_load %arg9[%swap3A_526, %swap3A_527, %swap3A_528] {strides = array<i32>} : memref<2x2x128xi32, #tpu.memory_space<vmem>>, vector<1x1x16xi32>,
        %swap3A_530 = vector.shape_cast %swap3A_529 : vector<1x1x16xi32> to vector<16xi32>
        %swap3A_531 = vector.shape_cast %and3A_520 : vector<16xi32> to vector<1x1x16xi32>
        tpu.vector_store %arg9[%swap3A_526, %swap3A_527, %swap3A_528], %swap3A_531 {strides = array<i32>} : memref<2x2x128xi32, #tpu.memory_space<vmem>>, vector<1x1x16xi32>,
        %swap3A_532 = arith.constant 0 : i32
        %swap3A_533 = arith.constant 1 : i32
        %swap3A_534 = arith.index_cast %swap3A_532 : i32 to index
        %swap3A_535 = arith.index_cast %swap3A_533 : i32 to index
        %swap3A_536 = arith.constant 80 : index
        %swap3A_537 = tpu.vector_load %arg9[%swap3A_534, %swap3A_535, %swap3A_536] {strides = array<i32>} : memref<2x2x128xi32, #tpu.memory_space<vmem>>, vector<1x1x16xi32>,
        %swap3A_538 = vector.shape_cast %swap3A_537 : vector<1x1x16xi32> to vector<16xi32>
        %swap3A_539 = vector.shape_cast %shift_right_logical3A_523 : vector<16xi32> to vector<1x1x16xi32>
        tpu.vector_store %arg9[%swap3A_534, %swap3A_535, %swap3A_536], %swap3A_539 {strides = array<i32>} : memref<2x2x128xi32, #tpu.memory_space<vmem>>, vector<1x1x16xi32>,
        %get3A_540 = arith.index_cast %add3A_357 : i32 to index
        %get3A_541 = arith.constant 112 : index
        %get3A_542 = tpu.vector_load %arg8[%get3A_540, %get3A_541] {strides = array<i32>} : memref<40x128xi32, #tpu.memory_space<vmem>>, vector<1x16xi32>,
        %get3A_543 = vector.shape_cast %get3A_542 : vector<1x16xi32> to vector<16xi32>
        %and3A_544 = arith.constant 65535 : i32
        %and3A_545 = vector.broadcast %and3A_544 : i32 to vector<16xi32>
        %and3A_546 = arith.andi %get3A_543, %and3A_545 : vector<16xi32>
        %shift_right_logical3A_547 = arith.constant 16 : i32
        %shift_right_logical3A_548 = vector.broadcast %shift_right_logical3A_547 : i32 to vector<16xi32>
        %shift_right_logical3A_549 = arith.shrui %get3A_543, %shift_right_logical3A_548 : vector<16xi32>
        %swap3A_550 = arith.constant 0 : i32
        %swap3A_551 = arith.constant 1 : i32
        %swap3A_552 = arith.index_cast %swap3A_550 : i32 to index
        %swap3A_553 = arith.index_cast %swap3A_551 : i32 to index
        %swap3A_554 = arith.constant 96 : index
        %swap3A_555 = tpu.vector_load %arg9[%swap3A_552, %swap3A_553, %swap3A_554] {strides = array<i32>} : memref<2x2x128xi32, #tpu.memory_space<vmem>>, vector<1x1x16xi32>,
        %swap3A_556 = vector.shape_cast %swap3A_555 : vector<1x1x16xi32> to vector<16xi32>
        %swap3A_557 = vector.shape_cast %and3A_546 : vector<16xi32> to vector<1x1x16xi32>
        tpu.vector_store %arg9[%swap3A_552, %swap3A_553, %swap3A_554], %swap3A_557 {strides = array<i32>} : memref<2x2x128xi32, #tpu.memory_space<vmem>>, vector<1x1x16xi32>,
        %swap3A_558 = arith.constant 0 : i32
        %swap3A_559 = arith.constant 1 : i32
        %swap3A_560 = arith.index_cast %swap3A_558 : i32 to index
        %swap3A_561 = arith.index_cast %swap3A_559 : i32 to index
        %swap3A_562 = arith.constant 112 : index
        %swap3A_563 = tpu.vector_load %arg9[%swap3A_560, %swap3A_561, %swap3A_562] {strides = array<i32>} : memref<2x2x128xi32, #tpu.memory_space<vmem>>, vector<1x1x16xi32>,
        %swap3A_564 = vector.shape_cast %swap3A_563 : vector<1x1x16xi32> to vector<16xi32>
        %swap3A_565 = vector.shape_cast %shift_right_logical3A_549 : vector<16xi32> to vector<1x1x16xi32>
        tpu.vector_store %arg9[%swap3A_560, %swap3A_561, %swap3A_562], %swap3A_565 {strides = array<i32>} : memref<2x2x128xi32, #tpu.memory_space<vmem>>, vector<1x1x16xi32>,
      } else {
      }
      %mul3A_306 = arith.constant 2 : i32
      %mul3A_307 = arith.muli %mul3A_306, %add3A_298 : i32
      %add3A_308 = arith.constant 0 : i32
      %add3A_309 = arith.addi %mul3A_307, %add3A_308 : i32
      %dma_wait3A_310 = arith.constant 0 : i32
      %dma_wait3A_311 = arith.constant 0 : i32
      %dma_wait3A_312 = arith.constant 0 : i32
      %dma_wait3A_313 = tpu.memref_slice %arg10[%dma_wait3A_310, %dma_wait3A_311, %dma_wait3A_312] : memref<2x128x128xf32, #tpu.memory_space<vmem>> -> memref<1x128x128xf32, #tpu.memory_space<vmem>>
      %dma_wait3A_314 = tpu.memref_squeeze %dma_wait3A_313 : memref<1x128x128xf32, #tpu.memory_space<vmem>> -> memref<128x128xf32, #tpu.memory_space<vmem>>
      %dma_wait3A_315 = arith.constant 0 : i32
      %dma_wait3A_316 = tpu.memref_slice %arg7[%add3A_309, %dma_wait3A_315] : memref<80x128xi32, #tpu.memory_space<vmem>> -> memref<1x128xi32, #tpu.memory_space<vmem>>
      %dma_wait3A_317 = tpu.memref_squeeze %dma_wait3A_316 : memref<1x128xi32, #tpu.memory_space<vmem>> -> memref<128xi32, #tpu.memory_space<vmem>>
      %dma_wait3A_318 = arith.constant 0 : i32
      %dma_wait3A_319 = arith.constant 0 : i32
      %dma_wait3A_320 = tpu.memref_slice %arg2[%dma_wait3A_318, %dma_wait3A_319] : memref<10240x128xf32, #tpu.memory_space<hbm>> -> memref<10240x128xf32, #tpu.memory_space<hbm>>
      tpu.wait_indirect_dma semaphore(%arg12 : memref<!tpu.dma_semaphore, #tpu.memory_space<semaphore_mem>>) src(%dma_wait3A_320 : memref<10240x128xf32, #tpu.memory_space<hbm>>) dst(%dma_wait3A_314 : memref<128x128xf32, #tpu.memory_space<vmem>>)
      %add3A_321 = arith.constant 1 : i32
      %add3A_322 = arith.addi %add3A_309, %add3A_321 : i32
      %lt3A_323 = arith.constant 80 : i32
      %lt3A_324 = arith.cmpi slt, %add3A_322, %lt3A_323 : i32
      %convert_element_type3A_325 = arith.extui %lt3A_324 : i1 to i32
      %cond3A_326 = arith.constant 0 : i32
      %cond3A_327 = arith.cmpi ne, %convert_element_type3A_325, %cond3A_326 : i32
      scf.if %cond3A_327 {
        %add3A_356 = arith.constant 1 : i32
        %add3A_357 = arith.addi %add3A_309, %add3A_356 : i32
        %dma_start3A_358 = arith.constant 1 : i32
        %dma_start3A_359 = arith.constant 0 : i32
        %dma_start3A_360 = arith.constant 0 : i32
        %dma_start3A_361 = tpu.memref_slice %arg10[%dma_start3A_358, %dma_start3A_359, %dma_start3A_360] : memref<2x128x128xf32, #tpu.memory_space<vmem>> -> memref<1x128x128xf32, #tpu.memory_space<vmem>>
        %dma_start3A_362 = tpu.memref_squeeze %dma_start3A_361 : memref<1x128x128xf32, #tpu.memory_space<vmem>> -> memref<128x128xf32, #tpu.memory_space<vmem>>
        %dma_start3A_363 = arith.constant 0 : i32
        %dma_start3A_364 = tpu.memref_slice %arg7[%add3A_357, %dma_start3A_363] : memref<80x128xi32, #tpu.memory_space<vmem>> -> memref<1x128xi32, #tpu.memory_space<vmem>>
        %dma_start3A_365 = tpu.memref_squeeze %dma_start3A_364 : memref<1x128xi32, #tpu.memory_space<vmem>> -> memref<128xi32, #tpu.memory_space<vmem>>
        %dma_start3A_366 = arith.constant 0 : i32
        %dma_start3A_367 = arith.constant 0 : i32
        %dma_start3A_368 = tpu.memref_slice %arg2[%dma_start3A_366, %dma_start3A_367] : memref<10240x128xf32, #tpu.memory_space<hbm>> -> memref<10240x128xf32, #tpu.memory_space<hbm>>
        tpu.enqueue_indirect_dma source(%dma_start3A_368 : memref<10240x128xf32, #tpu.memory_space<hbm>>) target(%dma_start3A_362 : memref<128x128xf32, #tpu.memory_space<vmem>>) offsets(%dma_start3A_365 : memref<128xi32, #tpu.memory_space<vmem>>) semaphore(%arg13 : memref<!tpu.dma_semaphore, #tpu.memory_space<semaphore_mem>>)
      } else {
      }
      %run_scoped3A_328 = arith.constant 0 : i32
      %run_scoped3A_329 = arith.constant 1 : i32
      %run_scoped3A_330 = arith.constant 0 : i32
      "tpu.region"() ({
        %run_scoped3A_356 = tpu.sem_alloc : memref<!tpu.dma_semaphore, #tpu.memory_space<semaphore_mem>>
        %dma_start3A_357 = arith.constant 0 : i32
        %dma_start3A_358 = arith.constant 0 : i32
        %dma_start3A_359 = tpu.memref_slice %arg10[%run_scoped3A_328, %dma_start3A_357, %dma_start3A_358] : memref<2x128x128xf32, #tpu.memory_space<vmem>> -> memref<1x128x128xf32, #tpu.memory_space<vmem>>
        %dma_start3A_360 = tpu.memref_squeeze %dma_start3A_359 : memref<1x128x128xf32, #tpu.memory_space<vmem>> -> memref<128x128xf32, #tpu.memory_space<vmem>>
        %dma_start3A_361 = arith.constant 0 : i32
        %dma_start3A_362 = tpu.memref_slice %arg9[%run_scoped3A_329, %run_scoped3A_330, %dma_start3A_361] : memref<2x2x128xi32, #tpu.memory_space<vmem>> -> memref<1x1x128xi32, #tpu.memory_space<vmem>>
        %dma_start3A_363 = tpu.memref_squeeze %dma_start3A_362 : memref<1x1x128xi32, #tpu.memory_space<vmem>> -> memref<128xi32, #tpu.memory_space<vmem>>
        %dma_start3A_364 = arith.constant 0 : i32
        %dma_start3A_365 = arith.constant 0 : i32
        %dma_start3A_366 = tpu.memref_slice %arg11[%dma_start3A_364, %dma_start3A_365] : memref<10240x128xf32, #tpu.memory_space<vmem_shared>> -> memref<10240x128xf32, #tpu.memory_space<vmem_shared>>
        tpu.enqueue_indirect_dma source(%dma_start3A_360 : memref<128x128xf32, #tpu.memory_space<vmem>>) target(%dma_start3A_366 : memref<10240x128xf32, #tpu.memory_space<vmem_shared>>) offsets(%dma_start3A_363 : memref<128xi32, #tpu.memory_space<vmem>>) semaphore(%run_scoped3A_356 : memref<!tpu.dma_semaphore, #tpu.memory_space<semaphore_mem>>) {add = true}
        %dma_wait3A_367 = arith.constant 0 : i32
        %dma_wait3A_368 = arith.constant 0 : i32
        %dma_wait3A_369 = tpu.memref_slice %arg10[%run_scoped3A_328, %dma_wait3A_367, %dma_wait3A_368] : memref<2x128x128xf32, #tpu.memory_space<vmem>> -> memref<1x128x128xf32, #tpu.memory_space<vmem>>
        %dma_wait3A_370 = tpu.memref_squeeze %dma_wait3A_369 : memref<1x128x128xf32, #tpu.memory_space<vmem>> -> memref<128x128xf32, #tpu.memory_space<vmem>>
        %dma_wait3A_371 = arith.constant 0 : i32
        %dma_wait3A_372 = tpu.memref_slice %arg9[%run_scoped3A_329, %run_scoped3A_330, %dma_wait3A_371] : memref<2x2x128xi32, #tpu.memory_space<vmem>> -> memref<1x1x128xi32, #tpu.memory_space<vmem>>
        %dma_wait3A_373 = tpu.memref_squeeze %dma_wait3A_372 : memref<1x1x128xi32, #tpu.memory_space<vmem>> -> memref<128xi32, #tpu.memory_space<vmem>>
        %dma_wait3A_374 = arith.constant 0 : i32
        %dma_wait3A_375 = arith.constant 0 : i32
        %dma_wait3A_376 = tpu.memref_slice %arg11[%dma_wait3A_374, %dma_wait3A_375] : memref<10240x128xf32, #tpu.memory_space<vmem_shared>> -> memref<10240x128xf32, #tpu.memory_space<vmem_shared>>
        tpu.wait_indirect_dma semaphore(%run_scoped3A_356 : memref<!tpu.dma_semaphore, #tpu.memory_space<semaphore_mem>>) src(%dma_wait3A_370 : memref<128x128xf32, #tpu.memory_space<vmem>>) dst(%dma_wait3A_376 : memref<10240x128xf32, #tpu.memory_space<vmem_shared>>)
        tpu.yield
      }) : () -> ()
      %mul3A_331 = arith.constant 2 : i32
      %mul3A_332 = arith.muli %mul3A_331, %add3A_298 : i32
      %add3A_333 = arith.constant 1 : i32
      %add3A_334 = arith.addi %mul3A_332, %add3A_333 : i32
      %dma_wait3A_335 = arith.constant 1 : i32
      %dma_wait3A_336 = arith.constant 0 : i32
      %dma_wait3A_337 = arith.constant 0 : i32
      %dma_wait3A_338 = tpu.memref_slice %arg10[%dma_wait3A_335, %dma_wait3A_336, %dma_wait3A_337] : memref<2x128x128xf32, #tpu.memory_space<vmem>> -> memref<1x128x128xf32, #tpu.memory_space<vmem>>
      %dma_wait3A_339 = tpu.memref_squeeze %dma_wait3A_338 : memref<1x128x128xf32, #tpu.memory_space<vmem>> -> memref<128x128xf32, #tpu.memory_space<vmem>>
      %dma_wait3A_340 = arith.constant 0 : i32
      %dma_wait3A_341 = tpu.memref_slice %arg7[%add3A_334, %dma_wait3A_340] : memref<80x128xi32, #tpu.memory_space<vmem>> -> memref<1x128xi32, #tpu.memory_space<vmem>>
      %dma_wait3A_342 = tpu.memref_squeeze %dma_wait3A_341 : memref<1x128xi32, #tpu.memory_space<vmem>> -> memref<128xi32, #tpu.memory_space<vmem>>
      %dma_wait3A_343 = arith.constant 0 : i32
      %dma_wait3A_344 = arith.constant 0 : i32
      %dma_wait3A_345 = tpu.memref_slice %arg2[%dma_wait3A_343, %dma_wait3A_344] : memref<10240x128xf32, #tpu.memory_space<hbm>> -> memref<10240x128xf32, #tpu.memory_space<hbm>>
      tpu.wait_indirect_dma semaphore(%arg13 : memref<!tpu.dma_semaphore, #tpu.memory_space<semaphore_mem>>) src(%dma_wait3A_345 : memref<10240x128xf32, #tpu.memory_space<hbm>>) dst(%dma_wait3A_339 : memref<128x128xf32, #tpu.memory_space<vmem>>)
      %add3A_346 = arith.constant 1 : i32
      %add3A_347 = arith.addi %add3A_334, %add3A_346 : i32
      %lt3A_348 = arith.constant 80 : i32
      %lt3A_349 = arith.cmpi slt, %add3A_347, %lt3A_348 : i32
      %convert_element_type3A_350 = arith.extui %lt3A_349 : i1 to i32
      %cond3A_351 = arith.constant 0 : i32
      %cond3A_352 = arith.cmpi ne, %convert_element_type3A_350, %cond3A_351 : i32
      scf.if %cond3A_352 {
        %add3A_356 = arith.constant 1 : i32
        %add3A_357 = arith.addi %add3A_334, %add3A_356 : i32
        %dma_start3A_358 = arith.constant 0 : i32
        %dma_start3A_359 = arith.constant 0 : i32
        %dma_start3A_360 = arith.constant 0 : i32
        %dma_start3A_361 = tpu.memref_slice %arg10[%dma_start3A_358, %dma_start3A_359, %dma_start3A_360] : memref<2x128x128xf32, #tpu.memory_space<vmem>> -> memref<1x128x128xf32, #tpu.memory_space<vmem>>
        %dma_start3A_362 = tpu.memref_squeeze %dma_start3A_361 : memref<1x128x128xf32, #tpu.memory_space<vmem>> -> memref<128x128xf32, #tpu.memory_space<vmem>>
        %dma_start3A_363 = arith.constant 0 : i32
        %dma_start3A_364 = tpu.memref_slice %arg7[%add3A_357, %dma_start3A_363] : memref<80x128xi32, #tpu.memory_space<vmem>> -> memref<1x128xi32, #tpu.memory_space<vmem>>
        %dma_start3A_365 = tpu.memref_squeeze %dma_start3A_364 : memref<1x128xi32, #tpu.memory_space<vmem>> -> memref<128xi32, #tpu.memory_space<vmem>>
        %dma_start3A_366 = arith.constant 0 : i32
        %dma_start3A_367 = arith.constant 0 : i32
        %dma_start3A_368 = tpu.memref_slice %arg2[%dma_start3A_366, %dma_start3A_367] : memref<10240x128xf32, #tpu.memory_space<hbm>> -> memref<10240x128xf32, #tpu.memory_space<hbm>>
        tpu.enqueue_indirect_dma source(%dma_start3A_368 : memref<10240x128xf32, #tpu.memory_space<hbm>>) target(%dma_start3A_362 : memref<128x128xf32, #tpu.memory_space<vmem>>) offsets(%dma_start3A_365 : memref<128xi32, #tpu.memory_space<vmem>>) semaphore(%arg12 : memref<!tpu.dma_semaphore, #tpu.memory_space<semaphore_mem>>)
      } else {
      }
      %run_scoped3A_353 = arith.constant 1 : i32
      %run_scoped3A_354 = arith.constant 1 : i32
      %run_scoped3A_355 = arith.constant 1 : i32
      "tpu.region"() ({
        %run_scoped3A_356 = tpu.sem_alloc : memref<!tpu.dma_semaphore, #tpu.memory_space<semaphore_mem>>
        %dma_start3A_357 = arith.constant 0 : i32
        %dma_start3A_358 = arith.constant 0 : i32
        %dma_start3A_359 = tpu.memref_slice %arg10[%run_scoped3A_353, %dma_start3A_357, %dma_start3A_358] : memref<2x128x128xf32, #tpu.memory_space<vmem>> -> memref<1x128x128xf32, #tpu.memory_space<vmem>>
        %dma_start3A_360 = tpu.memref_squeeze %dma_start3A_359 : memref<1x128x128xf32, #tpu.memory_space<vmem>> -> memref<128x128xf32, #tpu.memory_space<vmem>>
        %dma_start3A_361 = arith.constant 0 : i32
        %dma_start3A_362 = tpu.memref_slice %arg9[%run_scoped3A_354, %run_scoped3A_355, %dma_start3A_361] : memref<2x2x128xi32, #tpu.memory_space<vmem>> -> memref<1x1x128xi32, #tpu.memory_space<vmem>>
        %dma_start3A_363 = tpu.memref_squeeze %dma_start3A_362 : memref<1x1x128xi32, #tpu.memory_space<vmem>> -> memref<128xi32, #tpu.memory_space<vmem>>
        %dma_start3A_364 = arith.constant 0 : i32
        %dma_start3A_365 = arith.constant 0 : i32
        %dma_start3A_366 = tpu.memref_slice %arg11[%dma_start3A_364, %dma_start3A_365] : memref<10240x128xf32, #tpu.memory_space<vmem_shared>> -> memref<10240x128xf32, #tpu.memory_space<vmem_shared>>
        tpu.enqueue_indirect_dma source(%dma_start3A_360 : memref<128x128xf32, #tpu.memory_space<vmem>>) target(%dma_start3A_366 : memref<10240x128xf32, #tpu.memory_space<vmem_shared>>) offsets(%dma_start3A_363 : memref<128xi32, #tpu.memory_space<vmem>>) semaphore(%run_scoped3A_356 : memref<!tpu.dma_semaphore, #tpu.memory_space<semaphore_mem>>) {add = true}
        %dma_wait3A_367 = arith.constant 0 : i32
        %dma_wait3A_368 = arith.constant 0 : i32
        %dma_wait3A_369 = tpu.memref_slice %arg10[%run_scoped3A_353, %dma_wait3A_367, %dma_wait3A_368] : memref<2x128x128xf32, #tpu.memory_space<vmem>> -> memref<1x128x128xf32, #tpu.memory_space<vmem>>
        %dma_wait3A_370 = tpu.memref_squeeze %dma_wait3A_369 : memref<1x128x128xf32, #tpu.memory_space<vmem>> -> memref<128x128xf32, #tpu.memory_space<vmem>>
        %dma_wait3A_371 = arith.constant 0 : i32
        %dma_wait3A_372 = tpu.memref_slice %arg9[%run_scoped3A_354, %run_scoped3A_355, %dma_wait3A_371] : memref<2x2x128xi32, #tpu.memory_space<vmem>> -> memref<1x1x128xi32, #tpu.memory_space<vmem>>
        %dma_wait3A_373 = tpu.memref_squeeze %dma_wait3A_372 : memref<1x1x128xi32, #tpu.memory_space<vmem>> -> memref<128xi32, #tpu.memory_space<vmem>>
        %dma_wait3A_374 = arith.constant 0 : i32
        %dma_wait3A_375 = arith.constant 0 : i32
        %dma_wait3A_376 = tpu.memref_slice %arg11[%dma_wait3A_374, %dma_wait3A_375] : memref<10240x128xf32, #tpu.memory_space<vmem_shared>> -> memref<10240x128xf32, #tpu.memory_space<vmem_shared>>
        tpu.wait_indirect_dma semaphore(%run_scoped3A_356 : memref<!tpu.dma_semaphore, #tpu.memory_space<semaphore_mem>>) src(%dma_wait3A_370 : memref<128x128xf32, #tpu.memory_space<vmem>>) dst(%dma_wait3A_376 : memref<10240x128xf32, #tpu.memory_space<vmem_shared>>)
        tpu.yield
      }) : () -> ()
    }
    %scan3A_236 = arith.constant 20 : i32
    %barrier3A_237 = arith.constant 0 : index
    tpu.barrier barrier_id(%barrier3A_237)
    "tpu.region"() ({
      %run_scoped3A = tpu.sem_alloc : memref<!tpu.dma_semaphore, #tpu.memory_space<semaphore_mem>>
      %dma_start3A_238 = arith.constant 0 : i32
      %dma_start3A_239 = tpu.memref_slice %arg6[%arg0, %multiple_of3A, %dma_start3A_238] : memref<2x10240x128xf32, #tpu.memory_space<hbm>> -> memref<1x640x128xf32, #tpu.memory_space<hbm>>
      %dma_start3A_240 = tpu.memref_squeeze %dma_start3A_239 : memref<1x640x128xf32, #tpu.memory_space<hbm>> -> memref<640x128xf32, #tpu.memory_space<hbm>>
      %dma_start3A_241 = arith.constant 0 : i32
      %dma_start3A_242 = tpu.memref_slice %arg11[%multiple_of3A, %dma_start3A_241] : memref<10240x128xf32, #tpu.memory_space<vmem_shared>> -> memref<640x128xf32, #tpu.memory_space<vmem_shared>>
      tpu.enqueue_dma source(%dma_start3A_242 : memref<640x128xf32, #tpu.memory_space<vmem_shared>>) target(%dma_start3A_240 : memref<640x128xf32, #tpu.memory_space<hbm>>) target_semaphore(%run_scoped3A : memref<!tpu.dma_semaphore, #tpu.memory_space<semaphore_mem>>)
      %dma_wait3A = arith.constant 0 : i32
      %dma_wait3A_243 = tpu.memref_slice %arg6[%arg0, %multiple_of3A, %dma_wait3A] : memref<2x10240x128xf32, #tpu.memory_space<hbm>> -> memref<1x640x128xf32, #tpu.memory_space<hbm>>
      %dma_wait3A_244 = tpu.memref_squeeze %dma_wait3A_243 : memref<1x640x128xf32, #tpu.memory_space<hbm>> -> memref<640x128xf32, #tpu.memory_space<hbm>>
      %dma_wait3A_245 = arith.constant 0 : i32
      %dma_wait3A_246 = tpu.memref_slice %arg11[%multiple_of3A, %dma_wait3A_245] : memref<10240x128xf32, #tpu.memory_space<vmem_shared>> -> memref<640x128xf32, #tpu.memory_space<vmem_shared>>
      tpu.wait_dma2 semaphore(%run_scoped3A : memref<!tpu.dma_semaphore, #tpu.memory_space<semaphore_mem>>) src(%dma_wait3A_246 : memref<640x128xf32, #tpu.memory_space<vmem_shared>>) dst(%dma_wait3A_244 : memref<640x128xf32, #tpu.memory_space<hbm>>)
      tpu.yield
    }) : () -> ()
    return
  }
}

#map = affine_map<(d0, d1) -> (0, 0)>
#map1 = affine_map<(d0, d1) -> (0, 0, 0)>
module attributes {stable_mosaic.version = 14 : i64} {
  func.func @_sc_aggregate(%arg0: i32, %arg1: i32, %arg2: memref<10240x128xf32, #tpu.memory_space<hbm>>, %arg3: memref<2560x128xi32, #tpu.memory_space<hbm>>, %arg4: memref<1280x128xi32, #tpu.memory_space<hbm>>, %arg5: memref<640x128xf32, #tpu.memory_space<hbm>>, %arg6: memref<2x10240x128xf32, #tpu.memory_space<hbm>>, %arg7: memref<80x128xi32, #tpu.memory_space<vmem>>, %arg8: memref<40x128xi32, #tpu.memory_space<vmem>>, %arg9: memref<2x2x128xi32, #tpu.memory_space<vmem>>, %arg10: memref<2x128x128xf32, #tpu.memory_space<vmem>>, %arg11: memref<10240x128xf32, #tpu.memory_space<vmem_shared>>, %arg12: memref<!tpu.dma_semaphore, #tpu.memory_space<semaphore_mem>>, %arg13: memref<!tpu.dma_semaphore, #tpu.memory_space<semaphore_mem>>) attributes {dimension_semantics = [#tpu.dimension_semantics<core_parallel>, #tpu.dimension_semantics<subcore_parallel>], iteration_bounds = array<i64: 2, 16>, scalar_prefetch = 0 : i64, scratch_operands = 7 : i64, tpu.core_type = #tpu.core_type<sc_vector_subcore>, window_params = [{transform_indices = #map}, {transform_indices = #map}, {transform_indices = #map}, {transform_indices = #map}, {transform_indices = #map1}]} {
    %mul3A = arith.constant 16 : i32
    %mul3A_0 = arith.muli %arg0, %mul3A : i32
    %add3A = arith.addi %mul3A_0, %arg1 : i32
    %mul3A_1 = arith.constant 640 : i32
    %mul3A_2 = arith.muli %arg1, %mul3A_1 : i32
    %multiple_of3A = tpu.assume_multiple %mul3A_2, 640 : i32
    "tpu.region"() ({
      %run_scoped3A = tpu.sem_alloc : memref<!tpu.dma_semaphore, #tpu.memory_space<semaphore_mem>>
      %dma_start3A_238 = arith.constant 0 : i32
      %dma_start3A_239 = tpu.memref_slice %arg11[%multiple_of3A, %dma_start3A_238] : memref<10240x128xf32, #tpu.memory_space<vmem_shared>> -> memref<640x128xf32, #tpu.memory_space<vmem_shared>>
      tpu.enqueue_dma source(%arg5 : memref<640x128xf32, #tpu.memory_space<hbm>>) target(%dma_start3A_239 : memref<640x128xf32, #tpu.memory_space<vmem_shared>>) target_semaphore(%run_scoped3A : memref<!tpu.dma_semaphore, #tpu.memory_space<semaphore_mem>>)
      %dma_wait3A = arith.constant 0 : i32
      %dma_wait3A_240 = tpu.memref_slice %arg11[%multiple_of3A, %dma_wait3A] : memref<10240x128xf32, #tpu.memory_space<vmem_shared>> -> memref<640x128xf32, #tpu.memory_space<vmem_shared>>
      tpu.wait_dma2 semaphore(%run_scoped3A : memref<!tpu.dma_semaphore, #tpu.memory_space<semaphore_mem>>) src(%arg5 : memref<640x128xf32, #tpu.memory_space<hbm>>) dst(%dma_wait3A_240 : memref<640x128xf32, #tpu.memory_space<vmem_shared>>)
      tpu.yield
    }) : () -> ()
    %mul3A_3 = arith.constant 80 : i32
    %mul3A_4 = arith.muli %add3A, %mul3A_3 : i32
    %multiple_of3A_5 = tpu.assume_multiple %mul3A_4, 80 : i32
    "tpu.region"() ({
      %run_scoped3A = tpu.sem_alloc : memref<!tpu.dma_semaphore, #tpu.memory_space<semaphore_mem>>
      %dma_start3A_238 = arith.constant 0 : i32
      %dma_start3A_239 = tpu.memref_slice %arg3[%multiple_of3A_5, %dma_start3A_238] : memref<2560x128xi32, #tpu.memory_space<hbm>> -> memref<80x128xi32, #tpu.memory_space<hbm>>
      %dma_start3A_240 = arith.constant 0 : i32
      %dma_start3A_241 = tpu.memref_slice %arg3[%multiple_of3A_5, %dma_start3A_240] : memref<2560x128xi32, #tpu.memory_space<hbm>> -> memref<80x128xi32, #tpu.memory_space<hbm>>
      tpu.enqueue_dma source(%dma_start3A_241 : memref<80x128xi32, #tpu.memory_space<hbm>>) target(%arg7 : memref<80x128xi32, #tpu.memory_space<vmem>>) target_semaphore(%run_scoped3A : memref<!tpu.dma_semaphore, #tpu.memory_space<semaphore_mem>>)
      %dma_wait3A = arith.constant 0 : i32
      %dma_wait3A_242 = tpu.memref_slice %arg3[%multiple_of3A_5, %dma_wait3A] : memref<2560x128xi32, #tpu.memory_space<hbm>> -> memref<80x128xi32, #tpu.memory_space<hbm>>
      %dma_wait3A_243 = arith.constant 0 : i32
      %dma_wait3A_244 = tpu.memref_slice %arg3[%multiple_of3A_5, %dma_wait3A_243] : memref<2560x128xi32, #tpu.memory_space<hbm>> -> memref<80x128xi32, #tpu.memory_space<hbm>>
      tpu.wait_dma2 semaphore(%run_scoped3A : memref<!tpu.dma_semaphore, #tpu.memory_space<semaphore_mem>>) src(%dma_wait3A_244 : memref<80x128xi32, #tpu.memory_space<hbm>>) dst(%arg7 : memref<80x128xi32, #tpu.memory_space<vmem>>)
      tpu.yield
    }) : () -> ()
    %mul3A_6 = arith.constant 40 : i32
    %mul3A_7 = arith.muli %add3A, %mul3A_6 : i32
    %multiple_of3A_8 = tpu.assume_multiple %mul3A_7, 40 : i32
    "tpu.region"() ({
      %run_scoped3A = tpu.sem_alloc : memref<!tpu.dma_semaphore, #tpu.memory_space<semaphore_mem>>
      %dma_start3A_238 = arith.constant 0 : i32
      %dma_start3A_239 = tpu.memref_slice %arg4[%multiple_of3A_8, %dma_start3A_238] : memref<1280x128xi32, #tpu.memory_space<hbm>> -> memref<40x128xi32, #tpu.memory_space<hbm>>
      %dma_start3A_240 = arith.constant 0 : i32
      %dma_start3A_241 = tpu.memref_slice %arg4[%multiple_of3A_8, %dma_start3A_240] : memref<1280x128xi32, #tpu.memory_space<hbm>> -> memref<40x128xi32, #tpu.memory_space<hbm>>
      tpu.enqueue_dma source(%dma_start3A_241 : memref<40x128xi32, #tpu.memory_space<hbm>>) target(%arg8 : memref<40x128xi32, #tpu.memory_space<vmem>>) target_semaphore(%run_scoped3A : memref<!tpu.dma_semaphore, #tpu.memory_space<semaphore_mem>>)
      %dma_wait3A = arith.constant 0 : i32
      %dma_wait3A_242 = tpu.memref_slice %arg4[%multiple_of3A_8, %dma_wait3A] : memref<1280x128xi32, #tpu.memory_space<hbm>> -> memref<40x128xi32, #tpu.memory_space<hbm>>
      %dma_wait3A_243 = arith.constant 0 : i32
      %dma_wait3A_244 = tpu.memref_slice %arg4[%multiple_of3A_8, %dma_wait3A_243] : memref<1280x128xi32, #tpu.memory_space<hbm>> -> memref<40x128xi32, #tpu.memory_space<hbm>>
      tpu.wait_dma2 semaphore(%run_scoped3A : memref<!tpu.dma_semaphore, #tpu.memory_space<semaphore_mem>>) src(%dma_wait3A_244 : memref<40x128xi32, #tpu.memory_space<hbm>>) dst(%arg8 : memref<40x128xi32, #tpu.memory_space<vmem>>)
      tpu.yield
    }) : () -> ()
    %barrier3A = arith.constant 0 : index
    tpu.barrier barrier_id(%barrier3A)
    %get3A = arith.constant 0 : i32
    %get3A_9 = arith.index_cast %get3A : i32 to index
    %get3A_10 = arith.constant 0 : index
    %get3A_11 = tpu.vector_load %arg8[%get3A_9, %get3A_10] {strides = array<i32>} : memref<40x128xi32, #tpu.memory_space<vmem>>, vector<1x16xi32>,
    %get3A_12 = vector.shape_cast %get3A_11 : vector<1x16xi32> to vector<16xi32>
    %and3A = arith.constant 65535 : i32
    %and3A_13 = vector.broadcast %and3A : i32 to vector<16xi32>
    %and3A_14 = arith.andi %get3A_12, %and3A_13 : vector<16xi32>
    %shift_right_logical3A = arith.constant 16 : i32
    %shift_right_logical3A_15 = vector.broadcast %shift_right_logical3A : i32 to vector<16xi32>
    %shift_right_logical3A_16 = arith.shrui %get3A_12, %shift_right_logical3A_15 : vector<16xi32>
    %swap3A = arith.constant 0 : i32
    %swap3A_17 = arith.constant 0 : i32
    %swap3A_18 = arith.index_cast %swap3A : i32 to index
    %swap3A_19 = arith.index_cast %swap3A_17 : i32 to index
    %swap3A_20 = arith.constant 0 : index
    %swap3A_21 = tpu.vector_load %arg9[%swap3A_18, %swap3A_19, %swap3A_20] {strides = array<i32>} : memref<2x2x128xi32, #tpu.memory_space<vmem>>, vector<1x1x16xi32>,
    %swap3A_22 = vector.shape_cast %swap3A_21 : vector<1x1x16xi32> to vector<16xi32>
    %swap3A_23 = vector.shape_cast %and3A_14 : vector<16xi32> to vector<1x1x16xi32>
    tpu.vector_store %arg9[%swap3A_18, %swap3A_19, %swap3A_20], %swap3A_23 {strides = array<i32>} : memref<2x2x128xi32, #tpu.memory_space<vmem>>, vector<1x1x16xi32>,
    %swap3A_24 = arith.constant 0 : i32
    %swap3A_25 = arith.constant 0 : i32
    %swap3A_26 = arith.index_cast %swap3A_24 : i32 to index
    %swap3A_27 = arith.index_cast %swap3A_25 : i32 to index
    %swap3A_28 = arith.constant 16 : index
    %swap3A_29 = tpu.vector_load %arg9[%swap3A_26, %swap3A_27, %swap3A_28] {strides = array<i32>} : memref<2x2x128xi32, #tpu.memory_space<vmem>>, vector<1x1x16xi32>,
    %swap3A_30 = vector.shape_cast %swap3A_29 : vector<1x1x16xi32> to vector<16xi32>
    %swap3A_31 = vector.shape_cast %shift_right_logical3A_16 : vector<16xi32> to vector<1x1x16xi32>
    tpu.vector_store %arg9[%swap3A_26, %swap3A_27, %swap3A_28], %swap3A_31 {strides = array<i32>} : memref<2x2x128xi32, #tpu.memory_space<vmem>>, vector<1x1x16xi32>,
    %get3A_32 = arith.constant 0 : i32
    %get3A_33 = arith.index_cast %get3A_32 : i32 to index
    %get3A_34 = arith.constant 16 : index
    %get3A_35 = tpu.vector_load %arg8[%get3A_33, %get3A_34] {strides = array<i32>} : memref<40x128xi32, #tpu.memory_space<vmem>>, vector<1x16xi32>,
    %get3A_36 = vector.shape_cast %get3A_35 : vector<1x16xi32> to vector<16xi32>
    %and3A_37 = arith.constant 65535 : i32
    %and3A_38 = vector.broadcast %and3A_37 : i32 to vector<16xi32>
    %and3A_39 = arith.andi %get3A_36, %and3A_38 : vector<16xi32>
    %shift_right_logical3A_40 = arith.constant 16 : i32
    %shift_right_logical3A_41 = vector.broadcast %shift_right_logical3A_40 : i32 to vector<16xi32>
    %shift_right_logical3A_42 = arith.shrui %get3A_36, %shift_right_logical3A_41 : vector<16xi32>
    %swap3A_43 = arith.constant 0 : i32
    %swap3A_44 = arith.constant 0 : i32
    %swap3A_45 = arith.index_cast %swap3A_43 : i32 to index
    %swap3A_46 = arith.index_cast %swap3A_44 : i32 to index
    %swap3A_47 = arith.constant 32 : index
    %swap3A_48 = tpu.vector_load %arg9[%swap3A_45, %swap3A_46, %swap3A_47] {strides = array<i32>} : memref<2x2x128xi32, #tpu.memory_space<vmem>>, vector<1x1x16xi32>,
    %swap3A_49 = vector.shape_cast %swap3A_48 : vector<1x1x16xi32> to vector<16xi32>
    %swap3A_50 = vector.shape_cast %and3A_39 : vector<16xi32> to vector<1x1x16xi32>
    tpu.vector_store %arg9[%swap3A_45, %swap3A_46, %swap3A_47], %swap3A_50 {strides = array<i32>} : memref<2x2x128xi32, #tpu.memory_space<vmem>>, vector<1x1x16xi32>,
    %swap3A_51 = arith.constant 0 : i32
    %swap3A_52 = arith.constant 0 : i32
    %swap3A_53 = arith.index_cast %swap3A_51 : i32 to index
    %swap3A_54 = arith.index_cast %swap3A_52 : i32 to index
    %swap3A_55 = arith.constant 48 : index
    %swap3A_56 = tpu.vector_load %arg9[%swap3A_53, %swap3A_54, %swap3A_55] {strides = array<i32>} : memref<2x2x128xi32, #tpu.memory_space<vmem>>, vector<1x1x16xi32>,
    %swap3A_57 = vector.shape_cast %swap3A_56 : vector<1x1x16xi32> to vector<16xi32>
    %swap3A_58 = vector.shape_cast %shift_right_logical3A_42 : vector<16xi32> to vector<1x1x16xi32>
    tpu.vector_store %arg9[%swap3A_53, %swap3A_54, %swap3A_55], %swap3A_58 {strides = array<i32>} : memref<2x2x128xi32, #tpu.memory_space<vmem>>, vector<1x1x16xi32>,
    %get3A_59 = arith.constant 0 : i32
    %get3A_60 = arith.index_cast %get3A_59 : i32 to index
    %get3A_61 = arith.constant 32 : index
    %get3A_62 = tpu.vector_load %arg8[%get3A_60, %get3A_61] {strides = array<i32>} : memref<40x128xi32, #tpu.memory_space<vmem>>, vector<1x16xi32>,
    %get3A_63 = vector.shape_cast %get3A_62 : vector<1x16xi32> to vector<16xi32>
    %and3A_64 = arith.constant 65535 : i32
    %and3A_65 = vector.broadcast %and3A_64 : i32 to vector<16xi32>
    %and3A_66 = arith.andi %get3A_63, %and3A_65 : vector<16xi32>
    %shift_right_logical3A_67 = arith.constant 16 : i32
    %shift_right_logical3A_68 = vector.broadcast %shift_right_logical3A_67 : i32 to vector<16xi32>
    %shift_right_logical3A_69 = arith.shrui %get3A_63, %shift_right_logical3A_68 : vector<16xi32>
    %swap3A_70 = arith.constant 0 : i32
    %swap3A_71 = arith.constant 0 : i32
    %swap3A_72 = arith.index_cast %swap3A_70 : i32 to index
    %swap3A_73 = arith.index_cast %swap3A_71 : i32 to index
    %swap3A_74 = arith.constant 64 : index
    %swap3A_75 = tpu.vector_load %arg9[%swap3A_72, %swap3A_73, %swap3A_74] {strides = array<i32>} : memref<2x2x128xi32, #tpu.memory_space<vmem>>, vector<1x1x16xi32>,
    %swap3A_76 = vector.shape_cast %swap3A_75 : vector<1x1x16xi32> to vector<16xi32>
    %swap3A_77 = vector.shape_cast %and3A_66 : vector<16xi32> to vector<1x1x16xi32>
    tpu.vector_store %arg9[%swap3A_72, %swap3A_73, %swap3A_74], %swap3A_77 {strides = array<i32>} : memref<2x2x128xi32, #tpu.memory_space<vmem>>, vector<1x1x16xi32>,
    %swap3A_78 = arith.constant 0 : i32
    %swap3A_79 = arith.constant 0 : i32
    %swap3A_80 = arith.index_cast %swap3A_78 : i32 to index
    %swap3A_81 = arith.index_cast %swap3A_79 : i32 to index
    %swap3A_82 = arith.constant 80 : index
    %swap3A_83 = tpu.vector_load %arg9[%swap3A_80, %swap3A_81, %swap3A_82] {strides = array<i32>} : memref<2x2x128xi32, #tpu.memory_space<vmem>>, vector<1x1x16xi32>,
    %swap3A_84 = vector.shape_cast %swap3A_83 : vector<1x1x16xi32> to vector<16xi32>
    %swap3A_85 = vector.shape_cast %shift_right_logical3A_69 : vector<16xi32> to vector<1x1x16xi32>
    tpu.vector_store %arg9[%swap3A_80, %swap3A_81, %swap3A_82], %swap3A_85 {strides = array<i32>} : memref<2x2x128xi32, #tpu.memory_space<vmem>>, vector<1x1x16xi32>,
    %get3A_86 = arith.constant 0 : i32
    %get3A_87 = arith.index_cast %get3A_86 : i32 to index
    %get3A_88 = arith.constant 48 : index
    %get3A_89 = tpu.vector_load %arg8[%get3A_87, %get3A_88] {strides = array<i32>} : memref<40x128xi32, #tpu.memory_space<vmem>>, vector<1x16xi32>,
    %get3A_90 = vector.shape_cast %get3A_89 : vector<1x16xi32> to vector<16xi32>
    %and3A_91 = arith.constant 65535 : i32
    %and3A_92 = vector.broadcast %and3A_91 : i32 to vector<16xi32>
    %and3A_93 = arith.andi %get3A_90, %and3A_92 : vector<16xi32>
    %shift_right_logical3A_94 = arith.constant 16 : i32
    %shift_right_logical3A_95 = vector.broadcast %shift_right_logical3A_94 : i32 to vector<16xi32>
    %shift_right_logical3A_96 = arith.shrui %get3A_90, %shift_right_logical3A_95 : vector<16xi32>
    %swap3A_97 = arith.constant 0 : i32
    %swap3A_98 = arith.constant 0 : i32
    %swap3A_99 = arith.index_cast %swap3A_97 : i32 to index
    %swap3A_100 = arith.index_cast %swap3A_98 : i32 to index
    %swap3A_101 = arith.constant 96 : index
    %swap3A_102 = tpu.vector_load %arg9[%swap3A_99, %swap3A_100, %swap3A_101] {strides = array<i32>} : memref<2x2x128xi32, #tpu.memory_space<vmem>>, vector<1x1x16xi32>,
    %swap3A_103 = vector.shape_cast %swap3A_102 : vector<1x1x16xi32> to vector<16xi32>
    %swap3A_104 = vector.shape_cast %and3A_93 : vector<16xi32> to vector<1x1x16xi32>
    tpu.vector_store %arg9[%swap3A_99, %swap3A_100, %swap3A_101], %swap3A_104 {strides = array<i32>} : memref<2x2x128xi32, #tpu.memory_space<vmem>>, vector<1x1x16xi32>,
    %swap3A_105 = arith.constant 0 : i32
    %swap3A_106 = arith.constant 0 : i32
    %swap3A_107 = arith.index_cast %swap3A_105 : i32 to index
    %swap3A_108 = arith.index_cast %swap3A_106 : i32 to index
    %swap3A_109 = arith.constant 112 : index
    %swap3A_110 = tpu.vector_load %arg9[%swap3A_107, %swap3A_108, %swap3A_109] {strides = array<i32>} : memref<2x2x128xi32, #tpu.memory_space<vmem>>, vector<1x1x16xi32>,
    %swap3A_111 = vector.shape_cast %swap3A_110 : vector<1x1x16xi32> to vector<16xi32>
    %swap3A_112 = vector.shape_cast %shift_right_logical3A_96 : vector<16xi32> to vector<1x1x16xi32>
    tpu.vector_store %arg9[%swap3A_107, %swap3A_108, %swap3A_109], %swap3A_112 {strides = array<i32>} : memref<2x2x128xi32, #tpu.memory_space<vmem>>, vector<1x1x16xi32>,
    %get3A_113 = arith.constant 0 : i32
    %get3A_114 = arith.index_cast %get3A_113 : i32 to index
    %get3A_115 = arith.constant 64 : index
    %get3A_116 = tpu.vector_load %arg8[%get3A_114, %get3A_115] {strides = array<i32>} : memref<40x128xi32, #tpu.memory_space<vmem>>, vector<1x16xi32>,
    %get3A_117 = vector.shape_cast %get3A_116 : vector<1x16xi32> to vector<16xi32>
    %and3A_118 = arith.constant 65535 : i32
    %and3A_119 = vector.broadcast %and3A_118 : i32 to vector<16xi32>
    %and3A_120 = arith.andi %get3A_117, %and3A_119 : vector<16xi32>
    %shift_right_logical3A_121 = arith.constant 16 : i32
    %shift_right_logical3A_122 = vector.broadcast %shift_right_logical3A_121 : i32 to vector<16xi32>
    %shift_right_logical3A_123 = arith.shrui %get3A_117, %shift_right_logical3A_122 : vector<16xi32>
    %swap3A_124 = arith.constant 0 : i32
    %swap3A_125 = arith.constant 1 : i32
    %swap3A_126 = arith.index_cast %swap3A_124 : i32 to index
    %swap3A_127 = arith.index_cast %swap3A_125 : i32 to index
    %swap3A_128 = arith.constant 0 : index
    %swap3A_129 = tpu.vector_load %arg9[%swap3A_126, %swap3A_127, %swap3A_128] {strides = array<i32>} : memref<2x2x128xi32, #tpu.memory_space<vmem>>, vector<1x1x16xi32>,
    %swap3A_130 = vector.shape_cast %swap3A_129 : vector<1x1x16xi32> to vector<16xi32>
    %swap3A_131 = vector.shape_cast %and3A_120 : vector<16xi32> to vector<1x1x16xi32>
    tpu.vector_store %arg9[%swap3A_126, %swap3A_127, %swap3A_128], %swap3A_131 {strides = array<i32>} : memref<2x2x128xi32, #tpu.memory_space<vmem>>, vector<1x1x16xi32>,
    %swap3A_132 = arith.constant 0 : i32
    %swap3A_133 = arith.constant 1 : i32
    %swap3A_134 = arith.index_cast %swap3A_132 : i32 to index
    %swap3A_135 = arith.index_cast %swap3A_133 : i32 to index
    %swap3A_136 = arith.constant 16 : index
    %swap3A_137 = tpu.vector_load %arg9[%swap3A_134, %swap3A_135, %swap3A_136] {strides = array<i32>} : memref<2x2x128xi32, #tpu.memory_space<vmem>>, vector<1x1x16xi32>,
    %swap3A_138 = vector.shape_cast %swap3A_137 : vector<1x1x16xi32> to vector<16xi32>
    %swap3A_139 = vector.shape_cast %shift_right_logical3A_123 : vector<16xi32> to vector<1x1x16xi32>
    tpu.vector_store %arg9[%swap3A_134, %swap3A_135, %swap3A_136], %swap3A_139 {strides = array<i32>} : memref<2x2x128xi32, #tpu.memory_space<vmem>>, vector<1x1x16xi32>,
    %get3A_140 = arith.constant 0 : i32
    %get3A_141 = arith.index_cast %get3A_140 : i32 to index
    %get3A_142 = arith.constant 80 : index
    %get3A_143 = tpu.vector_load %arg8[%get3A_141, %get3A_142] {strides = array<i32>} : memref<40x128xi32, #tpu.memory_space<vmem>>, vector<1x16xi32>,
    %get3A_144 = vector.shape_cast %get3A_143 : vector<1x16xi32> to vector<16xi32>
    %and3A_145 = arith.constant 65535 : i32
    %and3A_146 = vector.broadcast %and3A_145 : i32 to vector<16xi32>
    %and3A_147 = arith.andi %get3A_144, %and3A_146 : vector<16xi32>
    %shift_right_logical3A_148 = arith.constant 16 : i32
    %shift_right_logical3A_149 = vector.broadcast %shift_right_logical3A_148 : i32 to vector<16xi32>
    %shift_right_logical3A_150 = arith.shrui %get3A_144, %shift_right_logical3A_149 : vector<16xi32>
    %swap3A_151 = arith.constant 0 : i32
    %swap3A_152 = arith.constant 1 : i32
    %swap3A_153 = arith.index_cast %swap3A_151 : i32 to index
    %swap3A_154 = arith.index_cast %swap3A_152 : i32 to index
    %swap3A_155 = arith.constant 32 : index
    %swap3A_156 = tpu.vector_load %arg9[%swap3A_153, %swap3A_154, %swap3A_155] {strides = array<i32>} : memref<2x2x128xi32, #tpu.memory_space<vmem>>, vector<1x1x16xi32>,
    %swap3A_157 = vector.shape_cast %swap3A_156 : vector<1x1x16xi32> to vector<16xi32>
    %swap3A_158 = vector.shape_cast %and3A_147 : vector<16xi32> to vector<1x1x16xi32>
    tpu.vector_store %arg9[%swap3A_153, %swap3A_154, %swap3A_155], %swap3A_158 {strides = array<i32>} : memref<2x2x128xi32, #tpu.memory_space<vmem>>, vector<1x1x16xi32>,
    %swap3A_159 = arith.constant 0 : i32
    %swap3A_160 = arith.constant 1 : i32
    %swap3A_161 = arith.index_cast %swap3A_159 : i32 to index
    %swap3A_162 = arith.index_cast %swap3A_160 : i32 to index
    %swap3A_163 = arith.constant 48 : index
    %swap3A_164 = tpu.vector_load %arg9[%swap3A_161, %swap3A_162, %swap3A_163] {strides = array<i32>} : memref<2x2x128xi32, #tpu.memory_space<vmem>>, vector<1x1x16xi32>,
    %swap3A_165 = vector.shape_cast %swap3A_164 : vector<1x1x16xi32> to vector<16xi32>
    %swap3A_166 = vector.shape_cast %shift_right_logical3A_150 : vector<16xi32> to vector<1x1x16xi32>
    tpu.vector_store %arg9[%swap3A_161, %swap3A_162, %swap3A_163], %swap3A_166 {strides = array<i32>} : memref<2x2x128xi32, #tpu.memory_space<vmem>>, vector<1x1x16xi32>,
    %get3A_167 = arith.constant 0 : i32
    %get3A_168 = arith.index_cast %get3A_167 : i32 to index
    %get3A_169 = arith.constant 96 : index
    %get3A_170 = tpu.vector_load %arg8[%get3A_168, %get3A_169] {strides = array<i32>} : memref<40x128xi32, #tpu.memory_space<vmem>>, vector<1x16xi32>,
    %get3A_171 = vector.shape_cast %get3A_170 : vector<1x16xi32> to vector<16xi32>
    %and3A_172 = arith.constant 65535 : i32
    %and3A_173 = vector.broadcast %and3A_172 : i32 to vector<16xi32>
    %and3A_174 = arith.andi %get3A_171, %and3A_173 : vector<16xi32>
    %shift_right_logical3A_175 = arith.constant 16 : i32
    %shift_right_logical3A_176 = vector.broadcast %shift_right_logical3A_175 : i32 to vector<16xi32>
    %shift_right_logical3A_177 = arith.shrui %get3A_171, %shift_right_logical3A_176 : vector<16xi32>
    %swap3A_178 = arith.constant 0 : i32
    %swap3A_179 = arith.constant 1 : i32
    %swap3A_180 = arith.index_cast %swap3A_178 : i32 to index
    %swap3A_181 = arith.index_cast %swap3A_179 : i32 to index
    %swap3A_182 = arith.constant 64 : index
    %swap3A_183 = tpu.vector_load %arg9[%swap3A_180, %swap3A_181, %swap3A_182] {strides = array<i32>} : memref<2x2x128xi32, #tpu.memory_space<vmem>>, vector<1x1x16xi32>,
    %swap3A_184 = vector.shape_cast %swap3A_183 : vector<1x1x16xi32> to vector<16xi32>
    %swap3A_185 = vector.shape_cast %and3A_174 : vector<16xi32> to vector<1x1x16xi32>
    tpu.vector_store %arg9[%swap3A_180, %swap3A_181, %swap3A_182], %swap3A_185 {strides = array<i32>} : memref<2x2x128xi32, #tpu.memory_space<vmem>>, vector<1x1x16xi32>,
    %swap3A_186 = arith.constant 0 : i32
    %swap3A_187 = arith.constant 1 : i32
    %swap3A_188 = arith.index_cast %swap3A_186 : i32 to index
    %swap3A_189 = arith.index_cast %swap3A_187 : i32 to index
    %swap3A_190 = arith.constant 80 : index
    %swap3A_191 = tpu.vector_load %arg9[%swap3A_188, %swap3A_189, %swap3A_190] {strides = array<i32>} : memref<2x2x128xi32, #tpu.memory_space<vmem>>, vector<1x1x16xi32>,
    %swap3A_192 = vector.shape_cast %swap3A_191 : vector<1x1x16xi32> to vector<16xi32>
    %swap3A_193 = vector.shape_cast %shift_right_logical3A_177 : vector<16xi32> to vector<1x1x16xi32>
    tpu.vector_store %arg9[%swap3A_188, %swap3A_189, %swap3A_190], %swap3A_193 {strides = array<i32>} : memref<2x2x128xi32, #tpu.memory_space<vmem>>, vector<1x1x16xi32>,
    %get3A_194 = arith.constant 0 : i32
    %get3A_195 = arith.index_cast %get3A_194 : i32 to index
    %get3A_196 = arith.constant 112 : index
    %get3A_197 = tpu.vector_load %arg8[%get3A_195, %get3A_196] {strides = array<i32>} : memref<40x128xi32, #tpu.memory_space<vmem>>, vector<1x16xi32>,
    %get3A_198 = vector.shape_cast %get3A_197 : vector<1x16xi32> to vector<16xi32>
    %and3A_199 = arith.constant 65535 : i32
    %and3A_200 = vector.broadcast %and3A_199 : i32 to vector<16xi32>
    %and3A_201 = arith.andi %get3A_198, %and3A_200 : vector<16xi32>
    %shift_right_logical3A_202 = arith.constant 16 : i32
    %shift_right_logical3A_203 = vector.broadcast %shift_right_logical3A_202 : i32 to vector<16xi32>
    %shift_right_logical3A_204 = arith.shrui %get3A_198, %shift_right_logical3A_203 : vector<16xi32>
    %swap3A_205 = arith.constant 0 : i32
    %swap3A_206 = arith.constant 1 : i32
    %swap3A_207 = arith.index_cast %swap3A_205 : i32 to index
    %swap3A_208 = arith.index_cast %swap3A_206 : i32 to index
    %swap3A_209 = arith.constant 96 : index
    %swap3A_210 = tpu.vector_load %arg9[%swap3A_207, %swap3A_208, %swap3A_209] {strides = array<i32>} : memref<2x2x128xi32, #tpu.memory_space<vmem>>, vector<1x1x16xi32>,
    %swap3A_211 = vector.shape_cast %swap3A_210 : vector<1x1x16xi32> to vector<16xi32>
    %swap3A_212 = vector.shape_cast %and3A_201 : vector<16xi32> to vector<1x1x16xi32>
    tpu.vector_store %arg9[%swap3A_207, %swap3A_208, %swap3A_209], %swap3A_212 {strides = array<i32>} : memref<2x2x128xi32, #tpu.memory_space<vmem>>, vector<1x1x16xi32>,
    %swap3A_213 = arith.constant 0 : i32
    %swap3A_214 = arith.constant 1 : i32
    %swap3A_215 = arith.index_cast %swap3A_213 : i32 to index
    %swap3A_216 = arith.index_cast %swap3A_214 : i32 to index
    %swap3A_217 = arith.constant 112 : index
    %swap3A_218 = tpu.vector_load %arg9[%swap3A_215, %swap3A_216, %swap3A_217] {strides = array<i32>} : memref<2x2x128xi32, #tpu.memory_space<vmem>>, vector<1x1x16xi32>,
    %swap3A_219 = vector.shape_cast %swap3A_218 : vector<1x1x16xi32> to vector<16xi32>
    %swap3A_220 = vector.shape_cast %shift_right_logical3A_204 : vector<16xi32> to vector<1x1x16xi32>
    tpu.vector_store %arg9[%swap3A_215, %swap3A_216, %swap3A_217], %swap3A_220 {strides = array<i32>} : memref<2x2x128xi32, #tpu.memory_space<vmem>>, vector<1x1x16xi32>,
    %dma_start3A = arith.constant 0 : i32
    %dma_start3A_221 = arith.constant 0 : i32
    %dma_start3A_222 = arith.constant 0 : i32
    %dma_start3A_223 = arith.constant 0 : i32
    %dma_start3A_224 = tpu.memref_slice %arg10[%dma_start3A_221, %dma_start3A_222, %dma_start3A_223] : memref<2x128x128xf32, #tpu.memory_space<vmem>> -> memref<1x128x128xf32, #tpu.memory_space<vmem>>
    %dma_start3A_225 = tpu.memref_squeeze %dma_start3A_224 : memref<1x128x128xf32, #tpu.memory_space<vmem>> -> memref<128x128xf32, #tpu.memory_space<vmem>>
    %dma_start3A_226 = arith.constant 0 : i32
    %dma_start3A_227 = tpu.memref_slice %arg7[%dma_start3A, %dma_start3A_226] : memref<80x128xi32, #tpu.memory_space<vmem>> -> memref<1x128xi32, #tpu.memory_space<vmem>>
    %dma_start3A_228 = tpu.memref_squeeze %dma_start3A_227 : memref<1x128xi32, #tpu.memory_space<vmem>> -> memref<128xi32, #tpu.memory_space<vmem>>
    %dma_start3A_229 = arith.constant 0 : i32
    %dma_start3A_230 = arith.constant 0 : i32
    %dma_start3A_231 = tpu.memref_slice %arg2[%dma_start3A_229, %dma_start3A_230] : memref<10240x128xf32, #tpu.memory_space<hbm>> -> memref<10240x128xf32, #tpu.memory_space<hbm>>
    tpu.enqueue_indirect_dma source(%dma_start3A_231 : memref<10240x128xf32, #tpu.memory_space<hbm>>) target(%dma_start3A_225 : memref<128x128xf32, #tpu.memory_space<vmem>>) offsets(%dma_start3A_228 : memref<128xi32, #tpu.memory_space<vmem>>) semaphore(%arg12 : memref<!tpu.dma_semaphore, #tpu.memory_space<semaphore_mem>>)
    %scan3A = arith.constant 0 : i32
    %scan3A_232 = arith.constant 0 : i32
    %scan3A_233 = arith.constant 20 : i32
    %scan3A_234 = arith.addi %scan3A_232, %scan3A_233 : i32
    %scan3A_235 = arith.constant 1 : i32
    scf.for %scan3A_238 = %scan3A_232 to %scan3A_234 step %scan3A_235  : i32 {
      %mul3A_239 = arith.constant 2 : i32
      %mul3A_240 = arith.muli %mul3A_239, %scan3A_238 : i32
      %add3A_241 = arith.constant 0 : i32
      %add3A_242 = arith.addi %mul3A_240, %add3A_241 : i32
      %add3A_243 = arith.constant 1 : i32
      %add3A_244 = arith.addi %add3A_242, %add3A_243 : i32
      %lt3A = arith.constant 40 : i32
      %lt3A_245 = arith.cmpi slt, %add3A_244, %lt3A : i32
      %convert_element_type3A = arith.extui %lt3A_245 : i1 to i32
      %cond3A = arith.constant 0 : i32
      %cond3A_246 = arith.cmpi ne, %convert_element_type3A, %cond3A : i32
      scf.if %cond3A_246 {
        %add3A_356 = arith.constant 1 : i32
        %add3A_357 = arith.addi %add3A_242, %add3A_356 : i32
        %get3A_358 = arith.index_cast %add3A_357 : i32 to index
        %get3A_359 = arith.constant 0 : index
        %get3A_360 = tpu.vector_load %arg8[%get3A_358, %get3A_359] {strides = array<i32>} : memref<40x128xi32, #tpu.memory_space<vmem>>, vector<1x16xi32>,
        %get3A_361 = vector.shape_cast %get3A_360 : vector<1x16xi32> to vector<16xi32>
        %and3A_362 = arith.constant 65535 : i32
        %and3A_363 = vector.broadcast %and3A_362 : i32 to vector<16xi32>
        %and3A_364 = arith.andi %get3A_361, %and3A_363 : vector<16xi32>
        %shift_right_logical3A_365 = arith.constant 16 : i32
        %shift_right_logical3A_366 = vector.broadcast %shift_right_logical3A_365 : i32 to vector<16xi32>
        %shift_right_logical3A_367 = arith.shrui %get3A_361, %shift_right_logical3A_366 : vector<16xi32>
        %swap3A_368 = arith.constant 1 : i32
        %swap3A_369 = arith.constant 0 : i32
        %swap3A_370 = arith.index_cast %swap3A_368 : i32 to index
        %swap3A_371 = arith.index_cast %swap3A_369 : i32 to index
        %swap3A_372 = arith.constant 0 : index
        %swap3A_373 = tpu.vector_load %arg9[%swap3A_370, %swap3A_371, %swap3A_372] {strides = array<i32>} : memref<2x2x128xi32, #tpu.memory_space<vmem>>, vector<1x1x16xi32>,
        %swap3A_374 = vector.shape_cast %swap3A_373 : vector<1x1x16xi32> to vector<16xi32>
        %swap3A_375 = vector.shape_cast %and3A_364 : vector<16xi32> to vector<1x1x16xi32>
        tpu.vector_store %arg9[%swap3A_370, %swap3A_371, %swap3A_372], %swap3A_375 {strides = array<i32>} : memref<2x2x128xi32, #tpu.memory_space<vmem>>, vector<1x1x16xi32>,
        %swap3A_376 = arith.constant 1 : i32
        %swap3A_377 = arith.constant 0 : i32
        %swap3A_378 = arith.index_cast %swap3A_376 : i32 to index
        %swap3A_379 = arith.index_cast %swap3A_377 : i32 to index
        %swap3A_380 = arith.constant 16 : index
        %swap3A_381 = tpu.vector_load %arg9[%swap3A_378, %swap3A_379, %swap3A_380] {strides = array<i32>} : memref<2x2x128xi32, #tpu.memory_space<vmem>>, vector<1x1x16xi32>,
        %swap3A_382 = vector.shape_cast %swap3A_381 : vector<1x1x16xi32> to vector<16xi32>
        %swap3A_383 = vector.shape_cast %shift_right_logical3A_367 : vector<16xi32> to vector<1x1x16xi32>
        tpu.vector_store %arg9[%swap3A_378, %swap3A_379, %swap3A_380], %swap3A_383 {strides = array<i32>} : memref<2x2x128xi32, #tpu.memory_space<vmem>>, vector<1x1x16xi32>,
        %get3A_384 = arith.index_cast %add3A_357 : i32 to index
        %get3A_385 = arith.constant 16 : index
        %get3A_386 = tpu.vector_load %arg8[%get3A_384, %get3A_385] {strides = array<i32>} : memref<40x128xi32, #tpu.memory_space<vmem>>, vector<1x16xi32>,
        %get3A_387 = vector.shape_cast %get3A_386 : vector<1x16xi32> to vector<16xi32>
        %and3A_388 = arith.constant 65535 : i32
        %and3A_389 = vector.broadcast %and3A_388 : i32 to vector<16xi32>
        %and3A_390 = arith.andi %get3A_387, %and3A_389 : vector<16xi32>
        %shift_right_logical3A_391 = arith.constant 16 : i32
        %shift_right_logical3A_392 = vector.broadcast %shift_right_logical3A_391 : i32 to vector<16xi32>
        %shift_right_logical3A_393 = arith.shrui %get3A_387, %shift_right_logical3A_392 : vector<16xi32>
        %swap3A_394 = arith.constant 1 : i32
        %swap3A_395 = arith.constant 0 : i32
        %swap3A_396 = arith.index_cast %swap3A_394 : i32 to index
        %swap3A_397 = arith.index_cast %swap3A_395 : i32 to index
        %swap3A_398 = arith.constant 32 : index
        %swap3A_399 = tpu.vector_load %arg9[%swap3A_396, %swap3A_397, %swap3A_398] {strides = array<i32>} : memref<2x2x128xi32, #tpu.memory_space<vmem>>, vector<1x1x16xi32>,
        %swap3A_400 = vector.shape_cast %swap3A_399 : vector<1x1x16xi32> to vector<16xi32>
        %swap3A_401 = vector.shape_cast %and3A_390 : vector<16xi32> to vector<1x1x16xi32>
        tpu.vector_store %arg9[%swap3A_396, %swap3A_397, %swap3A_398], %swap3A_401 {strides = array<i32>} : memref<2x2x128xi32, #tpu.memory_space<vmem>>, vector<1x1x16xi32>,
        %swap3A_402 = arith.constant 1 : i32
        %swap3A_403 = arith.constant 0 : i32
        %swap3A_404 = arith.index_cast %swap3A_402 : i32 to index
        %swap3A_405 = arith.index_cast %swap3A_403 : i32 to index
        %swap3A_406 = arith.constant 48 : index
        %swap3A_407 = tpu.vector_load %arg9[%swap3A_404, %swap3A_405, %swap3A_406] {strides = array<i32>} : memref<2x2x128xi32, #tpu.memory_space<vmem>>, vector<1x1x16xi32>,
        %swap3A_408 = vector.shape_cast %swap3A_407 : vector<1x1x16xi32> to vector<16xi32>
        %swap3A_409 = vector.shape_cast %shift_right_logical3A_393 : vector<16xi32> to vector<1x1x16xi32>
        tpu.vector_store %arg9[%swap3A_404, %swap3A_405, %swap3A_406], %swap3A_409 {strides = array<i32>} : memref<2x2x128xi32, #tpu.memory_space<vmem>>, vector<1x1x16xi32>,
        %get3A_410 = arith.index_cast %add3A_357 : i32 to index
        %get3A_411 = arith.constant 32 : index
        %get3A_412 = tpu.vector_load %arg8[%get3A_410, %get3A_411] {strides = array<i32>} : memref<40x128xi32, #tpu.memory_space<vmem>>, vector<1x16xi32>,
        %get3A_413 = vector.shape_cast %get3A_412 : vector<1x16xi32> to vector<16xi32>
        %and3A_414 = arith.constant 65535 : i32
        %and3A_415 = vector.broadcast %and3A_414 : i32 to vector<16xi32>
        %and3A_416 = arith.andi %get3A_413, %and3A_415 : vector<16xi32>
        %shift_right_logical3A_417 = arith.constant 16 : i32
        %shift_right_logical3A_418 = vector.broadcast %shift_right_logical3A_417 : i32 to vector<16xi32>
        %shift_right_logical3A_419 = arith.shrui %get3A_413, %shift_right_logical3A_418 : vector<16xi32>
        %swap3A_420 = arith.constant 1 : i32
        %swap3A_421 = arith.constant 0 : i32
        %swap3A_422 = arith.index_cast %swap3A_420 : i32 to index
        %swap3A_423 = arith.index_cast %swap3A_421 : i32 to index
        %swap3A_424 = arith.constant 64 : index
        %swap3A_425 = tpu.vector_load %arg9[%swap3A_422, %swap3A_423, %swap3A_424] {strides = array<i32>} : memref<2x2x128xi32, #tpu.memory_space<vmem>>, vector<1x1x16xi32>,
        %swap3A_426 = vector.shape_cast %swap3A_425 : vector<1x1x16xi32> to vector<16xi32>
        %swap3A_427 = vector.shape_cast %and3A_416 : vector<16xi32> to vector<1x1x16xi32>
        tpu.vector_store %arg9[%swap3A_422, %swap3A_423, %swap3A_424], %swap3A_427 {strides = array<i32>} : memref<2x2x128xi32, #tpu.memory_space<vmem>>, vector<1x1x16xi32>,
        %swap3A_428 = arith.constant 1 : i32
        %swap3A_429 = arith.constant 0 : i32
        %swap3A_430 = arith.index_cast %swap3A_428 : i32 to index
        %swap3A_431 = arith.index_cast %swap3A_429 : i32 to index
        %swap3A_432 = arith.constant 80 : index
        %swap3A_433 = tpu.vector_load %arg9[%swap3A_430, %swap3A_431, %swap3A_432] {strides = array<i32>} : memref<2x2x128xi32, #tpu.memory_space<vmem>>, vector<1x1x16xi32>,
        %swap3A_434 = vector.shape_cast %swap3A_433 : vector<1x1x16xi32> to vector<16xi32>
        %swap3A_435 = vector.shape_cast %shift_right_logical3A_419 : vector<16xi32> to vector<1x1x16xi32>
        tpu.vector_store %arg9[%swap3A_430, %swap3A_431, %swap3A_432], %swap3A_435 {strides = array<i32>} : memref<2x2x128xi32, #tpu.memory_space<vmem>>, vector<1x1x16xi32>,
        %get3A_436 = arith.index_cast %add3A_357 : i32 to index
        %get3A_437 = arith.constant 48 : index
        %get3A_438 = tpu.vector_load %arg8[%get3A_436, %get3A_437] {strides = array<i32>} : memref<40x128xi32, #tpu.memory_space<vmem>>, vector<1x16xi32>,
        %get3A_439 = vector.shape_cast %get3A_438 : vector<1x16xi32> to vector<16xi32>
        %and3A_440 = arith.constant 65535 : i32
        %and3A_441 = vector.broadcast %and3A_440 : i32 to vector<16xi32>
        %and3A_442 = arith.andi %get3A_439, %and3A_441 : vector<16xi32>
        %shift_right_logical3A_443 = arith.constant 16 : i32
        %shift_right_logical3A_444 = vector.broadcast %shift_right_logical3A_443 : i32 to vector<16xi32>
        %shift_right_logical3A_445 = arith.shrui %get3A_439, %shift_right_logical3A_444 : vector<16xi32>
        %swap3A_446 = arith.constant 1 : i32
        %swap3A_447 = arith.constant 0 : i32
        %swap3A_448 = arith.index_cast %swap3A_446 : i32 to index
        %swap3A_449 = arith.index_cast %swap3A_447 : i32 to index
        %swap3A_450 = arith.constant 96 : index
        %swap3A_451 = tpu.vector_load %arg9[%swap3A_448, %swap3A_449, %swap3A_450] {strides = array<i32>} : memref<2x2x128xi32, #tpu.memory_space<vmem>>, vector<1x1x16xi32>,
        %swap3A_452 = vector.shape_cast %swap3A_451 : vector<1x1x16xi32> to vector<16xi32>
        %swap3A_453 = vector.shape_cast %and3A_442 : vector<16xi32> to vector<1x1x16xi32>
        tpu.vector_store %arg9[%swap3A_448, %swap3A_449, %swap3A_450], %swap3A_453 {strides = array<i32>} : memref<2x2x128xi32, #tpu.memory_space<vmem>>, vector<1x1x16xi32>,
        %swap3A_454 = arith.constant 1 : i32
        %swap3A_455 = arith.constant 0 : i32
        %swap3A_456 = arith.index_cast %swap3A_454 : i32 to index
        %swap3A_457 = arith.index_cast %swap3A_455 : i32 to index
        %swap3A_458 = arith.constant 112 : index
        %swap3A_459 = tpu.vector_load %arg9[%swap3A_456, %swap3A_457, %swap3A_458] {strides = array<i32>} : memref<2x2x128xi32, #tpu.memory_space<vmem>>, vector<1x1x16xi32>,
        %swap3A_460 = vector.shape_cast %swap3A_459 : vector<1x1x16xi32> to vector<16xi32>
        %swap3A_461 = vector.shape_cast %shift_right_logical3A_445 : vector<16xi32> to vector<1x1x16xi32>
        tpu.vector_store %arg9[%swap3A_456, %swap3A_457, %swap3A_458], %swap3A_461 {strides = array<i32>} : memref<2x2x128xi32, #tpu.memory_space<vmem>>, vector<1x1x16xi32>,
        %get3A_462 = arith.index_cast %add3A_357 : i32 to index
        %get3A_463 = arith.constant 64 : index
        %get3A_464 = tpu.vector_load %arg8[%get3A_462, %get3A_463] {strides = array<i32>} : memref<40x128xi32, #tpu.memory_space<vmem>>, vector<1x16xi32>,
        %get3A_465 = vector.shape_cast %get3A_464 : vector<1x16xi32> to vector<16xi32>
        %and3A_466 = arith.constant 65535 : i32
        %and3A_467 = vector.broadcast %and3A_466 : i32 to vector<16xi32>
        %and3A_468 = arith.andi %get3A_465, %and3A_467 : vector<16xi32>
        %shift_right_logical3A_469 = arith.constant 16 : i32
        %shift_right_logical3A_470 = vector.broadcast %shift_right_logical3A_469 : i32 to vector<16xi32>
        %shift_right_logical3A_471 = arith.shrui %get3A_465, %shift_right_logical3A_470 : vector<16xi32>
        %swap3A_472 = arith.constant 1 : i32
        %swap3A_473 = arith.constant 1 : i32
        %swap3A_474 = arith.index_cast %swap3A_472 : i32 to index
        %swap3A_475 = arith.index_cast %swap3A_473 : i32 to index
        %swap3A_476 = arith.constant 0 : index
        %swap3A_477 = tpu.vector_load %arg9[%swap3A_474, %swap3A_475, %swap3A_476] {strides = array<i32>} : memref<2x2x128xi32, #tpu.memory_space<vmem>>, vector<1x1x16xi32>,
        %swap3A_478 = vector.shape_cast %swap3A_477 : vector<1x1x16xi32> to vector<16xi32>
        %swap3A_479 = vector.shape_cast %and3A_468 : vector<16xi32> to vector<1x1x16xi32>
        tpu.vector_store %arg9[%swap3A_474, %swap3A_475, %swap3A_476], %swap3A_479 {strides = array<i32>} : memref<2x2x128xi32, #tpu.memory_space<vmem>>, vector<1x1x16xi32>,
        %swap3A_480 = arith.constant 1 : i32
        %swap3A_481 = arith.constant 1 : i32
        %swap3A_482 = arith.index_cast %swap3A_480 : i32 to index
        %swap3A_483 = arith.index_cast %swap3A_481 : i32 to index
        %swap3A_484 = arith.constant 16 : index
        %swap3A_485 = tpu.vector_load %arg9[%swap3A_482, %swap3A_483, %swap3A_484] {strides = array<i32>} : memref<2x2x128xi32, #tpu.memory_space<vmem>>, vector<1x1x16xi32>,
        %swap3A_486 = vector.shape_cast %swap3A_485 : vector<1x1x16xi32> to vector<16xi32>
        %swap3A_487 = vector.shape_cast %shift_right_logical3A_471 : vector<16xi32> to vector<1x1x16xi32>
        tpu.vector_store %arg9[%swap3A_482, %swap3A_483, %swap3A_484], %swap3A_487 {strides = array<i32>} : memref<2x2x128xi32, #tpu.memory_space<vmem>>, vector<1x1x16xi32>,
        %get3A_488 = arith.index_cast %add3A_357 : i32 to index
        %get3A_489 = arith.constant 80 : index
        %get3A_490 = tpu.vector_load %arg8[%get3A_488, %get3A_489] {strides = array<i32>} : memref<40x128xi32, #tpu.memory_space<vmem>>, vector<1x16xi32>,
        %get3A_491 = vector.shape_cast %get3A_490 : vector<1x16xi32> to vector<16xi32>
        %and3A_492 = arith.constant 65535 : i32
        %and3A_493 = vector.broadcast %and3A_492 : i32 to vector<16xi32>
        %and3A_494 = arith.andi %get3A_491, %and3A_493 : vector<16xi32>
        %shift_right_logical3A_495 = arith.constant 16 : i32
        %shift_right_logical3A_496 = vector.broadcast %shift_right_logical3A_495 : i32 to vector<16xi32>
        %shift_right_logical3A_497 = arith.shrui %get3A_491, %shift_right_logical3A_496 : vector<16xi32>
        %swap3A_498 = arith.constant 1 : i32
        %swap3A_499 = arith.constant 1 : i32
        %swap3A_500 = arith.index_cast %swap3A_498 : i32 to index
        %swap3A_501 = arith.index_cast %swap3A_499 : i32 to index
        %swap3A_502 = arith.constant 32 : index
        %swap3A_503 = tpu.vector_load %arg9[%swap3A_500, %swap3A_501, %swap3A_502] {strides = array<i32>} : memref<2x2x128xi32, #tpu.memory_space<vmem>>, vector<1x1x16xi32>,
        %swap3A_504 = vector.shape_cast %swap3A_503 : vector<1x1x16xi32> to vector<16xi32>
        %swap3A_505 = vector.shape_cast %and3A_494 : vector<16xi32> to vector<1x1x16xi32>
        tpu.vector_store %arg9[%swap3A_500, %swap3A_501, %swap3A_502], %swap3A_505 {strides = array<i32>} : memref<2x2x128xi32, #tpu.memory_space<vmem>>, vector<1x1x16xi32>,
        %swap3A_506 = arith.constant 1 : i32
        %swap3A_507 = arith.constant 1 : i32
        %swap3A_508 = arith.index_cast %swap3A_506 : i32 to index
        %swap3A_509 = arith.index_cast %swap3A_507 : i32 to index
        %swap3A_510 = arith.constant 48 : index
        %swap3A_511 = tpu.vector_load %arg9[%swap3A_508, %swap3A_509, %swap3A_510] {strides = array<i32>} : memref<2x2x128xi32, #tpu.memory_space<vmem>>, vector<1x1x16xi32>,
        %swap3A_512 = vector.shape_cast %swap3A_511 : vector<1x1x16xi32> to vector<16xi32>
        %swap3A_513 = vector.shape_cast %shift_right_logical3A_497 : vector<16xi32> to vector<1x1x16xi32>
        tpu.vector_store %arg9[%swap3A_508, %swap3A_509, %swap3A_510], %swap3A_513 {strides = array<i32>} : memref<2x2x128xi32, #tpu.memory_space<vmem>>, vector<1x1x16xi32>,
        %get3A_514 = arith.index_cast %add3A_357 : i32 to index
        %get3A_515 = arith.constant 96 : index
        %get3A_516 = tpu.vector_load %arg8[%get3A_514, %get3A_515] {strides = array<i32>} : memref<40x128xi32, #tpu.memory_space<vmem>>, vector<1x16xi32>,
        %get3A_517 = vector.shape_cast %get3A_516 : vector<1x16xi32> to vector<16xi32>
        %and3A_518 = arith.constant 65535 : i32
        %and3A_519 = vector.broadcast %and3A_518 : i32 to vector<16xi32>
        %and3A_520 = arith.andi %get3A_517, %and3A_519 : vector<16xi32>
        %shift_right_logical3A_521 = arith.constant 16 : i32
        %shift_right_logical3A_522 = vector.broadcast %shift_right_logical3A_521 : i32 to vector<16xi32>
        %shift_right_logical3A_523 = arith.shrui %get3A_517, %shift_right_logical3A_522 : vector<16xi32>
        %swap3A_524 = arith.constant 1 : i32
        %swap3A_525 = arith.constant 1 : i32
        %swap3A_526 = arith.index_cast %swap3A_524 : i32 to index
        %swap3A_527 = arith.index_cast %swap3A_525 : i32 to index
        %swap3A_528 = arith.constant 64 : index
        %swap3A_529 = tpu.vector_load %arg9[%swap3A_526, %swap3A_527, %swap3A_528] {strides = array<i32>} : memref<2x2x128xi32, #tpu.memory_space<vmem>>, vector<1x1x16xi32>,
        %swap3A_530 = vector.shape_cast %swap3A_529 : vector<1x1x16xi32> to vector<16xi32>
        %swap3A_531 = vector.shape_cast %and3A_520 : vector<16xi32> to vector<1x1x16xi32>
        tpu.vector_store %arg9[%swap3A_526, %swap3A_527, %swap3A_528], %swap3A_531 {strides = array<i32>} : memref<2x2x128xi32, #tpu.memory_space<vmem>>, vector<1x1x16xi32>,
        %swap3A_532 = arith.constant 1 : i32
        %swap3A_533 = arith.constant 1 : i32
        %swap3A_534 = arith.index_cast %swap3A_532 : i32 to index
        %swap3A_535 = arith.index_cast %swap3A_533 : i32 to index
        %swap3A_536 = arith.constant 80 : index
        %swap3A_537 = tpu.vector_load %arg9[%swap3A_534, %swap3A_535, %swap3A_536] {strides = array<i32>} : memref<2x2x128xi32, #tpu.memory_space<vmem>>, vector<1x1x16xi32>,
        %swap3A_538 = vector.shape_cast %swap3A_537 : vector<1x1x16xi32> to vector<16xi32>
        %swap3A_539 = vector.shape_cast %shift_right_logical3A_523 : vector<16xi32> to vector<1x1x16xi32>
        tpu.vector_store %arg9[%swap3A_534, %swap3A_535, %swap3A_536], %swap3A_539 {strides = array<i32>} : memref<2x2x128xi32, #tpu.memory_space<vmem>>, vector<1x1x16xi32>,
        %get3A_540 = arith.index_cast %add3A_357 : i32 to index
        %get3A_541 = arith.constant 112 : index
        %get3A_542 = tpu.vector_load %arg8[%get3A_540, %get3A_541] {strides = array<i32>} : memref<40x128xi32, #tpu.memory_space<vmem>>, vector<1x16xi32>,
        %get3A_543 = vector.shape_cast %get3A_542 : vector<1x16xi32> to vector<16xi32>
        %and3A_544 = arith.constant 65535 : i32
        %and3A_545 = vector.broadcast %and3A_544 : i32 to vector<16xi32>
        %and3A_546 = arith.andi %get3A_543, %and3A_545 : vector<16xi32>
        %shift_right_logical3A_547 = arith.constant 16 : i32
        %shift_right_logical3A_548 = vector.broadcast %shift_right_logical3A_547 : i32 to vector<16xi32>
        %shift_right_logical3A_549 = arith.shrui %get3A_543, %shift_right_logical3A_548 : vector<16xi32>
        %swap3A_550 = arith.constant 1 : i32
        %swap3A_551 = arith.constant 1 : i32
        %swap3A_552 = arith.index_cast %swap3A_550 : i32 to index
        %swap3A_553 = arith.index_cast %swap3A_551 : i32 to index
        %swap3A_554 = arith.constant 96 : index
        %swap3A_555 = tpu.vector_load %arg9[%swap3A_552, %swap3A_553, %swap3A_554] {strides = array<i32>} : memref<2x2x128xi32, #tpu.memory_space<vmem>>, vector<1x1x16xi32>,
        %swap3A_556 = vector.shape_cast %swap3A_555 : vector<1x1x16xi32> to vector<16xi32>
        %swap3A_557 = vector.shape_cast %and3A_546 : vector<16xi32> to vector<1x1x16xi32>
        tpu.vector_store %arg9[%swap3A_552, %swap3A_553, %swap3A_554], %swap3A_557 {strides = array<i32>} : memref<2x2x128xi32, #tpu.memory_space<vmem>>, vector<1x1x16xi32>,
        %swap3A_558 = arith.constant 1 : i32
        %swap3A_559 = arith.constant 1 : i32
        %swap3A_560 = arith.index_cast %swap3A_558 : i32 to index
        %swap3A_561 = arith.index_cast %swap3A_559 : i32 to index
        %swap3A_562 = arith.constant 112 : index
        %swap3A_563 = tpu.vector_load %arg9[%swap3A_560, %swap3A_561, %swap3A_562] {strides = array<i32>} : memref<2x2x128xi32, #tpu.memory_space<vmem>>, vector<1x1x16xi32>,
        %swap3A_564 = vector.shape_cast %swap3A_563 : vector<1x1x16xi32> to vector<16xi32>
        %swap3A_565 = vector.shape_cast %shift_right_logical3A_549 : vector<16xi32> to vector<1x1x16xi32>
        tpu.vector_store %arg9[%swap3A_560, %swap3A_561, %swap3A_562], %swap3A_565 {strides = array<i32>} : memref<2x2x128xi32, #tpu.memory_space<vmem>>, vector<1x1x16xi32>,
      } else {
      }
      %mul3A_247 = arith.constant 2 : i32
      %mul3A_248 = arith.muli %mul3A_247, %add3A_242 : i32
      %add3A_249 = arith.constant 0 : i32
      %add3A_250 = arith.addi %mul3A_248, %add3A_249 : i32
      %dma_wait3A = arith.constant 0 : i32
      %dma_wait3A_251 = arith.constant 0 : i32
      %dma_wait3A_252 = arith.constant 0 : i32
      %dma_wait3A_253 = tpu.memref_slice %arg10[%dma_wait3A, %dma_wait3A_251, %dma_wait3A_252] : memref<2x128x128xf32, #tpu.memory_space<vmem>> -> memref<1x128x128xf32, #tpu.memory_space<vmem>>
      %dma_wait3A_254 = tpu.memref_squeeze %dma_wait3A_253 : memref<1x128x128xf32, #tpu.memory_space<vmem>> -> memref<128x128xf32, #tpu.memory_space<vmem>>
      %dma_wait3A_255 = arith.constant 0 : i32
      %dma_wait3A_256 = tpu.memref_slice %arg7[%add3A_250, %dma_wait3A_255] : memref<80x128xi32, #tpu.memory_space<vmem>> -> memref<1x128xi32, #tpu.memory_space<vmem>>
      %dma_wait3A_257 = tpu.memref_squeeze %dma_wait3A_256 : memref<1x128xi32, #tpu.memory_space<vmem>> -> memref<128xi32, #tpu.memory_space<vmem>>
      %dma_wait3A_258 = arith.constant 0 : i32
      %dma_wait3A_259 = arith.constant 0 : i32
      %dma_wait3A_260 = tpu.memref_slice %arg2[%dma_wait3A_258, %dma_wait3A_259] : memref<10240x128xf32, #tpu.memory_space<hbm>> -> memref<10240x128xf32, #tpu.memory_space<hbm>>
      tpu.wait_indirect_dma semaphore(%arg12 : memref<!tpu.dma_semaphore, #tpu.memory_space<semaphore_mem>>) src(%dma_wait3A_260 : memref<10240x128xf32, #tpu.memory_space<hbm>>) dst(%dma_wait3A_254 : memref<128x128xf32, #tpu.memory_space<vmem>>)
      %add3A_261 = arith.constant 1 : i32
      %add3A_262 = arith.addi %add3A_250, %add3A_261 : i32
      %lt3A_263 = arith.constant 80 : i32
      %lt3A_264 = arith.cmpi slt, %add3A_262, %lt3A_263 : i32
      %convert_element_type3A_265 = arith.extui %lt3A_264 : i1 to i32
      %cond3A_266 = arith.constant 0 : i32
      %cond3A_267 = arith.cmpi ne, %convert_element_type3A_265, %cond3A_266 : i32
      scf.if %cond3A_267 {
        %add3A_356 = arith.constant 1 : i32
        %add3A_357 = arith.addi %add3A_250, %add3A_356 : i32
        %dma_start3A_358 = arith.constant 1 : i32
        %dma_start3A_359 = arith.constant 0 : i32
        %dma_start3A_360 = arith.constant 0 : i32
        %dma_start3A_361 = tpu.memref_slice %arg10[%dma_start3A_358, %dma_start3A_359, %dma_start3A_360] : memref<2x128x128xf32, #tpu.memory_space<vmem>> -> memref<1x128x128xf32, #tpu.memory_space<vmem>>
        %dma_start3A_362 = tpu.memref_squeeze %dma_start3A_361 : memref<1x128x128xf32, #tpu.memory_space<vmem>> -> memref<128x128xf32, #tpu.memory_space<vmem>>
        %dma_start3A_363 = arith.constant 0 : i32
        %dma_start3A_364 = tpu.memref_slice %arg7[%add3A_357, %dma_start3A_363] : memref<80x128xi32, #tpu.memory_space<vmem>> -> memref<1x128xi32, #tpu.memory_space<vmem>>
        %dma_start3A_365 = tpu.memref_squeeze %dma_start3A_364 : memref<1x128xi32, #tpu.memory_space<vmem>> -> memref<128xi32, #tpu.memory_space<vmem>>
        %dma_start3A_366 = arith.constant 0 : i32
        %dma_start3A_367 = arith.constant 0 : i32
        %dma_start3A_368 = tpu.memref_slice %arg2[%dma_start3A_366, %dma_start3A_367] : memref<10240x128xf32, #tpu.memory_space<hbm>> -> memref<10240x128xf32, #tpu.memory_space<hbm>>
        tpu.enqueue_indirect_dma source(%dma_start3A_368 : memref<10240x128xf32, #tpu.memory_space<hbm>>) target(%dma_start3A_362 : memref<128x128xf32, #tpu.memory_space<vmem>>) offsets(%dma_start3A_365 : memref<128xi32, #tpu.memory_space<vmem>>) semaphore(%arg13 : memref<!tpu.dma_semaphore, #tpu.memory_space<semaphore_mem>>)
      } else {
      }
      %run_scoped3A = arith.constant 0 : i32
      %run_scoped3A_268 = arith.constant 0 : i32
      %run_scoped3A_269 = arith.constant 0 : i32
      "tpu.region"() ({
        %run_scoped3A_356 = tpu.sem_alloc : memref<!tpu.dma_semaphore, #tpu.memory_space<semaphore_mem>>
        %dma_start3A_357 = arith.constant 0 : i32
        %dma_start3A_358 = arith.constant 0 : i32
        %dma_start3A_359 = tpu.memref_slice %arg10[%run_scoped3A, %dma_start3A_357, %dma_start3A_358] : memref<2x128x128xf32, #tpu.memory_space<vmem>> -> memref<1x128x128xf32, #tpu.memory_space<vmem>>
        %dma_start3A_360 = tpu.memref_squeeze %dma_start3A_359 : memref<1x128x128xf32, #tpu.memory_space<vmem>> -> memref<128x128xf32, #tpu.memory_space<vmem>>
        %dma_start3A_361 = arith.constant 0 : i32
        %dma_start3A_362 = tpu.memref_slice %arg9[%run_scoped3A_268, %run_scoped3A_269, %dma_start3A_361] : memref<2x2x128xi32, #tpu.memory_space<vmem>> -> memref<1x1x128xi32, #tpu.memory_space<vmem>>
        %dma_start3A_363 = tpu.memref_squeeze %dma_start3A_362 : memref<1x1x128xi32, #tpu.memory_space<vmem>> -> memref<128xi32, #tpu.memory_space<vmem>>
        %dma_start3A_364 = arith.constant 0 : i32
        %dma_start3A_365 = arith.constant 0 : i32
        %dma_start3A_366 = tpu.memref_slice %arg11[%dma_start3A_364, %dma_start3A_365] : memref<10240x128xf32, #tpu.memory_space<vmem_shared>> -> memref<10240x128xf32, #tpu.memory_space<vmem_shared>>
        tpu.enqueue_indirect_dma source(%dma_start3A_360 : memref<128x128xf32, #tpu.memory_space<vmem>>) target(%dma_start3A_366 : memref<10240x128xf32, #tpu.memory_space<vmem_shared>>) offsets(%dma_start3A_363 : memref<128xi32, #tpu.memory_space<vmem>>) semaphore(%run_scoped3A_356 : memref<!tpu.dma_semaphore, #tpu.memory_space<semaphore_mem>>) {add = true}
        %dma_wait3A_367 = arith.constant 0 : i32
        %dma_wait3A_368 = arith.constant 0 : i32
        %dma_wait3A_369 = tpu.memref_slice %arg10[%run_scoped3A, %dma_wait3A_367, %dma_wait3A_368] : memref<2x128x128xf32, #tpu.memory_space<vmem>> -> memref<1x128x128xf32, #tpu.memory_space<vmem>>
        %dma_wait3A_370 = tpu.memref_squeeze %dma_wait3A_369 : memref<1x128x128xf32, #tpu.memory_space<vmem>> -> memref<128x128xf32, #tpu.memory_space<vmem>>
        %dma_wait3A_371 = arith.constant 0 : i32
        %dma_wait3A_372 = tpu.memref_slice %arg9[%run_scoped3A_268, %run_scoped3A_269, %dma_wait3A_371] : memref<2x2x128xi32, #tpu.memory_space<vmem>> -> memref<1x1x128xi32, #tpu.memory_space<vmem>>
        %dma_wait3A_373 = tpu.memref_squeeze %dma_wait3A_372 : memref<1x1x128xi32, #tpu.memory_space<vmem>> -> memref<128xi32, #tpu.memory_space<vmem>>
        %dma_wait3A_374 = arith.constant 0 : i32
        %dma_wait3A_375 = arith.constant 0 : i32
        %dma_wait3A_376 = tpu.memref_slice %arg11[%dma_wait3A_374, %dma_wait3A_375] : memref<10240x128xf32, #tpu.memory_space<vmem_shared>> -> memref<10240x128xf32, #tpu.memory_space<vmem_shared>>
        tpu.wait_indirect_dma semaphore(%run_scoped3A_356 : memref<!tpu.dma_semaphore, #tpu.memory_space<semaphore_mem>>) src(%dma_wait3A_370 : memref<128x128xf32, #tpu.memory_space<vmem>>) dst(%dma_wait3A_376 : memref<10240x128xf32, #tpu.memory_space<vmem_shared>>)
        tpu.yield
      }) : () -> ()
      %mul3A_270 = arith.constant 2 : i32
      %mul3A_271 = arith.muli %mul3A_270, %add3A_242 : i32
      %add3A_272 = arith.constant 1 : i32
      %add3A_273 = arith.addi %mul3A_271, %add3A_272 : i32
      %dma_wait3A_274 = arith.constant 1 : i32
      %dma_wait3A_275 = arith.constant 0 : i32
      %dma_wait3A_276 = arith.constant 0 : i32
      %dma_wait3A_277 = tpu.memref_slice %arg10[%dma_wait3A_274, %dma_wait3A_275, %dma_wait3A_276] : memref<2x128x128xf32, #tpu.memory_space<vmem>> -> memref<1x128x128xf32, #tpu.memory_space<vmem>>
      %dma_wait3A_278 = tpu.memref_squeeze %dma_wait3A_277 : memref<1x128x128xf32, #tpu.memory_space<vmem>> -> memref<128x128xf32, #tpu.memory_space<vmem>>
      %dma_wait3A_279 = arith.constant 0 : i32
      %dma_wait3A_280 = tpu.memref_slice %arg7[%add3A_273, %dma_wait3A_279] : memref<80x128xi32, #tpu.memory_space<vmem>> -> memref<1x128xi32, #tpu.memory_space<vmem>>
      %dma_wait3A_281 = tpu.memref_squeeze %dma_wait3A_280 : memref<1x128xi32, #tpu.memory_space<vmem>> -> memref<128xi32, #tpu.memory_space<vmem>>
      %dma_wait3A_282 = arith.constant 0 : i32
      %dma_wait3A_283 = arith.constant 0 : i32
      %dma_wait3A_284 = tpu.memref_slice %arg2[%dma_wait3A_282, %dma_wait3A_283] : memref<10240x128xf32, #tpu.memory_space<hbm>> -> memref<10240x128xf32, #tpu.memory_space<hbm>>
      tpu.wait_indirect_dma semaphore(%arg13 : memref<!tpu.dma_semaphore, #tpu.memory_space<semaphore_mem>>) src(%dma_wait3A_284 : memref<10240x128xf32, #tpu.memory_space<hbm>>) dst(%dma_wait3A_278 : memref<128x128xf32, #tpu.memory_space<vmem>>)
      %add3A_285 = arith.constant 1 : i32
      %add3A_286 = arith.addi %add3A_273, %add3A_285 : i32
      %lt3A_287 = arith.constant 80 : i32
      %lt3A_288 = arith.cmpi slt, %add3A_286, %lt3A_287 : i32
      %convert_element_type3A_289 = arith.extui %lt3A_288 : i1 to i32
      %cond3A_290 = arith.constant 0 : i32
      %cond3A_291 = arith.cmpi ne, %convert_element_type3A_289, %cond3A_290 : i32
      scf.if %cond3A_291 {
        %add3A_356 = arith.constant 1 : i32
        %add3A_357 = arith.addi %add3A_273, %add3A_356 : i32
        %dma_start3A_358 = arith.constant 0 : i32
        %dma_start3A_359 = arith.constant 0 : i32
        %dma_start3A_360 = arith.constant 0 : i32
        %dma_start3A_361 = tpu.memref_slice %arg10[%dma_start3A_358, %dma_start3A_359, %dma_start3A_360] : memref<2x128x128xf32, #tpu.memory_space<vmem>> -> memref<1x128x128xf32, #tpu.memory_space<vmem>>
        %dma_start3A_362 = tpu.memref_squeeze %dma_start3A_361 : memref<1x128x128xf32, #tpu.memory_space<vmem>> -> memref<128x128xf32, #tpu.memory_space<vmem>>
        %dma_start3A_363 = arith.constant 0 : i32
        %dma_start3A_364 = tpu.memref_slice %arg7[%add3A_357, %dma_start3A_363] : memref<80x128xi32, #tpu.memory_space<vmem>> -> memref<1x128xi32, #tpu.memory_space<vmem>>
        %dma_start3A_365 = tpu.memref_squeeze %dma_start3A_364 : memref<1x128xi32, #tpu.memory_space<vmem>> -> memref<128xi32, #tpu.memory_space<vmem>>
        %dma_start3A_366 = arith.constant 0 : i32
        %dma_start3A_367 = arith.constant 0 : i32
        %dma_start3A_368 = tpu.memref_slice %arg2[%dma_start3A_366, %dma_start3A_367] : memref<10240x128xf32, #tpu.memory_space<hbm>> -> memref<10240x128xf32, #tpu.memory_space<hbm>>
        tpu.enqueue_indirect_dma source(%dma_start3A_368 : memref<10240x128xf32, #tpu.memory_space<hbm>>) target(%dma_start3A_362 : memref<128x128xf32, #tpu.memory_space<vmem>>) offsets(%dma_start3A_365 : memref<128xi32, #tpu.memory_space<vmem>>) semaphore(%arg12 : memref<!tpu.dma_semaphore, #tpu.memory_space<semaphore_mem>>)
      } else {
      }
      %run_scoped3A_292 = arith.constant 1 : i32
      %run_scoped3A_293 = arith.constant 0 : i32
      %run_scoped3A_294 = arith.constant 1 : i32
      "tpu.region"() ({
        %run_scoped3A_356 = tpu.sem_alloc : memref<!tpu.dma_semaphore, #tpu.memory_space<semaphore_mem>>
        %dma_start3A_357 = arith.constant 0 : i32
        %dma_start3A_358 = arith.constant 0 : i32
        %dma_start3A_359 = tpu.memref_slice %arg10[%run_scoped3A_292, %dma_start3A_357, %dma_start3A_358] : memref<2x128x128xf32, #tpu.memory_space<vmem>> -> memref<1x128x128xf32, #tpu.memory_space<vmem>>
        %dma_start3A_360 = tpu.memref_squeeze %dma_start3A_359 : memref<1x128x128xf32, #tpu.memory_space<vmem>> -> memref<128x128xf32, #tpu.memory_space<vmem>>
        %dma_start3A_361 = arith.constant 0 : i32
        %dma_start3A_362 = tpu.memref_slice %arg9[%run_scoped3A_293, %run_scoped3A_294, %dma_start3A_361] : memref<2x2x128xi32, #tpu.memory_space<vmem>> -> memref<1x1x128xi32, #tpu.memory_space<vmem>>
        %dma_start3A_363 = tpu.memref_squeeze %dma_start3A_362 : memref<1x1x128xi32, #tpu.memory_space<vmem>> -> memref<128xi32, #tpu.memory_space<vmem>>
        %dma_start3A_364 = arith.constant 0 : i32
        %dma_start3A_365 = arith.constant 0 : i32
        %dma_start3A_366 = tpu.memref_slice %arg11[%dma_start3A_364, %dma_start3A_365] : memref<10240x128xf32, #tpu.memory_space<vmem_shared>> -> memref<10240x128xf32, #tpu.memory_space<vmem_shared>>
        tpu.enqueue_indirect_dma source(%dma_start3A_360 : memref<128x128xf32, #tpu.memory_space<vmem>>) target(%dma_start3A_366 : memref<10240x128xf32, #tpu.memory_space<vmem_shared>>) offsets(%dma_start3A_363 : memref<128xi32, #tpu.memory_space<vmem>>) semaphore(%run_scoped3A_356 : memref<!tpu.dma_semaphore, #tpu.memory_space<semaphore_mem>>) {add = true}
        %dma_wait3A_367 = arith.constant 0 : i32
        %dma_wait3A_368 = arith.constant 0 : i32
        %dma_wait3A_369 = tpu.memref_slice %arg10[%run_scoped3A_292, %dma_wait3A_367, %dma_wait3A_368] : memref<2x128x128xf32, #tpu.memory_space<vmem>> -> memref<1x128x128xf32, #tpu.memory_space<vmem>>
        %dma_wait3A_370 = tpu.memref_squeeze %dma_wait3A_369 : memref<1x128x128xf32, #tpu.memory_space<vmem>> -> memref<128x128xf32, #tpu.memory_space<vmem>>
        %dma_wait3A_371 = arith.constant 0 : i32
        %dma_wait3A_372 = tpu.memref_slice %arg9[%run_scoped3A_293, %run_scoped3A_294, %dma_wait3A_371] : memref<2x2x128xi32, #tpu.memory_space<vmem>> -> memref<1x1x128xi32, #tpu.memory_space<vmem>>
        %dma_wait3A_373 = tpu.memref_squeeze %dma_wait3A_372 : memref<1x1x128xi32, #tpu.memory_space<vmem>> -> memref<128xi32, #tpu.memory_space<vmem>>
        %dma_wait3A_374 = arith.constant 0 : i32
        %dma_wait3A_375 = arith.constant 0 : i32
        %dma_wait3A_376 = tpu.memref_slice %arg11[%dma_wait3A_374, %dma_wait3A_375] : memref<10240x128xf32, #tpu.memory_space<vmem_shared>> -> memref<10240x128xf32, #tpu.memory_space<vmem_shared>>
        tpu.wait_indirect_dma semaphore(%run_scoped3A_356 : memref<!tpu.dma_semaphore, #tpu.memory_space<semaphore_mem>>) src(%dma_wait3A_370 : memref<128x128xf32, #tpu.memory_space<vmem>>) dst(%dma_wait3A_376 : memref<10240x128xf32, #tpu.memory_space<vmem_shared>>)
        tpu.yield
      }) : () -> ()
      %mul3A_295 = arith.constant 2 : i32
      %mul3A_296 = arith.muli %mul3A_295, %scan3A_238 : i32
      %add3A_297 = arith.constant 1 : i32
      %add3A_298 = arith.addi %mul3A_296, %add3A_297 : i32
      %add3A_299 = arith.constant 1 : i32
      %add3A_300 = arith.addi %add3A_298, %add3A_299 : i32
      %lt3A_301 = arith.constant 40 : i32
      %lt3A_302 = arith.cmpi slt, %add3A_300, %lt3A_301 : i32
      %convert_element_type3A_303 = arith.extui %lt3A_302 : i1 to i32
      %cond3A_304 = arith.constant 0 : i32
      %cond3A_305 = arith.cmpi ne, %convert_element_type3A_303, %cond3A_304 : i32
      scf.if %cond3A_305 {
        %add3A_356 = arith.constant 1 : i32
        %add3A_357 = arith.addi %add3A_298, %add3A_356 : i32
        %get3A_358 = arith.index_cast %add3A_357 : i32 to index
        %get3A_359 = arith.constant 0 : index
        %get3A_360 = tpu.vector_load %arg8[%get3A_358, %get3A_359] {strides = array<i32>} : memref<40x128xi32, #tpu.memory_space<vmem>>, vector<1x16xi32>,
        %get3A_361 = vector.shape_cast %get3A_360 : vector<1x16xi32> to vector<16xi32>
        %and3A_362 = arith.constant 65535 : i32
        %and3A_363 = vector.broadcast %and3A_362 : i32 to vector<16xi32>
        %and3A_364 = arith.andi %get3A_361, %and3A_363 : vector<16xi32>
        %shift_right_logical3A_365 = arith.constant 16 : i32
        %shift_right_logical3A_366 = vector.broadcast %shift_right_logical3A_365 : i32 to vector<16xi32>
        %shift_right_logical3A_367 = arith.shrui %get3A_361, %shift_right_logical3A_366 : vector<16xi32>
        %swap3A_368 = arith.constant 0 : i32
        %swap3A_369 = arith.constant 0 : i32
        %swap3A_370 = arith.index_cast %swap3A_368 : i32 to index
        %swap3A_371 = arith.index_cast %swap3A_369 : i32 to index
        %swap3A_372 = arith.constant 0 : index
        %swap3A_373 = tpu.vector_load %arg9[%swap3A_370, %swap3A_371, %swap3A_372] {strides = array<i32>} : memref<2x2x128xi32, #tpu.memory_space<vmem>>, vector<1x1x16xi32>,
        %swap3A_374 = vector.shape_cast %swap3A_373 : vector<1x1x16xi32> to vector<16xi32>
        %swap3A_375 = vector.shape_cast %and3A_364 : vector<16xi32> to vector<1x1x16xi32>
        tpu.vector_store %arg9[%swap3A_370, %swap3A_371, %swap3A_372], %swap3A_375 {strides = array<i32>} : memref<2x2x128xi32, #tpu.memory_space<vmem>>, vector<1x1x16xi32>,
        %swap3A_376 = arith.constant 0 : i32
        %swap3A_377 = arith.constant 0 : i32
        %swap3A_378 = arith.index_cast %swap3A_376 : i32 to index
        %swap3A_379 = arith.index_cast %swap3A_377 : i32 to index
        %swap3A_380 = arith.constant 16 : index
        %swap3A_381 = tpu.vector_load %arg9[%swap3A_378, %swap3A_379, %swap3A_380] {strides = array<i32>} : memref<2x2x128xi32, #tpu.memory_space<vmem>>, vector<1x1x16xi32>,
        %swap3A_382 = vector.shape_cast %swap3A_381 : vector<1x1x16xi32> to vector<16xi32>
        %swap3A_383 = vector.shape_cast %shift_right_logical3A_367 : vector<16xi32> to vector<1x1x16xi32>
        tpu.vector_store %arg9[%swap3A_378, %swap3A_379, %swap3A_380], %swap3A_383 {strides = array<i32>} : memref<2x2x128xi32, #tpu.memory_space<vmem>>, vector<1x1x16xi32>,
        %get3A_384 = arith.index_cast %add3A_357 : i32 to index
        %get3A_385 = arith.constant 16 : index
        %get3A_386 = tpu.vector_load %arg8[%get3A_384, %get3A_385] {strides = array<i32>} : memref<40x128xi32, #tpu.memory_space<vmem>>, vector<1x16xi32>,
        %get3A_387 = vector.shape_cast %get3A_386 : vector<1x16xi32> to vector<16xi32>
        %and3A_388 = arith.constant 65535 : i32
        %and3A_389 = vector.broadcast %and3A_388 : i32 to vector<16xi32>
        %and3A_390 = arith.andi %get3A_387, %and3A_389 : vector<16xi32>
        %shift_right_logical3A_391 = arith.constant 16 : i32
        %shift_right_logical3A_392 = vector.broadcast %shift_right_logical3A_391 : i32 to vector<16xi32>
        %shift_right_logical3A_393 = arith.shrui %get3A_387, %shift_right_logical3A_392 : vector<16xi32>
        %swap3A_394 = arith.constant 0 : i32
        %swap3A_395 = arith.constant 0 : i32
        %swap3A_396 = arith.index_cast %swap3A_394 : i32 to index
        %swap3A_397 = arith.index_cast %swap3A_395 : i32 to index
        %swap3A_398 = arith.constant 32 : index
        %swap3A_399 = tpu.vector_load %arg9[%swap3A_396, %swap3A_397, %swap3A_398] {strides = array<i32>} : memref<2x2x128xi32, #tpu.memory_space<vmem>>, vector<1x1x16xi32>,
        %swap3A_400 = vector.shape_cast %swap3A_399 : vector<1x1x16xi32> to vector<16xi32>
        %swap3A_401 = vector.shape_cast %and3A_390 : vector<16xi32> to vector<1x1x16xi32>
        tpu.vector_store %arg9[%swap3A_396, %swap3A_397, %swap3A_398], %swap3A_401 {strides = array<i32>} : memref<2x2x128xi32, #tpu.memory_space<vmem>>, vector<1x1x16xi32>,
        %swap3A_402 = arith.constant 0 : i32
        %swap3A_403 = arith.constant 0 : i32
        %swap3A_404 = arith.index_cast %swap3A_402 : i32 to index
        %swap3A_405 = arith.index_cast %swap3A_403 : i32 to index
        %swap3A_406 = arith.constant 48 : index
        %swap3A_407 = tpu.vector_load %arg9[%swap3A_404, %swap3A_405, %swap3A_406] {strides = array<i32>} : memref<2x2x128xi32, #tpu.memory_space<vmem>>, vector<1x1x16xi32>,
        %swap3A_408 = vector.shape_cast %swap3A_407 : vector<1x1x16xi32> to vector<16xi32>
        %swap3A_409 = vector.shape_cast %shift_right_logical3A_393 : vector<16xi32> to vector<1x1x16xi32>
        tpu.vector_store %arg9[%swap3A_404, %swap3A_405, %swap3A_406], %swap3A_409 {strides = array<i32>} : memref<2x2x128xi32, #tpu.memory_space<vmem>>, vector<1x1x16xi32>,
        %get3A_410 = arith.index_cast %add3A_357 : i32 to index
        %get3A_411 = arith.constant 32 : index
        %get3A_412 = tpu.vector_load %arg8[%get3A_410, %get3A_411] {strides = array<i32>} : memref<40x128xi32, #tpu.memory_space<vmem>>, vector<1x16xi32>,
        %get3A_413 = vector.shape_cast %get3A_412 : vector<1x16xi32> to vector<16xi32>
        %and3A_414 = arith.constant 65535 : i32
        %and3A_415 = vector.broadcast %and3A_414 : i32 to vector<16xi32>
        %and3A_416 = arith.andi %get3A_413, %and3A_415 : vector<16xi32>
        %shift_right_logical3A_417 = arith.constant 16 : i32
        %shift_right_logical3A_418 = vector.broadcast %shift_right_logical3A_417 : i32 to vector<16xi32>
        %shift_right_logical3A_419 = arith.shrui %get3A_413, %shift_right_logical3A_418 : vector<16xi32>
        %swap3A_420 = arith.constant 0 : i32
        %swap3A_421 = arith.constant 0 : i32
        %swap3A_422 = arith.index_cast %swap3A_420 : i32 to index
        %swap3A_423 = arith.index_cast %swap3A_421 : i32 to index
        %swap3A_424 = arith.constant 64 : index
        %swap3A_425 = tpu.vector_load %arg9[%swap3A_422, %swap3A_423, %swap3A_424] {strides = array<i32>} : memref<2x2x128xi32, #tpu.memory_space<vmem>>, vector<1x1x16xi32>,
        %swap3A_426 = vector.shape_cast %swap3A_425 : vector<1x1x16xi32> to vector<16xi32>
        %swap3A_427 = vector.shape_cast %and3A_416 : vector<16xi32> to vector<1x1x16xi32>
        tpu.vector_store %arg9[%swap3A_422, %swap3A_423, %swap3A_424], %swap3A_427 {strides = array<i32>} : memref<2x2x128xi32, #tpu.memory_space<vmem>>, vector<1x1x16xi32>,
        %swap3A_428 = arith.constant 0 : i32
        %swap3A_429 = arith.constant 0 : i32
        %swap3A_430 = arith.index_cast %swap3A_428 : i32 to index
        %swap3A_431 = arith.index_cast %swap3A_429 : i32 to index
        %swap3A_432 = arith.constant 80 : index
        %swap3A_433 = tpu.vector_load %arg9[%swap3A_430, %swap3A_431, %swap3A_432] {strides = array<i32>} : memref<2x2x128xi32, #tpu.memory_space<vmem>>, vector<1x1x16xi32>,
        %swap3A_434 = vector.shape_cast %swap3A_433 : vector<1x1x16xi32> to vector<16xi32>
        %swap3A_435 = vector.shape_cast %shift_right_logical3A_419 : vector<16xi32> to vector<1x1x16xi32>
        tpu.vector_store %arg9[%swap3A_430, %swap3A_431, %swap3A_432], %swap3A_435 {strides = array<i32>} : memref<2x2x128xi32, #tpu.memory_space<vmem>>, vector<1x1x16xi32>,
        %get3A_436 = arith.index_cast %add3A_357 : i32 to index
        %get3A_437 = arith.constant 48 : index
        %get3A_438 = tpu.vector_load %arg8[%get3A_436, %get3A_437] {strides = array<i32>} : memref<40x128xi32, #tpu.memory_space<vmem>>, vector<1x16xi32>,
        %get3A_439 = vector.shape_cast %get3A_438 : vector<1x16xi32> to vector<16xi32>
        %and3A_440 = arith.constant 65535 : i32
        %and3A_441 = vector.broadcast %and3A_440 : i32 to vector<16xi32>
        %and3A_442 = arith.andi %get3A_439, %and3A_441 : vector<16xi32>
        %shift_right_logical3A_443 = arith.constant 16 : i32
        %shift_right_logical3A_444 = vector.broadcast %shift_right_logical3A_443 : i32 to vector<16xi32>
        %shift_right_logical3A_445 = arith.shrui %get3A_439, %shift_right_logical3A_444 : vector<16xi32>
        %swap3A_446 = arith.constant 0 : i32
        %swap3A_447 = arith.constant 0 : i32
        %swap3A_448 = arith.index_cast %swap3A_446 : i32 to index
        %swap3A_449 = arith.index_cast %swap3A_447 : i32 to index
        %swap3A_450 = arith.constant 96 : index
        %swap3A_451 = tpu.vector_load %arg9[%swap3A_448, %swap3A_449, %swap3A_450] {strides = array<i32>} : memref<2x2x128xi32, #tpu.memory_space<vmem>>, vector<1x1x16xi32>,
        %swap3A_452 = vector.shape_cast %swap3A_451 : vector<1x1x16xi32> to vector<16xi32>
        %swap3A_453 = vector.shape_cast %and3A_442 : vector<16xi32> to vector<1x1x16xi32>
        tpu.vector_store %arg9[%swap3A_448, %swap3A_449, %swap3A_450], %swap3A_453 {strides = array<i32>} : memref<2x2x128xi32, #tpu.memory_space<vmem>>, vector<1x1x16xi32>,
        %swap3A_454 = arith.constant 0 : i32
        %swap3A_455 = arith.constant 0 : i32
        %swap3A_456 = arith.index_cast %swap3A_454 : i32 to index
        %swap3A_457 = arith.index_cast %swap3A_455 : i32 to index
        %swap3A_458 = arith.constant 112 : index
        %swap3A_459 = tpu.vector_load %arg9[%swap3A_456, %swap3A_457, %swap3A_458] {strides = array<i32>} : memref<2x2x128xi32, #tpu.memory_space<vmem>>, vector<1x1x16xi32>,
        %swap3A_460 = vector.shape_cast %swap3A_459 : vector<1x1x16xi32> to vector<16xi32>
        %swap3A_461 = vector.shape_cast %shift_right_logical3A_445 : vector<16xi32> to vector<1x1x16xi32>
        tpu.vector_store %arg9[%swap3A_456, %swap3A_457, %swap3A_458], %swap3A_461 {strides = array<i32>} : memref<2x2x128xi32, #tpu.memory_space<vmem>>, vector<1x1x16xi32>,
        %get3A_462 = arith.index_cast %add3A_357 : i32 to index
        %get3A_463 = arith.constant 64 : index
        %get3A_464 = tpu.vector_load %arg8[%get3A_462, %get3A_463] {strides = array<i32>} : memref<40x128xi32, #tpu.memory_space<vmem>>, vector<1x16xi32>,
        %get3A_465 = vector.shape_cast %get3A_464 : vector<1x16xi32> to vector<16xi32>
        %and3A_466 = arith.constant 65535 : i32
        %and3A_467 = vector.broadcast %and3A_466 : i32 to vector<16xi32>
        %and3A_468 = arith.andi %get3A_465, %and3A_467 : vector<16xi32>
        %shift_right_logical3A_469 = arith.constant 16 : i32
        %shift_right_logical3A_470 = vector.broadcast %shift_right_logical3A_469 : i32 to vector<16xi32>
        %shift_right_logical3A_471 = arith.shrui %get3A_465, %shift_right_logical3A_470 : vector<16xi32>
        %swap3A_472 = arith.constant 0 : i32
        %swap3A_473 = arith.constant 1 : i32
        %swap3A_474 = arith.index_cast %swap3A_472 : i32 to index
        %swap3A_475 = arith.index_cast %swap3A_473 : i32 to index
        %swap3A_476 = arith.constant 0 : index
        %swap3A_477 = tpu.vector_load %arg9[%swap3A_474, %swap3A_475, %swap3A_476] {strides = array<i32>} : memref<2x2x128xi32, #tpu.memory_space<vmem>>, vector<1x1x16xi32>,
        %swap3A_478 = vector.shape_cast %swap3A_477 : vector<1x1x16xi32> to vector<16xi32>
        %swap3A_479 = vector.shape_cast %and3A_468 : vector<16xi32> to vector<1x1x16xi32>
        tpu.vector_store %arg9[%swap3A_474, %swap3A_475, %swap3A_476], %swap3A_479 {strides = array<i32>} : memref<2x2x128xi32, #tpu.memory_space<vmem>>, vector<1x1x16xi32>,
        %swap3A_480 = arith.constant 0 : i32
        %swap3A_481 = arith.constant 1 : i32
        %swap3A_482 = arith.index_cast %swap3A_480 : i32 to index
        %swap3A_483 = arith.index_cast %swap3A_481 : i32 to index
        %swap3A_484 = arith.constant 16 : index
        %swap3A_485 = tpu.vector_load %arg9[%swap3A_482, %swap3A_483, %swap3A_484] {strides = array<i32>} : memref<2x2x128xi32, #tpu.memory_space<vmem>>, vector<1x1x16xi32>,
        %swap3A_486 = vector.shape_cast %swap3A_485 : vector<1x1x16xi32> to vector<16xi32>
        %swap3A_487 = vector.shape_cast %shift_right_logical3A_471 : vector<16xi32> to vector<1x1x16xi32>
        tpu.vector_store %arg9[%swap3A_482, %swap3A_483, %swap3A_484], %swap3A_487 {strides = array<i32>} : memref<2x2x128xi32, #tpu.memory_space<vmem>>, vector<1x1x16xi32>,
        %get3A_488 = arith.index_cast %add3A_357 : i32 to index
        %get3A_489 = arith.constant 80 : index
        %get3A_490 = tpu.vector_load %arg8[%get3A_488, %get3A_489] {strides = array<i32>} : memref<40x128xi32, #tpu.memory_space<vmem>>, vector<1x16xi32>,
        %get3A_491 = vector.shape_cast %get3A_490 : vector<1x16xi32> to vector<16xi32>
        %and3A_492 = arith.constant 65535 : i32
        %and3A_493 = vector.broadcast %and3A_492 : i32 to vector<16xi32>
        %and3A_494 = arith.andi %get3A_491, %and3A_493 : vector<16xi32>
        %shift_right_logical3A_495 = arith.constant 16 : i32
        %shift_right_logical3A_496 = vector.broadcast %shift_right_logical3A_495 : i32 to vector<16xi32>
        %shift_right_logical3A_497 = arith.shrui %get3A_491, %shift_right_logical3A_496 : vector<16xi32>
        %swap3A_498 = arith.constant 0 : i32
        %swap3A_499 = arith.constant 1 : i32
        %swap3A_500 = arith.index_cast %swap3A_498 : i32 to index
        %swap3A_501 = arith.index_cast %swap3A_499 : i32 to index
        %swap3A_502 = arith.constant 32 : index
        %swap3A_503 = tpu.vector_load %arg9[%swap3A_500, %swap3A_501, %swap3A_502] {strides = array<i32>} : memref<2x2x128xi32, #tpu.memory_space<vmem>>, vector<1x1x16xi32>,
        %swap3A_504 = vector.shape_cast %swap3A_503 : vector<1x1x16xi32> to vector<16xi32>
        %swap3A_505 = vector.shape_cast %and3A_494 : vector<16xi32> to vector<1x1x16xi32>
        tpu.vector_store %arg9[%swap3A_500, %swap3A_501, %swap3A_502], %swap3A_505 {strides = array<i32>} : memref<2x2x128xi32, #tpu.memory_space<vmem>>, vector<1x1x16xi32>,
        %swap3A_506 = arith.constant 0 : i32
        %swap3A_507 = arith.constant 1 : i32
        %swap3A_508 = arith.index_cast %swap3A_506 : i32 to index
        %swap3A_509 = arith.index_cast %swap3A_507 : i32 to index
        %swap3A_510 = arith.constant 48 : index
        %swap3A_511 = tpu.vector_load %arg9[%swap3A_508, %swap3A_509, %swap3A_510] {strides = array<i32>} : memref<2x2x128xi32, #tpu.memory_space<vmem>>, vector<1x1x16xi32>,
        %swap3A_512 = vector.shape_cast %swap3A_511 : vector<1x1x16xi32> to vector<16xi32>
        %swap3A_513 = vector.shape_cast %shift_right_logical3A_497 : vector<16xi32> to vector<1x1x16xi32>
        tpu.vector_store %arg9[%swap3A_508, %swap3A_509, %swap3A_510], %swap3A_513 {strides = array<i32>} : memref<2x2x128xi32, #tpu.memory_space<vmem>>, vector<1x1x16xi32>,
        %get3A_514 = arith.index_cast %add3A_357 : i32 to index
        %get3A_515 = arith.constant 96 : index
        %get3A_516 = tpu.vector_load %arg8[%get3A_514, %get3A_515] {strides = array<i32>} : memref<40x128xi32, #tpu.memory_space<vmem>>, vector<1x16xi32>,
        %get3A_517 = vector.shape_cast %get3A_516 : vector<1x16xi32> to vector<16xi32>
        %and3A_518 = arith.constant 65535 : i32
        %and3A_519 = vector.broadcast %and3A_518 : i32 to vector<16xi32>
        %and3A_520 = arith.andi %get3A_517, %and3A_519 : vector<16xi32>
        %shift_right_logical3A_521 = arith.constant 16 : i32
        %shift_right_logical3A_522 = vector.broadcast %shift_right_logical3A_521 : i32 to vector<16xi32>
        %shift_right_logical3A_523 = arith.shrui %get3A_517, %shift_right_logical3A_522 : vector<16xi32>
        %swap3A_524 = arith.constant 0 : i32
        %swap3A_525 = arith.constant 1 : i32
        %swap3A_526 = arith.index_cast %swap3A_524 : i32 to index
        %swap3A_527 = arith.index_cast %swap3A_525 : i32 to index
        %swap3A_528 = arith.constant 64 : index
        %swap3A_529 = tpu.vector_load %arg9[%swap3A_526, %swap3A_527, %swap3A_528] {strides = array<i32>} : memref<2x2x128xi32, #tpu.memory_space<vmem>>, vector<1x1x16xi32>,
        %swap3A_530 = vector.shape_cast %swap3A_529 : vector<1x1x16xi32> to vector<16xi32>
        %swap3A_531 = vector.shape_cast %and3A_520 : vector<16xi32> to vector<1x1x16xi32>
        tpu.vector_store %arg9[%swap3A_526, %swap3A_527, %swap3A_528], %swap3A_531 {strides = array<i32>} : memref<2x2x128xi32, #tpu.memory_space<vmem>>, vector<1x1x16xi32>,
        %swap3A_532 = arith.constant 0 : i32
        %swap3A_533 = arith.constant 1 : i32
        %swap3A_534 = arith.index_cast %swap3A_532 : i32 to index
        %swap3A_535 = arith.index_cast %swap3A_533 : i32 to index
        %swap3A_536 = arith.constant 80 : index
        %swap3A_537 = tpu.vector_load %arg9[%swap3A_534, %swap3A_535, %swap3A_536] {strides = array<i32>} : memref<2x2x128xi32, #tpu.memory_space<vmem>>, vector<1x1x16xi32>,
        %swap3A_538 = vector.shape_cast %swap3A_537 : vector<1x1x16xi32> to vector<16xi32>
        %swap3A_539 = vector.shape_cast %shift_right_logical3A_523 : vector<16xi32> to vector<1x1x16xi32>
        tpu.vector_store %arg9[%swap3A_534, %swap3A_535, %swap3A_536], %swap3A_539 {strides = array<i32>} : memref<2x2x128xi32, #tpu.memory_space<vmem>>, vector<1x1x16xi32>,
        %get3A_540 = arith.index_cast %add3A_357 : i32 to index
        %get3A_541 = arith.constant 112 : index
        %get3A_542 = tpu.vector_load %arg8[%get3A_540, %get3A_541] {strides = array<i32>} : memref<40x128xi32, #tpu.memory_space<vmem>>, vector<1x16xi32>,
        %get3A_543 = vector.shape_cast %get3A_542 : vector<1x16xi32> to vector<16xi32>
        %and3A_544 = arith.constant 65535 : i32
        %and3A_545 = vector.broadcast %and3A_544 : i32 to vector<16xi32>
        %and3A_546 = arith.andi %get3A_543, %and3A_545 : vector<16xi32>
        %shift_right_logical3A_547 = arith.constant 16 : i32
        %shift_right_logical3A_548 = vector.broadcast %shift_right_logical3A_547 : i32 to vector<16xi32>
        %shift_right_logical3A_549 = arith.shrui %get3A_543, %shift_right_logical3A_548 : vector<16xi32>
        %swap3A_550 = arith.constant 0 : i32
        %swap3A_551 = arith.constant 1 : i32
        %swap3A_552 = arith.index_cast %swap3A_550 : i32 to index
        %swap3A_553 = arith.index_cast %swap3A_551 : i32 to index
        %swap3A_554 = arith.constant 96 : index
        %swap3A_555 = tpu.vector_load %arg9[%swap3A_552, %swap3A_553, %swap3A_554] {strides = array<i32>} : memref<2x2x128xi32, #tpu.memory_space<vmem>>, vector<1x1x16xi32>,
        %swap3A_556 = vector.shape_cast %swap3A_555 : vector<1x1x16xi32> to vector<16xi32>
        %swap3A_557 = vector.shape_cast %and3A_546 : vector<16xi32> to vector<1x1x16xi32>
        tpu.vector_store %arg9[%swap3A_552, %swap3A_553, %swap3A_554], %swap3A_557 {strides = array<i32>} : memref<2x2x128xi32, #tpu.memory_space<vmem>>, vector<1x1x16xi32>,
        %swap3A_558 = arith.constant 0 : i32
        %swap3A_559 = arith.constant 1 : i32
        %swap3A_560 = arith.index_cast %swap3A_558 : i32 to index
        %swap3A_561 = arith.index_cast %swap3A_559 : i32 to index
        %swap3A_562 = arith.constant 112 : index
        %swap3A_563 = tpu.vector_load %arg9[%swap3A_560, %swap3A_561, %swap3A_562] {strides = array<i32>} : memref<2x2x128xi32, #tpu.memory_space<vmem>>, vector<1x1x16xi32>,
        %swap3A_564 = vector.shape_cast %swap3A_563 : vector<1x1x16xi32> to vector<16xi32>
        %swap3A_565 = vector.shape_cast %shift_right_logical3A_549 : vector<16xi32> to vector<1x1x16xi32>
        tpu.vector_store %arg9[%swap3A_560, %swap3A_561, %swap3A_562], %swap3A_565 {strides = array<i32>} : memref<2x2x128xi32, #tpu.memory_space<vmem>>, vector<1x1x16xi32>,
      } else {
      }
      %mul3A_306 = arith.constant 2 : i32
      %mul3A_307 = arith.muli %mul3A_306, %add3A_298 : i32
      %add3A_308 = arith.constant 0 : i32
      %add3A_309 = arith.addi %mul3A_307, %add3A_308 : i32
      %dma_wait3A_310 = arith.constant 0 : i32
      %dma_wait3A_311 = arith.constant 0 : i32
      %dma_wait3A_312 = arith.constant 0 : i32
      %dma_wait3A_313 = tpu.memref_slice %arg10[%dma_wait3A_310, %dma_wait3A_311, %dma_wait3A_312] : memref<2x128x128xf32, #tpu.memory_space<vmem>> -> memref<1x128x128xf32, #tpu.memory_space<vmem>>
      %dma_wait3A_314 = tpu.memref_squeeze %dma_wait3A_313 : memref<1x128x128xf32, #tpu.memory_space<vmem>> -> memref<128x128xf32, #tpu.memory_space<vmem>>
      %dma_wait3A_315 = arith.constant 0 : i32
      %dma_wait3A_316 = tpu.memref_slice %arg7[%add3A_309, %dma_wait3A_315] : memref<80x128xi32, #tpu.memory_space<vmem>> -> memref<1x128xi32, #tpu.memory_space<vmem>>
      %dma_wait3A_317 = tpu.memref_squeeze %dma_wait3A_316 : memref<1x128xi32, #tpu.memory_space<vmem>> -> memref<128xi32, #tpu.memory_space<vmem>>
      %dma_wait3A_318 = arith.constant 0 : i32
      %dma_wait3A_319 = arith.constant 0 : i32
      %dma_wait3A_320 = tpu.memref_slice %arg2[%dma_wait3A_318, %dma_wait3A_319] : memref<10240x128xf32, #tpu.memory_space<hbm>> -> memref<10240x128xf32, #tpu.memory_space<hbm>>
      tpu.wait_indirect_dma semaphore(%arg12 : memref<!tpu.dma_semaphore, #tpu.memory_space<semaphore_mem>>) src(%dma_wait3A_320 : memref<10240x128xf32, #tpu.memory_space<hbm>>) dst(%dma_wait3A_314 : memref<128x128xf32, #tpu.memory_space<vmem>>)
      %add3A_321 = arith.constant 1 : i32
      %add3A_322 = arith.addi %add3A_309, %add3A_321 : i32
      %lt3A_323 = arith.constant 80 : i32
      %lt3A_324 = arith.cmpi slt, %add3A_322, %lt3A_323 : i32
      %convert_element_type3A_325 = arith.extui %lt3A_324 : i1 to i32
      %cond3A_326 = arith.constant 0 : i32
      %cond3A_327 = arith.cmpi ne, %convert_element_type3A_325, %cond3A_326 : i32
      scf.if %cond3A_327 {
        %add3A_356 = arith.constant 1 : i32
        %add3A_357 = arith.addi %add3A_309, %add3A_356 : i32
        %dma_start3A_358 = arith.constant 1 : i32
        %dma_start3A_359 = arith.constant 0 : i32
        %dma_start3A_360 = arith.constant 0 : i32
        %dma_start3A_361 = tpu.memref_slice %arg10[%dma_start3A_358, %dma_start3A_359, %dma_start3A_360] : memref<2x128x128xf32, #tpu.memory_space<vmem>> -> memref<1x128x128xf32, #tpu.memory_space<vmem>>
        %dma_start3A_362 = tpu.memref_squeeze %dma_start3A_361 : memref<1x128x128xf32, #tpu.memory_space<vmem>> -> memref<128x128xf32, #tpu.memory_space<vmem>>
        %dma_start3A_363 = arith.constant 0 : i32
        %dma_start3A_364 = tpu.memref_slice %arg7[%add3A_357, %dma_start3A_363] : memref<80x128xi32, #tpu.memory_space<vmem>> -> memref<1x128xi32, #tpu.memory_space<vmem>>
        %dma_start3A_365 = tpu.memref_squeeze %dma_start3A_364 : memref<1x128xi32, #tpu.memory_space<vmem>> -> memref<128xi32, #tpu.memory_space<vmem>>
        %dma_start3A_366 = arith.constant 0 : i32
        %dma_start3A_367 = arith.constant 0 : i32
        %dma_start3A_368 = tpu.memref_slice %arg2[%dma_start3A_366, %dma_start3A_367] : memref<10240x128xf32, #tpu.memory_space<hbm>> -> memref<10240x128xf32, #tpu.memory_space<hbm>>
        tpu.enqueue_indirect_dma source(%dma_start3A_368 : memref<10240x128xf32, #tpu.memory_space<hbm>>) target(%dma_start3A_362 : memref<128x128xf32, #tpu.memory_space<vmem>>) offsets(%dma_start3A_365 : memref<128xi32, #tpu.memory_space<vmem>>) semaphore(%arg13 : memref<!tpu.dma_semaphore, #tpu.memory_space<semaphore_mem>>)
      } else {
      }
      %run_scoped3A_328 = arith.constant 0 : i32
      %run_scoped3A_329 = arith.constant 1 : i32
      %run_scoped3A_330 = arith.constant 0 : i32
      "tpu.region"() ({
        %run_scoped3A_356 = tpu.sem_alloc : memref<!tpu.dma_semaphore, #tpu.memory_space<semaphore_mem>>
        %dma_start3A_357 = arith.constant 0 : i32
        %dma_start3A_358 = arith.constant 0 : i32
        %dma_start3A_359 = tpu.memref_slice %arg10[%run_scoped3A_328, %dma_start3A_357, %dma_start3A_358] : memref<2x128x128xf32, #tpu.memory_space<vmem>> -> memref<1x128x128xf32, #tpu.memory_space<vmem>>
        %dma_start3A_360 = tpu.memref_squeeze %dma_start3A_359 : memref<1x128x128xf32, #tpu.memory_space<vmem>> -> memref<128x128xf32, #tpu.memory_space<vmem>>
        %dma_start3A_361 = arith.constant 0 : i32
        %dma_start3A_362 = tpu.memref_slice %arg9[%run_scoped3A_329, %run_scoped3A_330, %dma_start3A_361] : memref<2x2x128xi32, #tpu.memory_space<vmem>> -> memref<1x1x128xi32, #tpu.memory_space<vmem>>
        %dma_start3A_363 = tpu.memref_squeeze %dma_start3A_362 : memref<1x1x128xi32, #tpu.memory_space<vmem>> -> memref<128xi32, #tpu.memory_space<vmem>>
        %dma_start3A_364 = arith.constant 0 : i32
        %dma_start3A_365 = arith.constant 0 : i32
        %dma_start3A_366 = tpu.memref_slice %arg11[%dma_start3A_364, %dma_start3A_365] : memref<10240x128xf32, #tpu.memory_space<vmem_shared>> -> memref<10240x128xf32, #tpu.memory_space<vmem_shared>>
        tpu.enqueue_indirect_dma source(%dma_start3A_360 : memref<128x128xf32, #tpu.memory_space<vmem>>) target(%dma_start3A_366 : memref<10240x128xf32, #tpu.memory_space<vmem_shared>>) offsets(%dma_start3A_363 : memref<128xi32, #tpu.memory_space<vmem>>) semaphore(%run_scoped3A_356 : memref<!tpu.dma_semaphore, #tpu.memory_space<semaphore_mem>>) {add = true}
        %dma_wait3A_367 = arith.constant 0 : i32
        %dma_wait3A_368 = arith.constant 0 : i32
        %dma_wait3A_369 = tpu.memref_slice %arg10[%run_scoped3A_328, %dma_wait3A_367, %dma_wait3A_368] : memref<2x128x128xf32, #tpu.memory_space<vmem>> -> memref<1x128x128xf32, #tpu.memory_space<vmem>>
        %dma_wait3A_370 = tpu.memref_squeeze %dma_wait3A_369 : memref<1x128x128xf32, #tpu.memory_space<vmem>> -> memref<128x128xf32, #tpu.memory_space<vmem>>
        %dma_wait3A_371 = arith.constant 0 : i32
        %dma_wait3A_372 = tpu.memref_slice %arg9[%run_scoped3A_329, %run_scoped3A_330, %dma_wait3A_371] : memref<2x2x128xi32, #tpu.memory_space<vmem>> -> memref<1x1x128xi32, #tpu.memory_space<vmem>>
        %dma_wait3A_373 = tpu.memref_squeeze %dma_wait3A_372 : memref<1x1x128xi32, #tpu.memory_space<vmem>> -> memref<128xi32, #tpu.memory_space<vmem>>
        %dma_wait3A_374 = arith.constant 0 : i32
        %dma_wait3A_375 = arith.constant 0 : i32
        %dma_wait3A_376 = tpu.memref_slice %arg11[%dma_wait3A_374, %dma_wait3A_375] : memref<10240x128xf32, #tpu.memory_space<vmem_shared>> -> memref<10240x128xf32, #tpu.memory_space<vmem_shared>>
        tpu.wait_indirect_dma semaphore(%run_scoped3A_356 : memref<!tpu.dma_semaphore, #tpu.memory_space<semaphore_mem>>) src(%dma_wait3A_370 : memref<128x128xf32, #tpu.memory_space<vmem>>) dst(%dma_wait3A_376 : memref<10240x128xf32, #tpu.memory_space<vmem_shared>>)
        tpu.yield
      }) : () -> ()
      %mul3A_331 = arith.constant 2 : i32
      %mul3A_332 = arith.muli %mul3A_331, %add3A_298 : i32
      %add3A_333 = arith.constant 1 : i32
      %add3A_334 = arith.addi %mul3A_332, %add3A_333 : i32
      %dma_wait3A_335 = arith.constant 1 : i32
      %dma_wait3A_336 = arith.constant 0 : i32
      %dma_wait3A_337 = arith.constant 0 : i32
      %dma_wait3A_338 = tpu.memref_slice %arg10[%dma_wait3A_335, %dma_wait3A_336, %dma_wait3A_337] : memref<2x128x128xf32, #tpu.memory_space<vmem>> -> memref<1x128x128xf32, #tpu.memory_space<vmem>>
      %dma_wait3A_339 = tpu.memref_squeeze %dma_wait3A_338 : memref<1x128x128xf32, #tpu.memory_space<vmem>> -> memref<128x128xf32, #tpu.memory_space<vmem>>
      %dma_wait3A_340 = arith.constant 0 : i32
      %dma_wait3A_341 = tpu.memref_slice %arg7[%add3A_334, %dma_wait3A_340] : memref<80x128xi32, #tpu.memory_space<vmem>> -> memref<1x128xi32, #tpu.memory_space<vmem>>
      %dma_wait3A_342 = tpu.memref_squeeze %dma_wait3A_341 : memref<1x128xi32, #tpu.memory_space<vmem>> -> memref<128xi32, #tpu.memory_space<vmem>>
      %dma_wait3A_343 = arith.constant 0 : i32
      %dma_wait3A_344 = arith.constant 0 : i32
      %dma_wait3A_345 = tpu.memref_slice %arg2[%dma_wait3A_343, %dma_wait3A_344] : memref<10240x128xf32, #tpu.memory_space<hbm>> -> memref<10240x128xf32, #tpu.memory_space<hbm>>
      tpu.wait_indirect_dma semaphore(%arg13 : memref<!tpu.dma_semaphore, #tpu.memory_space<semaphore_mem>>) src(%dma_wait3A_345 : memref<10240x128xf32, #tpu.memory_space<hbm>>) dst(%dma_wait3A_339 : memref<128x128xf32, #tpu.memory_space<vmem>>)
      %add3A_346 = arith.constant 1 : i32
      %add3A_347 = arith.addi %add3A_334, %add3A_346 : i32
      %lt3A_348 = arith.constant 80 : i32
      %lt3A_349 = arith.cmpi slt, %add3A_347, %lt3A_348 : i32
      %convert_element_type3A_350 = arith.extui %lt3A_349 : i1 to i32
      %cond3A_351 = arith.constant 0 : i32
      %cond3A_352 = arith.cmpi ne, %convert_element_type3A_350, %cond3A_351 : i32
      scf.if %cond3A_352 {
        %add3A_356 = arith.constant 1 : i32
        %add3A_357 = arith.addi %add3A_334, %add3A_356 : i32
        %dma_start3A_358 = arith.constant 0 : i32
        %dma_start3A_359 = arith.constant 0 : i32
        %dma_start3A_360 = arith.constant 0 : i32
        %dma_start3A_361 = tpu.memref_slice %arg10[%dma_start3A_358, %dma_start3A_359, %dma_start3A_360] : memref<2x128x128xf32, #tpu.memory_space<vmem>> -> memref<1x128x128xf32, #tpu.memory_space<vmem>>
        %dma_start3A_362 = tpu.memref_squeeze %dma_start3A_361 : memref<1x128x128xf32, #tpu.memory_space<vmem>> -> memref<128x128xf32, #tpu.memory_space<vmem>>
        %dma_start3A_363 = arith.constant 0 : i32
        %dma_start3A_364 = tpu.memref_slice %arg7[%add3A_357, %dma_start3A_363] : memref<80x128xi32, #tpu.memory_space<vmem>> -> memref<1x128xi32, #tpu.memory_space<vmem>>
        %dma_start3A_365 = tpu.memref_squeeze %dma_start3A_364 : memref<1x128xi32, #tpu.memory_space<vmem>> -> memref<128xi32, #tpu.memory_space<vmem>>
        %dma_start3A_366 = arith.constant 0 : i32
        %dma_start3A_367 = arith.constant 0 : i32
        %dma_start3A_368 = tpu.memref_slice %arg2[%dma_start3A_366, %dma_start3A_367] : memref<10240x128xf32, #tpu.memory_space<hbm>> -> memref<10240x128xf32, #tpu.memory_space<hbm>>
        tpu.enqueue_indirect_dma source(%dma_start3A_368 : memref<10240x128xf32, #tpu.memory_space<hbm>>) target(%dma_start3A_362 : memref<128x128xf32, #tpu.memory_space<vmem>>) offsets(%dma_start3A_365 : memref<128xi32, #tpu.memory_space<vmem>>) semaphore(%arg12 : memref<!tpu.dma_semaphore, #tpu.memory_space<semaphore_mem>>)
      } else {
      }
      %run_scoped3A_353 = arith.constant 1 : i32
      %run_scoped3A_354 = arith.constant 1 : i32
      %run_scoped3A_355 = arith.constant 1 : i32
      "tpu.region"() ({
        %run_scoped3A_356 = tpu.sem_alloc : memref<!tpu.dma_semaphore, #tpu.memory_space<semaphore_mem>>
        %dma_start3A_357 = arith.constant 0 : i32
        %dma_start3A_358 = arith.constant 0 : i32
        %dma_start3A_359 = tpu.memref_slice %arg10[%run_scoped3A_353, %dma_start3A_357, %dma_start3A_358] : memref<2x128x128xf32, #tpu.memory_space<vmem>> -> memref<1x128x128xf32, #tpu.memory_space<vmem>>
        %dma_start3A_360 = tpu.memref_squeeze %dma_start3A_359 : memref<1x128x128xf32, #tpu.memory_space<vmem>> -> memref<128x128xf32, #tpu.memory_space<vmem>>
        %dma_start3A_361 = arith.constant 0 : i32
        %dma_start3A_362 = tpu.memref_slice %arg9[%run_scoped3A_354, %run_scoped3A_355, %dma_start3A_361] : memref<2x2x128xi32, #tpu.memory_space<vmem>> -> memref<1x1x128xi32, #tpu.memory_space<vmem>>
        %dma_start3A_363 = tpu.memref_squeeze %dma_start3A_362 : memref<1x1x128xi32, #tpu.memory_space<vmem>> -> memref<128xi32, #tpu.memory_space<vmem>>
        %dma_start3A_364 = arith.constant 0 : i32
        %dma_start3A_365 = arith.constant 0 : i32
        %dma_start3A_366 = tpu.memref_slice %arg11[%dma_start3A_364, %dma_start3A_365] : memref<10240x128xf32, #tpu.memory_space<vmem_shared>> -> memref<10240x128xf32, #tpu.memory_space<vmem_shared>>
        tpu.enqueue_indirect_dma source(%dma_start3A_360 : memref<128x128xf32, #tpu.memory_space<vmem>>) target(%dma_start3A_366 : memref<10240x128xf32, #tpu.memory_space<vmem_shared>>) offsets(%dma_start3A_363 : memref<128xi32, #tpu.memory_space<vmem>>) semaphore(%run_scoped3A_356 : memref<!tpu.dma_semaphore, #tpu.memory_space<semaphore_mem>>) {add = true}
        %dma_wait3A_367 = arith.constant 0 : i32
        %dma_wait3A_368 = arith.constant 0 : i32
        %dma_wait3A_369 = tpu.memref_slice %arg10[%run_scoped3A_353, %dma_wait3A_367, %dma_wait3A_368] : memref<2x128x128xf32, #tpu.memory_space<vmem>> -> memref<1x128x128xf32, #tpu.memory_space<vmem>>
        %dma_wait3A_370 = tpu.memref_squeeze %dma_wait3A_369 : memref<1x128x128xf32, #tpu.memory_space<vmem>> -> memref<128x128xf32, #tpu.memory_space<vmem>>
        %dma_wait3A_371 = arith.constant 0 : i32
        %dma_wait3A_372 = tpu.memref_slice %arg9[%run_scoped3A_354, %run_scoped3A_355, %dma_wait3A_371] : memref<2x2x128xi32, #tpu.memory_space<vmem>> -> memref<1x1x128xi32, #tpu.memory_space<vmem>>
        %dma_wait3A_373 = tpu.memref_squeeze %dma_wait3A_372 : memref<1x1x128xi32, #tpu.memory_space<vmem>> -> memref<128xi32, #tpu.memory_space<vmem>>
        %dma_wait3A_374 = arith.constant 0 : i32
        %dma_wait3A_375 = arith.constant 0 : i32
        %dma_wait3A_376 = tpu.memref_slice %arg11[%dma_wait3A_374, %dma_wait3A_375] : memref<10240x128xf32, #tpu.memory_space<vmem_shared>> -> memref<10240x128xf32, #tpu.memory_space<vmem_shared>>
        tpu.wait_indirect_dma semaphore(%run_scoped3A_356 : memref<!tpu.dma_semaphore, #tpu.memory_space<semaphore_mem>>) src(%dma_wait3A_370 : memref<128x128xf32, #tpu.memory_space<vmem>>) dst(%dma_wait3A_376 : memref<10240x128xf32, #tpu.memory_space<vmem_shared>>)
        tpu.yield
      }) : () -> ()
    }
    %scan3A_236 = arith.constant 20 : i32
    %barrier3A_237 = arith.constant 0 : index
    tpu.barrier barrier_id(%barrier3A_237)
    "tpu.region"() ({
      %run_scoped3A = tpu.sem_alloc : memref<!tpu.dma_semaphore, #tpu.memory_space<semaphore_mem>>
      %dma_start3A_238 = arith.constant 0 : i32
      %dma_start3A_239 = tpu.memref_slice %arg6[%arg0, %multiple_of3A, %dma_start3A_238] : memref<2x10240x128xf32, #tpu.memory_space<hbm>> -> memref<1x640x128xf32, #tpu.memory_space<hbm>>
      %dma_start3A_240 = tpu.memref_squeeze %dma_start3A_239 : memref<1x640x128xf32, #tpu.memory_space<hbm>> -> memref<640x128xf32, #tpu.memory_space<hbm>>
      %dma_start3A_241 = arith.constant 0 : i32
      %dma_start3A_242 = tpu.memref_slice %arg11[%multiple_of3A, %dma_start3A_241] : memref<10240x128xf32, #tpu.memory_space<vmem_shared>> -> memref<640x128xf32, #tpu.memory_space<vmem_shared>>
      tpu.enqueue_dma source(%dma_start3A_242 : memref<640x128xf32, #tpu.memory_space<vmem_shared>>) target(%dma_start3A_240 : memref<640x128xf32, #tpu.memory_space<hbm>>) target_semaphore(%run_scoped3A : memref<!tpu.dma_semaphore, #tpu.memory_space<semaphore_mem>>)
      %dma_wait3A = arith.constant 0 : i32
      %dma_wait3A_243 = tpu.memref_slice %arg6[%arg0, %multiple_of3A, %dma_wait3A] : memref<2x10240x128xf32, #tpu.memory_space<hbm>> -> memref<1x640x128xf32, #tpu.memory_space<hbm>>
      %dma_wait3A_244 = tpu.memref_squeeze %dma_wait3A_243 : memref<1x640x128xf32, #tpu.memory_space<hbm>> -> memref<640x128xf32, #tpu.memory_space<hbm>>
      %dma_wait3A_245 = arith.constant 0 : i32
      %dma_wait3A_246 = tpu.memref_slice %arg11[%multiple_of3A, %dma_wait3A_245] : memref<10240x128xf32, #tpu.memory_space<vmem_shared>> -> memref<640x128xf32, #tpu.memory_space<vmem_shared>>
      tpu.wait_dma2 semaphore(%run_scoped3A : memref<!tpu.dma_semaphore, #tpu.memory_space<semaphore_mem>>) src(%dma_wait3A_246 : memref<640x128xf32, #tpu.memory_space<vmem_shared>>) dst(%dma_wait3A_244 : memref<640x128xf32, #tpu.memory_space<hbm>>)
      tpu.yield
    }) : () -> ()
    return
  }
}

module attributes {stable_mosaic.version = 14 : i64} {
  func.func @_tc1_body(%arg0: i32, %arg1: memref<2048x128xf32, #tpu.memory_space<vmem>>, %arg2: memref<128x128xf32, #tpu.memory_space<vmem>>, %arg3: memref<2048x2xf32, #tpu.memory_space<vmem>>, %arg4: memref<2048x128xf32, #tpu.memory_space<vmem>>) attributes {dimension_semantics = [#tpu.dimension_semantics<arbitrary>], iteration_bounds = array<i64: 5>, scalar_prefetch = 0 : i64, scratch_operands = 0 : i64, tpu.core_type = #tpu.core_type<tc>, window_params = [{transform_indices = @transform_0, window_bounds = array<i64: 2048, 128>}, {pipeline_mode = #tpu.pipeline_mode<synchronous>, transform_indices = @transform_1, window_bounds = array<i64: 128, 128>}, {transform_indices = @transform_2, window_bounds = array<i64: 2048, 2>}, {transform_indices = @transform_3, window_bounds = array<i64: 2048, 128>}]} {
    %get3A = arith.constant 0 : index
    %get3A_0 = arith.constant 0 : index
    %get3A_1 = vector.load %arg3[%get3A, %get3A_0] : memref<2048x2xf32, #tpu.memory_space<vmem>>, vector<2048x1xf32>
    %get3A_2 = arith.constant 0 : index
    %get3A_3 = arith.constant 1 : index
    %get3A_4 = vector.load %arg3[%get3A_2, %get3A_3] : memref<2048x2xf32, #tpu.memory_space<vmem>>, vector<2048x1xf32>
    %add3A = arith.addf %get3A_1, %get3A_4 : vector<2048x1xf32>
    %add3A_5 = arith.constant 1.000000e+00 : f32
    %add3A_6 = vector.broadcast %add3A_5 : f32 to vector<2048x1xf32>
    %add3A_7 = arith.addf %add3A, %add3A_6 : vector<2048x1xf32>
    %gt3A = arith.constant 0.000000e+00 : f32
    %gt3A_8 = vector.broadcast %gt3A : f32 to vector<2048x1xf32>
    %gt3A_9 = arith.cmpf ogt, %add3A_7, %gt3A_8 : vector<2048x1xf32>
    %rsqrt3A = math.rsqrt %add3A_7 : vector<2048x1xf32>
    %jit3A = arith.constant 0.000000e+00 : f32
    %broadcast_in_dim3A = vector.broadcast %jit3A : f32 to vector<2048x1xf32>
    %select_n3A = arith.select %gt3A_9, %rsqrt3A, %broadcast_in_dim3A : vector<2048x1xi1>, vector<2048x1xf32>
    %get3A_10 = arith.constant 0 : index
    %get3A_11 = arith.constant 0 : index
    %get3A_12 = vector.load %arg1[%get3A_10, %get3A_11] : memref<2048x128xf32, #tpu.memory_space<vmem>>, vector<2048x128xf32>
    %get3A_13 = arith.constant 0 : index
    %get3A_14 = arith.constant 0 : index
    %get3A_15 = vector.load %arg2[%get3A_13, %get3A_14] : memref<128x128xf32, #tpu.memory_space<vmem>>, vector<128x128xf32>
    %dot_general3A = arith.constant dense<0.000000e+00> : vector<2048x128xf32>
    %dot_general3A_16 = tpu.matmul %get3A_12, %get3A_15, %dot_general3A {dimension_numbers = #tpu.dot_dimension_numbers<[1], [0], [0], [1], [0, 0, 1, 1], [], []>, transpose_lhs_hint = false} : vector<2048x128xf32>, vector<128x128xf32>, vector<2048x128xf32> -> vector<2048x128xf32>
    %mul3A = vector.broadcast %select_n3A : vector<2048x1xf32> to vector<2048x128xf32>
    %mul3A_17 = arith.mulf %dot_general3A_16, %mul3A : vector<2048x128xf32>
    %swap3A = arith.constant 0 : index
    %swap3A_18 = arith.constant 0 : index
    %swap3A_19 = vector.load %arg4[%swap3A, %swap3A_18] : memref<2048x128xf32, #tpu.memory_space<vmem>>, vector<2048x128xf32>
    tpu.vector_store %arg4[%swap3A, %swap3A_18], %mul3A_17 {strides = array<i32>} : memref<2048x128xf32, #tpu.memory_space<vmem>>, vector<2048x128xf32>,
    return
  }
  func.func @transform_0(%arg0: i32) -> (i32, i32) {
    %c0_i32 = arith.constant 0 : i32
    %c0_i32_0 = arith.constant 0 : i32
    return %arg0, %c0_i32 : i32, i32
  }
  func.func @transform_1(%arg0: i32) -> (i32, i32) {
    %c0_i32 = arith.constant 0 : i32
    %c0_i32_0 = arith.constant 0 : i32
    %c0_i32_1 = arith.constant 0 : i32
    return %c0_i32, %c0_i32_0 : i32, i32
  }
  func.func @transform_2(%arg0: i32) -> (i32, i32) {
    %c0_i32 = arith.constant 0 : i32
    %c0_i32_0 = arith.constant 0 : i32
    return %arg0, %c0_i32 : i32, i32
  }
  func.func @transform_3(%arg0: i32) -> (i32, i32) {
    %c0_i32 = arith.constant 0 : i32
    %c0_i32_0 = arith.constant 0 : i32
    return %arg0, %c0_i32 : i32, i32
  }
}

module attributes {stable_mosaic.version = 14 : i64} {
  func.func @_tc2_body(%arg0: i32, %arg1: memref<2x2048x128xf32, #tpu.memory_space<vmem>>, %arg2: memref<2048x128xf32, #tpu.memory_space<vmem>>, %arg3: memref<2048x2xf32, #tpu.memory_space<vmem>>, %arg4: memref<128x128xf32, #tpu.memory_space<vmem>>, %arg5: memref<1x128xf32, #tpu.memory_space<vmem>>, %arg6: memref<2048x128xf32, #tpu.memory_space<vmem>>) attributes {dimension_semantics = [#tpu.dimension_semantics<arbitrary>], iteration_bounds = array<i64: 5>, scalar_prefetch = 0 : i64, scratch_operands = 0 : i64, tpu.core_type = #tpu.core_type<tc>, window_params = [{transform_indices = @transform_0, window_bounds = array<i64: 2, 2048, 128>}, {transform_indices = @transform_1, window_bounds = array<i64: 2048, 128>}, {transform_indices = @transform_2, window_bounds = array<i64: 2048, 2>}, {pipeline_mode = #tpu.pipeline_mode<synchronous>, transform_indices = @transform_3, window_bounds = array<i64: 128, 128>}, {pipeline_mode = #tpu.pipeline_mode<synchronous>, transform_indices = @transform_4, window_bounds = array<i64: 1, 128>}, {transform_indices = @transform_5, window_bounds = array<i64: 2048, 128>}]} {
    %get3A = arith.constant 0 : index
    %get3A_0 = arith.constant 0 : index
    %get3A_1 = vector.load %arg3[%get3A, %get3A_0] : memref<2048x2xf32, #tpu.memory_space<vmem>>, vector<2048x1xf32>
    %get3A_2 = arith.constant 0 : index
    %get3A_3 = arith.constant 1 : index
    %get3A_4 = vector.load %arg3[%get3A_2, %get3A_3] : memref<2048x2xf32, #tpu.memory_space<vmem>>, vector<2048x1xf32>
    %add3A = arith.addf %get3A_1, %get3A_4 : vector<2048x1xf32>
    %add3A_5 = arith.constant 1.000000e+00 : f32
    %add3A_6 = vector.broadcast %add3A_5 : f32 to vector<2048x1xf32>
    %add3A_7 = arith.addf %add3A, %add3A_6 : vector<2048x1xf32>
    %gt3A = arith.constant 0.000000e+00 : f32
    %gt3A_8 = vector.broadcast %gt3A : f32 to vector<2048x1xf32>
    %gt3A_9 = arith.cmpf ogt, %add3A_7, %gt3A_8 : vector<2048x1xf32>
    %rsqrt3A = math.rsqrt %add3A_7 : vector<2048x1xf32>
    %jit3A = arith.constant 0.000000e+00 : f32
    %broadcast_in_dim3A = vector.broadcast %jit3A : f32 to vector<2048x1xf32>
    %select_n3A = arith.select %gt3A_9, %rsqrt3A, %broadcast_in_dim3A : vector<2048x1xi1>, vector<2048x1xf32>
    %get3A_10 = arith.constant 0 : index
    %get3A_11 = arith.constant 0 : index
    %get3A_12 = arith.constant 0 : index
    %get3A_13 = vector.load %arg1[%get3A_10, %get3A_11, %get3A_12] : memref<2x2048x128xf32, #tpu.memory_space<vmem>>, vector<1x2048x128xf32>
    %get3A_14 = vector.shape_cast %get3A_13 : vector<1x2048x128xf32> to vector<2048x128xf32>
    %get3A_15 = arith.constant 1 : index
    %get3A_16 = arith.constant 0 : index
    %get3A_17 = arith.constant 0 : index
    %get3A_18 = vector.load %arg1[%get3A_15, %get3A_16, %get3A_17] : memref<2x2048x128xf32, #tpu.memory_space<vmem>>, vector<1x2048x128xf32>
    %get3A_19 = vector.shape_cast %get3A_18 : vector<1x2048x128xf32> to vector<2048x128xf32>
    %add3A_20 = arith.addf %get3A_14, %get3A_19 : vector<2048x128xf32>
    %get3A_21 = arith.constant 0 : index
    %get3A_22 = arith.constant 0 : index
    %get3A_23 = vector.load %arg2[%get3A_21, %get3A_22] : memref<2048x128xf32, #tpu.memory_space<vmem>>, vector<2048x128xf32>
    %add3A_24 = arith.addf %add3A_20, %get3A_23 : vector<2048x128xf32>
    %mul3A = vector.broadcast %select_n3A : vector<2048x1xf32> to vector<2048x128xf32>
    %mul3A_25 = arith.mulf %mul3A, %add3A_24 : vector<2048x128xf32>
    %get3A_26 = arith.constant 0 : index
    %get3A_27 = arith.constant 0 : index
    %get3A_28 = vector.load %arg5[%get3A_26, %get3A_27] : memref<1x128xf32, #tpu.memory_space<vmem>>, vector<1x128xf32>
    %add3A_29 = vector.broadcast %get3A_28 : vector<1x128xf32> to vector<2048x128xf32>
    %add3A_30 = arith.addf %mul3A_25, %add3A_29 : vector<2048x128xf32>
    %max3A = arith.constant 0.000000e+00 : f32
    %max3A_31 = vector.broadcast %max3A : f32 to vector<2048x128xf32>
    %max3A_32 = arith.maximumf %add3A_30, %max3A_31 : vector<2048x128xf32>
    %get3A_33 = arith.constant 0 : index
    %get3A_34 = arith.constant 0 : index
    %get3A_35 = vector.load %arg4[%get3A_33, %get3A_34] : memref<128x128xf32, #tpu.memory_space<vmem>>, vector<128x128xf32>
    %dot_general3A = arith.constant dense<0.000000e+00> : vector<2048x128xf32>
    %dot_general3A_36 = tpu.matmul %max3A_32, %get3A_35, %dot_general3A {dimension_numbers = #tpu.dot_dimension_numbers<[1], [0], [0], [1], [0, 0, 1, 1], [], []>, transpose_lhs_hint = false} : vector<2048x128xf32>, vector<128x128xf32>, vector<2048x128xf32> -> vector<2048x128xf32>
    %mul3A_37 = vector.broadcast %select_n3A : vector<2048x1xf32> to vector<2048x128xf32>
    %mul3A_38 = arith.mulf %dot_general3A_36, %mul3A_37 : vector<2048x128xf32>
    %swap3A = arith.constant 0 : index
    %swap3A_39 = arith.constant 0 : index
    %swap3A_40 = vector.load %arg6[%swap3A, %swap3A_39] : memref<2048x128xf32, #tpu.memory_space<vmem>>, vector<2048x128xf32>
    tpu.vector_store %arg6[%swap3A, %swap3A_39], %mul3A_38 {strides = array<i32>} : memref<2048x128xf32, #tpu.memory_space<vmem>>, vector<2048x128xf32>,
    return
  }
  func.func @transform_0(%arg0: i32) -> (i32, i32, i32) {
    %c0_i32 = arith.constant 0 : i32
    %c0_i32_0 = arith.constant 0 : i32
    %c0_i32_1 = arith.constant 0 : i32
    return %c0_i32, %arg0, %c0_i32_0 : i32, i32, i32
  }
  func.func @transform_1(%arg0: i32) -> (i32, i32) {
    %c0_i32 = arith.constant 0 : i32
    %c0_i32_0 = arith.constant 0 : i32
    return %arg0, %c0_i32 : i32, i32
  }
  func.func @transform_2(%arg0: i32) -> (i32, i32) {
    %c0_i32 = arith.constant 0 : i32
    %c0_i32_0 = arith.constant 0 : i32
    return %arg0, %c0_i32 : i32, i32
  }
  func.func @transform_3(%arg0: i32) -> (i32, i32) {
    %c0_i32 = arith.constant 0 : i32
    %c0_i32_0 = arith.constant 0 : i32
    %c0_i32_1 = arith.constant 0 : i32
    return %c0_i32, %c0_i32_0 : i32, i32
  }
  func.func @transform_4(%arg0: i32) -> (i32, i32) {
    %c0_i32 = arith.constant 0 : i32
    %c0_i32_0 = arith.constant 0 : i32
    %c0_i32_1 = arith.constant 0 : i32
    return %c0_i32, %c0_i32_0 : i32, i32
  }
  func.func @transform_5(%arg0: i32) -> (i32, i32) {
    %c0_i32 = arith.constant 0 : i32
    %c0_i32_0 = arith.constant 0 : i32
    return %arg0, %c0_i32 : i32, i32
  }
}

module attributes {stable_mosaic.version = 14 : i64} {
  func.func @_tc3_body(%arg0: i32, %arg1: memref<2x2048x128xf32, #tpu.memory_space<vmem>>, %arg2: memref<2048x128xf32, #tpu.memory_space<vmem>>, %arg3: memref<2048x2xf32, #tpu.memory_space<vmem>>, %arg4: memref<1x128xf32, #tpu.memory_space<vmem>>, %arg5: memref<2048x128xf32, #tpu.memory_space<vmem>>) attributes {dimension_semantics = [#tpu.dimension_semantics<arbitrary>], iteration_bounds = array<i64: 5>, scalar_prefetch = 0 : i64, scratch_operands = 0 : i64, tpu.core_type = #tpu.core_type<tc>, window_params = [{transform_indices = @transform_0, window_bounds = array<i64: 2, 2048, 128>}, {transform_indices = @transform_1, window_bounds = array<i64: 2048, 128>}, {transform_indices = @transform_2, window_bounds = array<i64: 2048, 2>}, {pipeline_mode = #tpu.pipeline_mode<synchronous>, transform_indices = @transform_3, window_bounds = array<i64: 1, 128>}, {transform_indices = @transform_4, window_bounds = array<i64: 2048, 128>}]} {
    %get3A = arith.constant 0 : index
    %get3A_0 = arith.constant 0 : index
    %get3A_1 = vector.load %arg3[%get3A, %get3A_0] : memref<2048x2xf32, #tpu.memory_space<vmem>>, vector<2048x1xf32>
    %get3A_2 = arith.constant 0 : index
    %get3A_3 = arith.constant 1 : index
    %get3A_4 = vector.load %arg3[%get3A_2, %get3A_3] : memref<2048x2xf32, #tpu.memory_space<vmem>>, vector<2048x1xf32>
    %add3A = arith.addf %get3A_1, %get3A_4 : vector<2048x1xf32>
    %add3A_5 = arith.constant 1.000000e+00 : f32
    %add3A_6 = vector.broadcast %add3A_5 : f32 to vector<2048x1xf32>
    %add3A_7 = arith.addf %add3A, %add3A_6 : vector<2048x1xf32>
    %gt3A = arith.constant 0.000000e+00 : f32
    %gt3A_8 = vector.broadcast %gt3A : f32 to vector<2048x1xf32>
    %gt3A_9 = arith.cmpf ogt, %add3A_7, %gt3A_8 : vector<2048x1xf32>
    %rsqrt3A = math.rsqrt %add3A_7 : vector<2048x1xf32>
    %jit3A = arith.constant 0.000000e+00 : f32
    %broadcast_in_dim3A = vector.broadcast %jit3A : f32 to vector<2048x1xf32>
    %select_n3A = arith.select %gt3A_9, %rsqrt3A, %broadcast_in_dim3A : vector<2048x1xi1>, vector<2048x1xf32>
    %get3A_10 = arith.constant 0 : index
    %get3A_11 = arith.constant 0 : index
    %get3A_12 = arith.constant 0 : index
    %get3A_13 = vector.load %arg1[%get3A_10, %get3A_11, %get3A_12] : memref<2x2048x128xf32, #tpu.memory_space<vmem>>, vector<1x2048x128xf32>
    %get3A_14 = vector.shape_cast %get3A_13 : vector<1x2048x128xf32> to vector<2048x128xf32>
    %get3A_15 = arith.constant 1 : index
    %get3A_16 = arith.constant 0 : index
    %get3A_17 = arith.constant 0 : index
    %get3A_18 = vector.load %arg1[%get3A_15, %get3A_16, %get3A_17] : memref<2x2048x128xf32, #tpu.memory_space<vmem>>, vector<1x2048x128xf32>
    %get3A_19 = vector.shape_cast %get3A_18 : vector<1x2048x128xf32> to vector<2048x128xf32>
    %add3A_20 = arith.addf %get3A_14, %get3A_19 : vector<2048x128xf32>
    %get3A_21 = arith.constant 0 : index
    %get3A_22 = arith.constant 0 : index
    %get3A_23 = vector.load %arg2[%get3A_21, %get3A_22] : memref<2048x128xf32, #tpu.memory_space<vmem>>, vector<2048x128xf32>
    %add3A_24 = arith.addf %add3A_20, %get3A_23 : vector<2048x128xf32>
    %mul3A = vector.broadcast %select_n3A : vector<2048x1xf32> to vector<2048x128xf32>
    %mul3A_25 = arith.mulf %mul3A, %add3A_24 : vector<2048x128xf32>
    %get3A_26 = arith.constant 0 : index
    %get3A_27 = arith.constant 0 : index
    %get3A_28 = vector.load %arg4[%get3A_26, %get3A_27] : memref<1x128xf32, #tpu.memory_space<vmem>>, vector<1x128xf32>
    %add3A_29 = vector.broadcast %get3A_28 : vector<1x128xf32> to vector<2048x128xf32>
    %add3A_30 = arith.addf %mul3A_25, %add3A_29 : vector<2048x128xf32>
    %swap3A = arith.constant 0 : index
    %swap3A_31 = arith.constant 0 : index
    %swap3A_32 = vector.load %arg5[%swap3A, %swap3A_31] : memref<2048x128xf32, #tpu.memory_space<vmem>>, vector<2048x128xf32>
    tpu.vector_store %arg5[%swap3A, %swap3A_31], %add3A_30 {strides = array<i32>} : memref<2048x128xf32, #tpu.memory_space<vmem>>, vector<2048x128xf32>,
    return
  }
  func.func @transform_0(%arg0: i32) -> (i32, i32, i32) {
    %c0_i32 = arith.constant 0 : i32
    %c0_i32_0 = arith.constant 0 : i32
    %c0_i32_1 = arith.constant 0 : i32
    return %c0_i32, %arg0, %c0_i32_0 : i32, i32, i32
  }
  func.func @transform_1(%arg0: i32) -> (i32, i32) {
    %c0_i32 = arith.constant 0 : i32
    %c0_i32_0 = arith.constant 0 : i32
    return %arg0, %c0_i32 : i32, i32
  }
  func.func @transform_2(%arg0: i32) -> (i32, i32) {
    %c0_i32 = arith.constant 0 : i32
    %c0_i32_0 = arith.constant 0 : i32
    return %arg0, %c0_i32 : i32, i32
  }
  func.func @transform_3(%arg0: i32) -> (i32, i32) {
    %c0_i32 = arith.constant 0 : i32
    %c0_i32_0 = arith.constant 0 : i32
    %c0_i32_1 = arith.constant 0 : i32
    return %c0_i32, %c0_i32_0 : i32, i32
  }
  func.func @transform_4(%arg0: i32) -> (i32, i32) {
    %c0_i32 = arith.constant 0 : i32
    %c0_i32_0 = arith.constant 0 : i32
    return %arg0, %c0_i32 : i32, i32
  }
}

</mosaic_0001>

<sc_bundles>
// kernel: kernel.11.cloned.1.call-start
scs
__scs_entry_jumppad:
0x0: {  	(pc) =	sbr.rel $0x88, $3  }
0x1: {  	(tag) =	ssettag $0x0;
	lr =	simm.s32 $0x1  }
0x2: {  	[smem:$0x3F9B] =	sst lr;
	_ =	strace $0xD0000000  }
0x3: {  	_ = 	snop  }
0x4: {  	_ = 	snop  }
0x5: {  	_ = 	snop  }
0x6: {  	_ = 	snop  }
0x7: {  	_ = 	snop  }
__scs_overlays_trampoline_lowered:
0x8: {  	[smem:$0x3FAA] =	sst s0  }
0x9: {  	[smem:$0x3FAB] =	sst s1  }
0xa: {  	[smem:$0x3FAC] =	sst s2  }
0xb: {  	[smem:$0x3FAD] =	sst s3  }
0xc: {  	[smem:$0x3FAE] =	sst s4  }
0xd: {  	[smem:$0x3FAF] =	sst s5  }
0xe: {  	[smem:$0x3FB0] =	sst s6  }
0xf: {  	[smem:$0x3FB1] =	sst s7  }
0x10: {  	[smem:$0x3FB2] =	sst s8  }
0x11: {  	[smem:$0x3FB3] =	sst s9;
	s0 =	simm.s32 @!p0 $0x0  }
0x12: {  	s1 =	sld [smem:$0x3F99];
	s0 =	simm.s32 @p0 $0x1  }
0x13: {  	[smem:$0x3FB4] =	sst s0;
	s0 =	simm.s32 @!p1 $0x0  }
0x14: {  	s2 =	sld [smem:$0x3F98];
	s0 =	simm.s32 @p1 $0x1  }
0x15: {  	[smem:$0x3FB5] =	sst s0;
	s0 =	simm.s32 @!p2 $0x0  }
0x16: {  	s3 =	sld [smem:$0x3FDB];
	s0 =	simm.s32 @p2 $0x1  }
0x17: {  	s4 =	simm.s32 $0x1BF5;
	[smem:$0x3FB7] =	sst s0  }
0x18: {  	s0 =	sld [smem:$0x3F9A];
	_ =	swait.ge [sflag:s4], $0x0  }
0x19: {  	s7 =	sld [smem:$0x3F9B]  }
0x1a: {  	s8 =	sadd.s32 $0xFFFFE003, lr  }
0x1b: {  	s9 =	sadd.s32 $0xFFFFFEF7, lr;
	s5 =	simm.s32 $0xFFFFFFFF;
	p2 =	slt.u32 s8, $0xFFFFF086  }
0x1c: {  	p1 =	slt.u32 s9, $0xF7A;
	s5 =	simm.s32 @!p2 $0x0  }
0x1d: {  	s5 =	simm.s32 @p1 $0x1;
	p0 =	seq.s32 s7, s2  }
0x1e: {  	s7 =	smul.u32 @!p0 $0xF7A, s2;
	p2 =	seq.s32 @!p0 s5, $0x0  }
0x1f: {  	s9 =	smul.u32 $0xF7A, s1;
	s8 =	simm.s32 @!p0 $0x1BF5;
	p2 =	por !p2, p0  }
0x20: {  	[sflag:s8] =	ssyncset.s32 @!p0 $0xFFFFF086;
	s6 =	sadd.s32 @!p0 s3, s7;
	s7 =	simm.s32 @!p0 $0x108  }
0x21: {  	s3 =	sadd.s32 s3, s9;
	s6 =	sadd.s32 @!p0 $0x88, s6;
	s7 =	simm.s32 @p2 $0x1082  }
0x22: {  	[simem:s7], [sflag:s8] =	dma.local @!p0 [hbm:s6], $0xF7A  }
0x23: {  	s9 =	sor.u32 $0xD0000000, s2;
	s6 =	simm.s32 $0x108;
	_ =	swait.ge @!p0 [sflag:s8], $0x0  }
0x24: {  	s3 =	sadd.s32 $0x88, s3;
	s6 =	simm.s32 @!p1 $0x1082;
	[sflag:s4] =	ssyncset.s32 $0xFFFFF086  }
0x25: {  	[simem:s6], [sflag:s4] =	dma.local [hbm:s3], $0xF7A  }
0x26: {  	[smem:$0x3F9B] =	sst s1;
	(tag) =	ssettag s2;
	_ =	strace s9  }
0x27: {  	s1 =	sld [smem:$0x3FAB]  }
0x28: {  	s2 =	sld [smem:$0x3FAC]  }
0x29: {  	s4 =	sld [smem:$0x3FAE]  }
0x2a: {  	p0 =	seq.s32 s5, $0x0;
	s5 =	sld [smem:$0x3FAF]  }
0x2b: {  	s6 =	sld [smem:$0x3FB0]  }
0x2c: {  	s7 =	sld [smem:$0x3FB1]  }
0x2d: {  	s3 =	simm.s32 $0x108;
	s8 =	sld [smem:$0x3FB2]  }
0x2e: {  	s3 =	simm.s32 @!p0 $0x1082;
	s9 =	sld [smem:$0x3FB3]  }
0x2f: {  	lr =	sadd.s32 s0, s3;
	s0 =	sld [smem:$0x3FAA]  }
0x30: {  	s3 =	sld [smem:$0x3FAD]  }
0x31: {  	[smem:$0x3FB6] =	sst s10  }
0x32: {  	s10 =	sld [smem:$0x3FB4];
	_ =	sdelay $0x3  }
0x33: {  	p0 =	seq.s32 s10, $0x1;
	s10 =	sld [smem:$0x3FB6];
	_ =	sdelay $0x3  }
0x34: {  	[smem:$0x3FB6] =	sst s10  }
0x35: {  	s10 =	sld [smem:$0x3FB5];
	_ =	sdelay $0x3  }
0x36: {  	p1 =	seq.s32 s10, $0x1;
	s10 =	sld [smem:$0x3FB6];
	_ =	sdelay $0x3  }
0x37: {  	[smem:$0x3FB6] =	sst s10  }
0x38: {  	s10 =	sld [smem:$0x3FB7]  }
0x39: {  	_ = 	snop;
	(pc) =	sbr.ind lr, $3  }
0x3a: {  	_ = 	snop  }
0x3b: {  	_ = 	snop  }
0x3c: {  	p2 =	seq.s32 s10, $0x1;
	s10 =	sld [smem:$0x3FB6]  }
0x3d: {  	_ =	shalt  }
0x3e: {  	_ =	shalt  }
0x3f: {  	_ =	shalt  }
0x40: {  	_ =	shalt  }
0x41: {  	_ =	shalt  }
0x42: {  	_ =	shalt  }
0x43: {  	_ =	shalt  }
0x44: {  	_ =	shalt  }
0x45: {  	_ =	shalt  }
0x46: {  	_ =	shalt  }
0x47: {  	_ =	shalt  }
0x48: {  	_ =	shalt  }
0x49: {  	_ =	shalt  }
0x4a: {  	_ =	shalt  }
0x4b: {  	_ =	shalt  }
0x4c: {  	_ =	shalt  }
0x4d: {  	_ =	shalt  }
0x4e: {  	_ =	shalt  }
0x4f: {  	_ =	shalt  }
0x50: {  	_ =	shalt  }
0x51: {  	_ =	shalt  }
0x52: {  	_ =	shalt  }
0x53: {  	_ =	shalt  }
0x54: {  	_ =	shalt  }
0x55: {  	_ =	shalt  }
0x56: {  	_ =	shalt  }
0x57: {  	_ =	shalt  }
0x58: {  	_ =	shalt  }
0x59: {  	_ =	shalt  }
0x5a: {  	_ =	shalt  }
0x5b: {  	_ =	shalt  }
0x5c: {  	_ =	shalt  }
0x5d: {  	_ =	shalt  }
0x5e: {  	_ =	shalt  }
0x5f: {  	_ =	shalt  }
0x60: {  	_ =	shalt  }
0x61: {  	_ =	shalt  }
0x62: {  	_ =	shalt  }
0x63: {  	_ =	shalt  }
0x64: {  	_ =	shalt  }
0x65: {  	_ =	shalt  }
0x66: {  	_ =	shalt  }
0x67: {  	_ =	shalt  }
0x68: {  	_ =	shalt  }
0x69: {  	_ =	shalt  }
0x6a: {  	_ =	shalt  }
0x6b: {  	_ =	shalt  }
0x6c: {  	_ =	shalt  }
0x6d: {  	_ =	shalt  }
0x6e: {  	_ =	shalt  }
0x6f: {  	_ =	shalt  }
0x70: {  	_ =	shalt  }
0x71: {  	_ =	shalt  }
0x72: {  	_ =	shalt  }
0x73: {  	_ =	shalt  }
0x74: {  	_ =	shalt  }
0x75: {  	_ =	shalt  }
0x76: {  	_ =	shalt  }
0x77: {  	_ =	shalt  }
0x78: {  	_ =	shalt  }
0x79: {  	_ =	shalt  }
0x7a: {  	_ =	shalt  }
0x7b: {  	_ =	shalt  }
0x7c: {  	_ =	shalt  }
0x7d: {  	_ =	shalt  }
0x7e: {  	_ =	shalt  }
0x7f: {  	_ =	shalt  }
0x80: {  	_ =	shalt  }
0x81: {  	_ =	shalt  }
0x82: {  	_ =	shalt  }
0x83: {  	_ =	shalt  }
0x84: {  	_ =	shalt  }
0x85: {  	_ =	shalt  }
0x86: {  	_ =	shalt  }
0x87: {  	_ =	shalt  }
.Lfunc_end0:
.L_simem_size_0:
called_computation.1_lowered:
.L_overlay_start_0:
0x88: {  	s2 =	sld [smem:$0x3FD9]  }
0x89: {  	s3 =	sld [smem:$0x3FFE];
	_ =	sdelay $0x1  }
0x8a: {  	s1 =	srdreg.scid  }
0x8b: {  	s0 =	sand.u32 $0x1, s1  }
0x8c: {  	s17 =	sshll.u32 s0, $0xA;
	s2 =	sadd.s32 s3, s2  }
0x8d: {  	s2 =	sadd.s32 s2, s17  }
0x8e: {  	[smem:$0x3FC2] =	sst s2  }
0x8f: {  	_ = 	snop  }
0x90: {  	s2 =	sld [smem:$0x3FD0];
	(tm) =	ssettm $0x1  }
0x91: {  	s18 =	sld [smem:$0x3FFB];
	_ =	sdelay $0x3  }
0x92: {  	_ =	strace s18  }
0x93: {  	s3 =	sld [smem:$0x3FFC];
	_ =	sdelay $0x3  }
0x94: {  	_ =	strace s3  }
0x95: {  	s3 =	sld [smem:$0x3FFD];
	_ =	sdelay $0x3  }
0x96: {  	_ =	strace s3  }
0x97: {  	_ =	strace $0x8FFFFFFF  }
0x98: {  	s19 =	sld [smem:$0x3FDB];
	_ =	sdelay $0x1  }
0x99: {  	s4 =	simm.s32 $_scs_section_size  }
0x9a: {  	s5 =	simm.s32 $_size__tile_overlayer_lowered;
	s6 =	simm.s32 $_tile_overlayer_lowered  }
0x9b: {  	s22 =	simm.s32 $0x1BFF;
	s21 =	sshll.u32 s6, $0x1;
	s3 =	sadd.s32 s4, s19  }
0x9c: {  	s7 =	simm.s32 $0x0;
	s20 =	sshll.u32 s5, $0x1;
	s5 =	sadd.s32 s21, s3  }
0x9d: {  	[timem:s7], [sflag:s22] =	dma.local [hbm:s5], s20  }
0x9e: {  	_ =	swait.ge [sflag:s22], s20  }
0x9f: {  	s4 =	ssub.s32 $0x0, s20;
	[sflag:s22] =	ssyncset.done $0x0  }
0xa0: {  	[sflag:s22] =	ssyncadd.s32 s4;
	_ =	sdelay $0x1  }
0xa1: {  	s23 =	simm.s32 $0x1B8B  }
0xa2: {  	_ =	swait.ge [sflag:s23], $0x1  }
0xa3: {  	[sflag:s23] =	ssyncset.done $0x0  }
0xa4: {  	s25 =	simm.s32 $0x1B8E;
	s24 =	sld [smem:$0x3FFE];
	[sflag:s23] =	ssyncadd.s32 $0xFFFFFFFF  }
0xa5: {  	s26 =	simm.s32 $execute0_lowered;
	[smem:$0x3FD2] =	sst s25  }
0xa6: {  	s5 =	sshll.u32 s26, $0x1;
	_ =	strace $0x80000049;
	[dreg:$0x1] =	wrdreg $0xFFFFFFFF  }
0xa7: {  	s28 =	simm.s32 $_size_execute0_lowered;
	s3 =	sadd.s32 s3, s5;
	[dreg:$0x0] =	wrdreg $0x0  }
0xa8: {  	s5 =	sshll.u32 s28, $0x1;
	[dreg:$0x2] =	wrdreg s3  }
0xa9: {  	[dreg:$0x3] =	wrdreg s5  }
0xaa: {  	[dreg:$0x4] =	wrdreg $0xC0  }
0xab: {  	_ =	task [dreg:s7], $0x5FFFF  }
0xac: {  	[dreg:$0x1] =	wrdreg $0xFFFFFFFF  }
0xad: {  	[dreg:$0x0] =	wrdreg $0x60  }
0xae: {  	[dreg:$0x2] =	wrdreg s24  }
0xaf: {  	[dreg:$0x3] =	wrdreg s2  }
0xb0: {  	[dreg:$0x4] =	wrdreg $0xBE000  }
0xb1: {  	[dreg:$0x5] =	wrdreg $0x9  }
0xb2: {  	_ =	task.clear_ibuf [dreg:s7], $0x6FFFF;
	_ =	strace $0x90000049  }
0xb3: {  	s29 =	simm.s32 $0x9;
	_ =	strace $0x8000004B  }
0xb4: {  	_ =	swait.ge [sflag:s29], $0x1  }
0xb5: {  	[sflag:s29] =	ssyncadd.s32 $0xFFFFFFFF  }
0xb6: {  	_ =	strace $0x9000004B  }
0xb7: {  	_ =	sfence  }
0xb8: {  	s30 =	sld [smem:$0x0];
	_ =	sdelay $0x2  }
0xb9: {  	s31 =	sshll.u32 s1, $0xD;
	s1 =	sshrl.u32 s1, $0x2  }
0xba: {  	s3 =	sand.u32 $0x4000, s31;
	s1 =	sadd.s32 s1, s30  }
0xbb: {  	s0 =	sor.u32 s3, s0;
	s1 =	sshll.u32 s1, $0x11  }
0xbc: {  	s0 =	sor.u32 s1, s0  }
0xbd: {  	s0 =	sadd.s32 $0x8F2B, s0  }
0xbe: {  	[sflag:s0] =	ssyncadd.remote.s32 $0x1  }
0xbf: {  	_ =	sfence.sel $0xFFFF  }
0xc0: {  	[dreg:$0x0] =	wrdreg $0xFFFFFFFF;
	(pc) =	sbr.abs _section_cstart, $3  }
0xc1: {  	[dreg:$0x1] =	wrdreg $0xFFFFFFFF  }
0xc2: {  	_ =	task.clear_ibuf [dreg:s7], $0x2FFFF;
	_ =	strace $0x9FFFFFFF  }
0xc3: {  	(tm) =	ssettm $0x7FFFFFFF  }
tec
execute0_lowered:
.L_overlay_start_1:
0x0: {  	(tag) =	ssettag $0x1  }
0x1: {  	s6 =	rddreg [dreg:$0x0]  }
0x2: {  	s0 =	srdreg.scid;
	s2 =	rddreg [dreg:$0x1];
	s4 =	simm.s32 $0x0  }
0x3: {  	s13 =	simm.s32 $0x2800;
	s14 =	simm.s32 $0x80;
	s15 =	simm.s32 $0x3E00  }
0x4: {  	s16 =	simm.s32 $0x1;
	s17 =	simm.s32 $0x7E00;
	s18 =	simm.s32 $0x3C00  }
0x5: {  	s19 =	simm.s32 $0x2;
	s20 =	simm.s32 $0x3C80;
	s21 =	simm.s32 $0x3D00  }
0x6: {  	s22 =	simm.s32 $0x3D80;
	s1 =	sand.u32 $0x1, s0;
	s0 =	stileid.u32  }
0x7: {  	s23 =	simm.s32 $0x0;
	[smem:$0x7FF] =	sst s4;
	s9 =	smul.u32 $0x140000, s1  }
0x8: {  	s5 =	sadd.s32 $0x11600, s6;
	s3 =	sshll.u32 s1, $0x4;
	s10 =	smul.u32 $0x14000, s0  }
0x9: {  	s26 =	smul.u32 $0x50000, s0;
	s1 =	ssub.s32 $0x2, s1;
	s7 =	sor.u32 s0, s3  }
0xa: {  	s31 =	sshll.u32 s0, $0x6;
	s3 =	rddreg [dreg:$0x2];
	s8 =	smul.u32 $0x500, s7  }
0xb: {  	_ =	strace $0x8000004A;
	s29 =	sshrl.u32 s1, $0x1;
	s7 =	smul.u32 $0x280, s7  }
0xc: {  	s9 =	sadd.s32 s10, s9;
	s30 =	sshrl.u32 s26, $0x2;
	s1 =	ssub.s32 s1, s29  }
0xd: {  	s28 =	sshrl.u32 s9, $0x3;
	s12 =	sadd.s32 s30, s3;
	s10 =	smax.u32 s1, $0x1  }
0xe: {  	s8 =	sadd.s32 s8, s6;
	s11 =	sadd.s32 s7, s6;
	s9 =	sadd.s32 s28, s6  }
0xf: {  	s6 =	sor.u32 $0x1C03, s31;
	s7 =	sadd.s32 $0x7600, s8;
	s8 =	sadd.s32 $0x2600, s11  }
0x10: {  	s9 =	sadd.s32 $0x39600, s9;
	s11 =	sshrl.u32 s12, $0x3;
	s12 =	simm.s32 $0x3  }
.LBB2_1:
0x11: {  	[spmem:s11], [sflag:s6] =	dma.local [hbm:s2], $0x2800  }
0x12: {  	_ =	swait.ge [sflag:s12], $0x2800  }
0x13: {  	[sflag:s12] =	ssyncset.done $0x0  }
0x14: {  	[sflag:s12] =	ssyncadd.s32 $0xFFFFD800  }
0x15: {  	[tilespmem:s4], [sflag:$0x3] =	stream.linear.gather [hbm4b:s7+s4], $0x2800, $0x38;
	[tilespmem:$0x1FE00] =	vst v63  }
0x16: {  	_ =	swait.ge [sflag:s12], $0x2800  }
0x17: {  	[sflag:s12] =	ssyncset.done $0x0  }
0x18: {  	[sflag:s12] =	ssyncadd.s32 $0xFFFFD800  }
0x19: {  	[tilespmem:s13], [sflag:$0x3] =	stream.linear.gather [hbm4b:s8+s4], $0x1400, $0x38;
	[tilespmem:$0x1FE00] =	vst v63  }
0x1a: {  	_ =	swait.ge [sflag:s12], $0x1400  }
0x1b: {  	[sflag:s12] =	ssyncset.done $0x0  }
0x1c: {  	[sflag:s12] =	ssyncadd.s32 $0xFFFFEC00  }
0x1d: {  	[bflag:$0x0] =	sbarrier.arrive $0xFFFF  }
0x1e: {  	v0 =	vld [tilespmem:$0x2800];
	_ =	sdelay $0x1  }
0x1f: {  	v1 =	vld [tilespmem:$0x2810];
	_ =	sdelay $0x1  }
0x20: {  	v2 =	vld [tilespmem:$0x2820]  }
0x21: {  	v3 =	vand.u32 $0xFFFF, v0  }
0x22: {  	v41 =	vld [tilespmem:$0x2830];
	v0 =	vshrl.u32 v0, $0x10;
	[tilespmem:$0x3C00] =	vst v3  }
0x23: {  	v43 =	vld [tilespmem:$0x2840];
	v42 =	vand.u32 $0xFFFF, v1;
	[tilespmem:$0x3C10] =	vst v0  }
0x24: {  	v45 =	vld [tilespmem:$0x2850];
	v1 =	vshrl.u32 v1, $0x10;
	[tilespmem:$0x3C20] =	vst v42  }
0x25: {  	v44 =	vand.u32 $0xFFFF, v2;
	[tilespmem:$0x3C30] =	vst v1  }
0x26: {  	v47 =	vld [tilespmem:$0x2860];
	v2 =	vshrl.u32 v2, $0x10;
	[tilespmem:$0x3C40] =	vst v44  }
0x27: {  	v46 =	vand.u32 $0xFFFF, v41;
	[tilespmem:$0x3C50] =	vst v2  }
0x28: {  	v49 =	vld [tilespmem:$0x2870];
	v48 =	vand.u32 $0xFFFF, v43;
	[tilespmem:$0x3C60] =	vst v46  }
0x29: {  	v50 =	vand.u32 $0xFFFF, v45;
	[tilespmem:$0x3C80] =	vst v48  }
0x2a: {  	v51 =	vshrl.u32 v45, $0x10;
	[tilespmem:$0x3CA0] =	vst v50  }
0x2b: {  	v52 =	vand.u32 $0xFFFF, v47;
	[tilespmem:$0x3CB0] =	vst v51  }
0x2c: {  	v53 =	vshrl.u32 v47, $0x10;
	[tilespmem:$0x3CC0] =	vst v52  }
0x2d: {  	v54 =	vand.u32 $0xFFFF, v49;
	[tilespmem:$0x3CD0] =	vst v53  }
0x2e: {  	v55 =	vshrl.u32 v49, $0x10;
	[tilespmem:$0x3CE0] =	vst v54  }
0x2f: {  	v3 =	vshrl.u32 v41, $0x10;
	[tilespmem:$0x3CF0] =	vst v55  }
0x30: {  	v0 =	vshrl.u32 v43, $0x10;
	[tilespmem:$0x3C70] =	vst v3  }
0x31: {  	s24 =	simm.s32 $0x28C0;
	[tilespmem:$0x3C90] =	vst v0  }
0x32: {  	[tilespmem:s15], [sflag:$0x1] =	stream.indirect.gather [hbm4b:s5+s14], $0x80, s4, s14, $0xb8;
	[tilespmem:$0x1FE00] =	vst v63  }
0x33: {  	v0 =	vld [tilespmem:s24+$0xFFFFFFC0];
	_ =	sdelay $0x4  }
0x34: {  	v56 =	vand.u32 $0xFFFF, v0  }
0x35: {  	v0 =	vshrl.u32 v0, $0x10;
	[tilespmem:$0x3D00] =	vst v56  }
0x36: {  	[tilespmem:$0x3D10] =	vst v0  }
0x37: {  	v0 =	vld [tilespmem:s24+$0xFFFFFFD0];
	_ =	sdelay $0x4  }
0x38: {  	v57 =	vand.u32 $0xFFFF, v0  }
0x39: {  	v0 =	vshrl.u32 v0, $0x10;
	[tilespmem:$0x3D20] =	vst v57  }
0x3a: {  	[tilespmem:$0x3D30] =	vst v0  }
0x3b: {  	v0 =	vld [tilespmem:s24+$0xFFFFFFE0];
	_ =	sdelay $0x4  }
0x3c: {  	v58 =	vand.u32 $0xFFFF, v0  }
0x3d: {  	v0 =	vshrl.u32 v0, $0x10;
	[tilespmem:$0x3D40] =	vst v58  }
0x3e: {  	[tilespmem:$0x3D50] =	vst v0  }
0x3f: {  	v0 =	vld [tilespmem:s24+$0xFFFFFFF0];
	_ =	sdelay $0x4  }
0x40: {  	v59 =	vand.u32 $0xFFFF, v0  }
0x41: {  	v0 =	vshrl.u32 v0, $0x10;
	[tilespmem:$0x3D60] =	vst v59  }
0x42: {  	[tilespmem:$0x3D70] =	vst v0  }
0x43: {  	v0 =	vld [tilespmem:s24+$0x0];
	_ =	sdelay $0x4  }
0x44: {  	v60 =	vand.u32 $0xFFFF, v0  }
0x45: {  	v0 =	vshrl.u32 v0, $0x10;
	[tilespmem:$0x3D80] =	vst v60  }
0x46: {  	[tilespmem:$0x3D90] =	vst v0  }
0x47: {  	v0 =	vld [tilespmem:s24+$0x10];
	_ =	sdelay $0x4  }
0x48: {  	v61 =	vand.u32 $0xFFFF, v0  }
0x49: {  	v0 =	vshrl.u32 v0, $0x10;
	[tilespmem:$0x3DA0] =	vst v61  }
0x4a: {  	[tilespmem:$0x3DB0] =	vst v0  }
0x4b: {  	v0 =	vld [tilespmem:s24+$0x20];
	_ =	sdelay $0x4  }
0x4c: {  	v62 =	vand.u32 $0xFFFF, v0  }
0x4d: {  	v0 =	vshrl.u32 v0, $0x10;
	[tilespmem:$0x3DC0] =	vst v62  }
0x4e: {  	[tilespmem:$0x3DD0] =	vst v0  }
0x4f: {  	v0 =	vld [tilespmem:s24+$0x30];
	_ =	sdelay $0x4  }
0x50: {  	v63 =	vand.u32 $0xFFFF, v0  }
0x51: {  	v0 =	vshrl.u32 v0, $0x10;
	[tilespmem:$0x3DE0] =	vst v63  }
0x52: {  	[tilespmem:$0x3DF0] =	vst v0  }
0x53: {  	_ =	swait.ge [sflag:s16], $0x4000  }
0x54: {  	[sflag:s16] =	ssyncset.done $0x0  }
0x55: {  	s1 =	simm.s32 $0x80;
	[sflag:s16] =	ssyncadd.s32 $0xFFFFC000  }
0x56: {  	[tilespmem:s17], [sflag:$0x2] =	stream.indirect.gather [hbm4b:s5+s14], $0x80, s1, s14, $0xb8;
	[tilespmem:$0x1FE00] =	vst v63  }
0x57: {  	_ = 	snop  }
0x58: {  	[spmem:s3] =	stream.indirect.scatter.add.f32 [tilespmem:s15], [sflag:$0x3], $0x80, s18, s14, $0xb8;
	[tilespmem:$0x1FE00] =	vst v63  }
0x59: {  	_ =	swait.ge [sflag:s12], $0x4000  }
0x5a: {  	[sflag:s12] =	ssyncset.done $0x0  }
0x5b: {  	[sflag:s12] =	ssyncadd.s32 $0xFFFFC000  }
0x5c: {  	_ =	swait.ge [sflag:s19], $0x4000  }
0x5d: {  	[sflag:s19] =	ssyncset.done $0x0  }
0x5e: {  	s28 =	simm.s32 $0x100;
	[sflag:s19] =	ssyncadd.s32 $0xFFFFC000  }
0x5f: {  	[tilespmem:s15], [sflag:$0x1] =	stream.indirect.gather [hbm4b:s5+s14], $0x80, s28, s14, $0xb8;
	[tilespmem:$0x1FE00] =	vst v63  }
0x60: {  	_ = 	snop  }
0x61: {  	[spmem:s3] =	stream.indirect.scatter.add.f32 [tilespmem:s17], [sflag:$0x3], $0x80, s20, s14, $0xb8;
	[tilespmem:$0x1FE00] =	vst v63  }
0x62: {  	_ =	swait.ge [sflag:s12], $0x4000  }
0x63: {  	[sflag:s12] =	ssyncset.done $0x0  }
0x64: {  	p0 =	por $0x0, $0x0;
	[sflag:s12] =	ssyncadd.s32 $0xFFFFC000  }
0x65: {  	v0 =	vld @!p0 [tilespmem:s24+$0x40];
	_ =	sdelay $0x4  }
0x66: {  	v1 =	vand.u32 @!p0 $0xFFFF, v0  }
0x67: {  	v0 =	vshrl.u32 @!p0 v0, $0x10;
	[tilespmem:$0x3C00] =	vst @!p0 v1  }
0x68: {  	[tilespmem:$0x3C10] =	vst @!p0 v0  }
0x69: {  	v0 =	vld @!p0 [tilespmem:s24+$0x50];
	_ =	sdelay $0x4  }
0x6a: {  	v1 =	vand.u32 @!p0 $0xFFFF, v0  }
0x6b: {  	v0 =	vshrl.u32 @!p0 v0, $0x10;
	[tilespmem:$0x3C20] =	vst @!p0 v1  }
0x6c: {  	[tilespmem:$0x3C30] =	vst @!p0 v0  }
0x6d: {  	v0 =	vld @!p0 [tilespmem:s24+$0x60];
	_ =	sdelay $0x4  }
0x6e: {  	v1 =	vand.u32 @!p0 $0xFFFF, v0  }
0x6f: {  	v0 =	vshrl.u32 @!p0 v0, $0x10;
	[tilespmem:$0x3C40] =	vst @!p0 v1  }
0x70: {  	[tilespmem:$0x3C50] =	vst @!p0 v0  }
0x71: {  	v0 =	vld @!p0 [tilespmem:s24+$0x70];
	_ =	sdelay $0x4  }
0x72: {  	v1 =	vand.u32 @!p0 $0xFFFF, v0  }
0x73: {  	v0 =	vshrl.u32 @!p0 v0, $0x10;
	[tilespmem:$0x3C60] =	vst @!p0 v1  }
0x74: {  	[tilespmem:$0x3C70] =	vst @!p0 v0  }
0x75: {  	v0 =	vld @!p0 [tilespmem:s24+$0x80];
	_ =	sdelay $0x4  }
0x76: {  	v1 =	vand.u32 @!p0 $0xFFFF, v0  }
0x77: {  	v0 =	vshrl.u32 @!p0 v0, $0x10;
	[tilespmem:$0x3C80] =	vst @!p0 v1  }
0x78: {  	[tilespmem:$0x3C90] =	vst @!p0 v0  }
0x79: {  	v0 =	vld @!p0 [tilespmem:s24+$0x90];
	_ =	sdelay $0x4  }
0x7a: {  	v1 =	vand.u32 @!p0 $0xFFFF, v0  }
0x7b: {  	v0 =	vshrl.u32 @!p0 v0, $0x10;
	[tilespmem:$0x3CA0] =	vst @!p0 v1  }
0x7c: {  	[tilespmem:$0x3CB0] =	vst @!p0 v0  }
0x7d: {  	v0 =	vld @!p0 [tilespmem:s24+$0xA0];
	_ =	sdelay $0x4  }
0x7e: {  	v1 =	vand.u32 @!p0 $0xFFFF, v0  }
0x7f: {  	v0 =	vshrl.u32 @!p0 v0, $0x10;
	[tilespmem:$0x3CC0] =	vst @!p0 v1  }
0x80: {  	[tilespmem:$0x3CD0] =	vst @!p0 v0  }
0x81: {  	v0 =	vld @!p0 [tilespmem:s24+$0xB0];
	_ =	sdelay $0x4  }
0x82: {  	v1 =	vand.u32 @!p0 $0xFFFF, v0  }
0x83: {  	s31 =	simm.s32 $0x180;
	p2 =	por $0x0, $0x0;
	s25 =	simm.s32 $0x29C0;
	v0 =	vshrl.u32 @!p0 v0, $0x10;
	[tilespmem:$0x3CE0] =	vst @!p0 v1  }
0x84: {  	s26 =	simm.s32 $0x1;
	s29 =	simm.s32 @!p2 $0x200;
	s30 =	simm.s32 @!p2 $0x80;
	[tilespmem:$0x3CF0] =	vst @!p0 v0  }
0x85: {  	s1 =	simm.s32 @!p2 $0x3E00;
	s24 =	simm.s32 $0x800;
	_ =	swait.ge [sflag:s16], $0x4000  }
.LBB2_2:
0x86: {  	[sflag:s16] =	ssyncset.done $0x0  }
0x87: {  	s26 =	sadd.s32 $0x2, s26;
	s28 =	smov.u32 s24;
	s24 =	sadd.s32 $0x800, s24  }
0x88: {  	p0 =	sne.s32 s24, $0xA000;
	[sflag:s16] =	ssyncadd.s32 $0xFFFFC000  }
0x89: {  	[tilespmem:s17], [sflag:$0x2] =	stream.indirect.gather [hbm4b:s5+s14], $0x80, s31, s14, $0xb8;
	[tilespmem:$0x1FE00] =	vst v63  }
0x8a: {  	_ = 	snop  }
0x8b: {  	[spmem:s3] =	stream.indirect.scatter.add.f32 [tilespmem:s15], [sflag:$0x3], $0x80, s21, s14, $0xb8;
	[tilespmem:$0x1FE00] =	vst v63  }
0x8c: {  	_ =	swait.ge [sflag:s12], $0x4000  }
0x8d: {  	[sflag:s12] =	ssyncset.done $0x0  }
0x8e: {  	[sflag:s12] =	ssyncadd.s32 $0xFFFFC000  }
0x8f: {  	_ =	swait.ge [sflag:s19], $0x4000  }
0x90: {  	[sflag:s19] =	ssyncset.done $0x0  }
0x91: {  	[sflag:s19] =	ssyncadd.s32 $0xFFFFC000  }
0x92: {  	[tilespmem:s1], [sflag:$0x1] =	stream.indirect.gather @!p2 [hbm4b:s5+s30], $0x80, s29, s30, $0xb8;
	[tilespmem:$0x1FE00] =	vst v63  }
0x93: {  	_ = 	snop  }
0x94: {  	[spmem:s3] =	stream.indirect.scatter.add.f32 [tilespmem:s17], [sflag:$0x3], $0x80, s22, s14, $0xb8;
	[tilespmem:$0x1FE00] =	vst v63  }
0x95: {  	_ =	swait.ge [sflag:s12], $0x4000  }
0x96: {  	[sflag:s12] =	ssyncset.done $0x0  }
0x97: {  	[sflag:s12] =	ssyncadd.s32 $0xFFFFC000  }
0x98: {  	v0 =	vld [tilespmem:s25+$0xFFFFFFC0];
	_ =	sdelay $0x4  }
0x99: {  	v1 =	vand.u32 $0xFFFF, v0;
	v0 =	vshrl.u32 v0, $0x10  }
0x9a: {  	[tilespmem:$0x3D00] =	vst v1  }
0x9b: {  	[tilespmem:$0x3D10] =	vst v0  }
0x9c: {  	v0 =	vld [tilespmem:s25+$0xFFFFFFD0];
	_ =	sdelay $0x4  }
0x9d: {  	v1 =	vand.u32 $0xFFFF, v0;
	v0 =	vshrl.u32 v0, $0x10  }
0x9e: {  	[tilespmem:$0x3D20] =	vst v1  }
0x9f: {  	[tilespmem:$0x3D30] =	vst v0  }
0xa0: {  	v0 =	vld [tilespmem:s25+$0xFFFFFFE0];
	_ =	sdelay $0x4  }
0xa1: {  	v1 =	vand.u32 $0xFFFF, v0;
	v0 =	vshrl.u32 v0, $0x10  }
0xa2: {  	[tilespmem:$0x3D40] =	vst v1  }
0xa3: {  	[tilespmem:$0x3D50] =	vst v0  }
0xa4: {  	v0 =	vld [tilespmem:s25+$0xFFFFFFF0];
	_ =	sdelay $0x4  }
0xa5: {  	v1 =	vand.u32 $0xFFFF, v0;
	v0 =	vshrl.u32 v0, $0x10  }
0xa6: {  	[tilespmem:$0x3D60] =	vst v1  }
0xa7: {  	[tilespmem:$0x3D70] =	vst v0  }
0xa8: {  	v0 =	vld [tilespmem:s25+$0x0];
	_ =	sdelay $0x4  }
0xa9: {  	v1 =	vand.u32 $0xFFFF, v0;
	v0 =	vshrl.u32 v0, $0x10  }
0xaa: {  	[tilespmem:$0x3D80] =	vst v1  }
0xab: {  	[tilespmem:$0x3D90] =	vst v0  }
0xac: {  	v0 =	vld [tilespmem:s25+$0x10];
	_ =	sdelay $0x4  }
0xad: {  	v1 =	vand.u32 $0xFFFF, v0;
	v0 =	vshrl.u32 v0, $0x10  }
0xae: {  	[tilespmem:$0x3DA0] =	vst v1  }
0xaf: {  	[tilespmem:$0x3DB0] =	vst v0  }
0xb0: {  	v0 =	vld [tilespmem:s25+$0x20];
	_ =	sdelay $0x4  }
0xb1: {  	v1 =	vand.u32 $0xFFFF, v0;
	v0 =	vshrl.u32 v0, $0x10  }
0xb2: {  	[tilespmem:$0x3DC0] =	vst v1  }
0xb3: {  	[tilespmem:$0x3DD0] =	vst v0  }
0xb4: {  	v0 =	vld [tilespmem:s25+$0x30]  }
0xb5: {  	s29 =	sshra.s32 s28, $0x2  }
0xb6: {  	s1 =	sadd.s32 $0x80, s29;
	_ =	sdelay $0x2  }
0xb7: {  	v1 =	vand.u32 $0xFFFF, v0;
	v0 =	vshrl.u32 v0, $0x10  }
0xb8: {  	[tilespmem:$0x3DE0] =	vst v1  }
0xb9: {  	[tilespmem:$0x3DF0] =	vst v0  }
0xba: {  	_ =	swait.ge [sflag:s16], $0x4000  }
0xbb: {  	[sflag:s16] =	ssyncset.done $0x0  }
0xbc: {  	s30 =	sadd.s32 $0x100, s29;
	[sflag:s16] =	ssyncadd.s32 $0xFFFFC000  }
0xbd: {  	[tilespmem:s17], [sflag:$0x2] =	stream.indirect.gather [hbm4b:s5+s14], $0x80, s1, s14, $0xb8;
	[tilespmem:$0x1FE00] =	vst v63  }
0xbe: {  	_ = 	snop  }
0xbf: {  	[spmem:s3] =	stream.indirect.scatter.add.f32 [tilespmem:s15], [sflag:$0x3], $0x80, s18, s14, $0xb8;
	[tilespmem:$0x1FE00] =	vst v63  }
0xc0: {  	_ =	swait.ge [sflag:s12], $0x4000  }
0xc1: {  	[sflag:s12] =	ssyncset.done $0x0  }
0xc2: {  	[sflag:s12] =	ssyncadd.s32 $0xFFFFC000  }
0xc3: {  	_ =	swait.ge [sflag:s19], $0x4000  }
0xc4: {  	[sflag:s19] =	ssyncset.done $0x0  }
0xc5: {  	[sflag:s19] =	ssyncadd.s32 $0xFFFFC000  }
0xc6: {  	[tilespmem:s15], [sflag:$0x1] =	stream.indirect.gather [hbm4b:s5+s14], $0x80, s30, s14, $0xb8;
	[tilespmem:$0x1FE00] =	vst v63  }
0xc7: {  	_ = 	snop  }
0xc8: {  	[spmem:s3] =	stream.indirect.scatter.add.f32 [tilespmem:s17], [sflag:$0x3], $0x80, s20, s14, $0xb8;
	[tilespmem:$0x1FE00] =	vst v63  }
0xc9: {  	_ =	swait.ge [sflag:s12], $0x4000  }
0xca: {  	[sflag:s12] =	ssyncset.done $0x0  }
0xcb: {  	p1 =	seq.s32 s28, $0x9800;
	[sflag:s12] =	ssyncadd.s32 $0xFFFFC000  }
0xcc: {  	v0 =	vld @!p1 [tilespmem:s25+$0x40];
	_ =	sdelay $0x4  }
0xcd: {  	v1 =	vand.u32 @!p1 $0xFFFF, v0;
	v0 =	vshrl.u32 @!p1 v0, $0x10  }
0xce: {  	[tilespmem:$0x3C00] =	vst @!p1 v1  }
0xcf: {  	[tilespmem:$0x3C10] =	vst @!p1 v0  }
0xd0: {  	v0 =	vld @!p1 [tilespmem:s25+$0x50];
	_ =	sdelay $0x4  }
0xd1: {  	v1 =	vand.u32 @!p1 $0xFFFF, v0;
	v0 =	vshrl.u32 @!p1 v0, $0x10  }
0xd2: {  	[tilespmem:$0x3C20] =	vst @!p1 v1  }
0xd3: {  	[tilespmem:$0x3C30] =	vst @!p1 v0  }
0xd4: {  	v0 =	vld @!p1 [tilespmem:s25+$0x60];
	_ =	sdelay $0x4  }
0xd5: {  	v1 =	vand.u32 @!p1 $0xFFFF, v0;
	v0 =	vshrl.u32 @!p1 v0, $0x10  }
0xd6: {  	[tilespmem:$0x3C40] =	vst @!p1 v1  }
0xd7: {  	[tilespmem:$0x3C50] =	vst @!p1 v0  }
0xd8: {  	v0 =	vld @!p1 [tilespmem:s25+$0x70];
	_ =	sdelay $0x4  }
0xd9: {  	v1 =	vand.u32 @!p1 $0xFFFF, v0;
	v0 =	vshrl.u32 @!p1 v0, $0x10  }
0xda: {  	[tilespmem:$0x3C60] =	vst @!p1 v1  }
0xdb: {  	[tilespmem:$0x3C70] =	vst @!p1 v0  }
0xdc: {  	v0 =	vld @!p1 [tilespmem:s25+$0x80];
	_ =	sdelay $0x4  }
0xdd: {  	v1 =	vand.u32 @!p1 $0xFFFF, v0;
	v0 =	vshrl.u32 @!p1 v0, $0x10  }
0xde: {  	[tilespmem:$0x3C80] =	vst @!p1 v1  }
0xdf: {  	[tilespmem:$0x3C90] =	vst @!p1 v0  }
0xe0: {  	v0 =	vld @!p1 [tilespmem:s25+$0x90];
	_ =	sdelay $0x4  }
0xe1: {  	v1 =	vand.u32 @!p1 $0xFFFF, v0;
	v0 =	vshrl.u32 @!p1 v0, $0x10  }
0xe2: {  	[tilespmem:$0x3CA0] =	vst @!p1 v1  }
0xe3: {  	[tilespmem:$0x3CB0] =	vst @!p1 v0  }
0xe4: {  	v0 =	vld @!p1 [tilespmem:s25+$0xA0];
	_ =	sdelay $0x1  }
0xe5: {  	s31 =	sadd.s32 $0x180, s29;
	_ =	sdelay $0x2  }
0xe6: {  	v1 =	vand.u32 @!p1 $0xFFFF, v0;
	v0 =	vshrl.u32 @!p1 v0, $0x10  }
0xe7: {  	[tilespmem:$0x3CC0] =	vst @!p1 v1  }
0xe8: {  	[tilespmem:$0x3CD0] =	vst @!p1 v0  }
0xe9: {  	v0 =	vld @!p1 [tilespmem:s25+$0xB0]  }
0xea: {  	p2 =	sgt.u32 s26, $0x26  }
0xeb: {  	s1 =	sshra.s32 @!p2 s28, $0x2  }
0xec: {  	s29 =	sadd.s32 @!p2 $0x200, s1;
	s1 =	simm.s32 @!p2 $0x3E00;
	s30 =	simm.s32 @!p2 $0x80  }
.Ltmp0:
0xed: {  	(pc) =	sbr.rel @p0 .LBB2_2-.Ltmp0, $4  }
0xee: {  	v1 =	vand.u32 @!p1 $0xFFFF, v0;
	v0 =	vshrl.u32 @!p1 v0, $0x10  }
0xef: {  	[tilespmem:$0x3CE0] =	vst @!p1 v1  }
0xf0: {  	[tilespmem:$0x3CF0] =	vst @!p1 v0  }
0xf1: {  	s25 =	sadd.s32 $0x100, s25;
	_ =	swait.ge [sflag:s16], $0x4000  }
0xf2: {  	[sflag:s16] =	ssyncset.done $0x0  }
0xf3: {  	[sflag:s16] =	ssyncadd.s32 $0xFFFFC000  }
0xf4: {  	[tilespmem:s17], [sflag:$0x2] =	stream.indirect.gather [hbm4b:s5+s14], $0x80, s31, s14, $0xb8;
	[tilespmem:$0x1FE00] =	vst v63  }
0xf5: {  	_ = 	snop  }
0xf6: {  	[spmem:s3] =	stream.indirect.scatter.add.f32 [tilespmem:s15], [sflag:$0x3], $0x80, s21, s14, $0xb8;
	[tilespmem:$0x1FE00] =	vst v63  }
0xf7: {  	_ =	swait.ge [sflag:s12], $0x4000  }
0xf8: {  	[sflag:s12] =	ssyncset.done $0x0  }
0xf9: {  	[sflag:s12] =	ssyncadd.s32 $0xFFFFC000  }
0xfa: {  	_ =	swait.ge [sflag:s19], $0x4000  }
0xfb: {  	[sflag:s19] =	ssyncset.done $0x0  }
0xfc: {  	[sflag:s19] =	ssyncadd.s32 $0xFFFFC000  }
0xfd: {  	[tilespmem:s1], [sflag:$0x1] =	stream.indirect.gather @!p2 [hbm4b:s5+s30], $0x80, s29, s30, $0xb8;
	[tilespmem:$0x1FE00] =	vst v63  }
0xfe: {  	_ = 	snop  }
0xff: {  	[spmem:s3] =	stream.indirect.scatter.add.f32 [tilespmem:s17], [sflag:$0x3], $0x80, s22, s14, $0xb8;
	[tilespmem:$0x1FE00] =	vst v63  }
0x100: {  	_ =	swait.ge [sflag:s12], $0x4000  }
0x101: {  	s23 =	sadd.s32 $0x1, s23;
	[sflag:s12] =	ssyncset.done $0x0  }
0x102: {  	p0 =	sne.s32 s23, s10;
	[sflag:s12] =	ssyncadd.s32 $0xFFFFC000  }
.Ltmp1:
0x103: {  	[bflag:$0x0] =	sbarrier.arrive $0xFFFF;
	(pc) =	sbr.rel @p0 .LBB2_1-.Ltmp1, $4  }
0x104: {  	[hbm:s9], [sflag:s6] =	dma.local [spmem:s11], $0x2800  }
0x105: {  	_ =	swait.ge [sflag:s12], $0x2800  }
0x106: {  	[sflag:s12] =	ssyncset.done $0x0  }
0x107: {  	[sflag:s12] =	ssyncadd.s32 $0xFFFFD800  }
0x108: {  	_ =	sfence.sel $0x180000  }
0x109: {  	[bflag:$0x0] =	sbarrier.arrive $0xFFFF  }
0x10a: {  	_ =	strace $0x9000004A  }
0x10b: {  	[bflag:$0x2] =	sbarrier.arrive $0xFFFF  }
0x10c: {  	p0 =	sne.s32 s0, $0x0;
	s0 =	rddreg [dreg:$0x3]  }
0x10d: {  	s0 =	sadd.s32 @!p0 $0x100000, s0  }
0x10e: {  	[sflag:s0] =	ssyncadd.tile.s32 @!p0 $0x1;
	_ =	shalt  }
.Lfunc_end2:
_tile_overlayer_lowered:
.L_overlay_start_2:
0x10f: {  	(tag) =	ssettag $0x2  }
0x110: {  	s0 =	rddreg [dreg:$0x0];
	s2 =	stileid.u32  }
0x111: {  	s1 =	rddreg [dreg:$0x1];
	p0 =	sne.s32 s2, $0x0  }
0x112: {  	s3 =	rddreg [dreg:$0x2];
	[bflag:$0x3] =	sbarrier.arrive $0xFFFF;
	s2 =	simm.s32 @!p0 $0x1C03  }
0x113: {  	[timem:s3], [sflag:s2] =	dma.local @!p0 [hbm:s0], s1  }
0x114: {  	s0 =	simm.s32 @!p0 $0x3  }
0x115: {  	_ =	swait.ge @!p0 [sflag:s0], s1  }
0x116: {  	s1 =	ssub.s32 @!p0 $0x0, s1;
	[sflag:s0] =	ssyncset.done @!p0 $0x0  }
0x117: {  	[sflag:s0] =	ssyncadd.s32 @!p0 s1  }
0x118: {  	[bflag:$0x3] =	sbarrier.arrive $0xFFFF  }
0x119: {  	_ =	shalt  }

// kernel: kernel.14.cloned.1.call-start
scs
__scs_entry_jumppad:
0x0: {  	(pc) =	sbr.rel $0x88, $3  }
0x1: {  	(tag) =	ssettag $0x0;
	lr =	simm.s32 $0x1  }
0x2: {  	[smem:$0x3F9B] =	sst lr;
	_ =	strace $0xD0000000  }
0x3: {  	_ = 	snop  }
0x4: {  	_ = 	snop  }
0x5: {  	_ = 	snop  }
0x6: {  	_ = 	snop  }
0x7: {  	_ = 	snop  }
__scs_overlays_trampoline_lowered:
0x8: {  	[smem:$0x3FAA] =	sst s0  }
0x9: {  	[smem:$0x3FAB] =	sst s1  }
0xa: {  	[smem:$0x3FAC] =	sst s2  }
0xb: {  	[smem:$0x3FAD] =	sst s3  }
0xc: {  	[smem:$0x3FAE] =	sst s4  }
0xd: {  	[smem:$0x3FAF] =	sst s5  }
0xe: {  	[smem:$0x3FB0] =	sst s6  }
0xf: {  	[smem:$0x3FB1] =	sst s7  }
0x10: {  	[smem:$0x3FB2] =	sst s8  }
0x11: {  	[smem:$0x3FB3] =	sst s9;
	s0 =	simm.s32 @!p0 $0x0  }
0x12: {  	s1 =	sld [smem:$0x3F99];
	s0 =	simm.s32 @p0 $0x1  }
0x13: {  	[smem:$0x3FB4] =	sst s0;
	s0 =	simm.s32 @!p1 $0x0  }
0x14: {  	s2 =	sld [smem:$0x3F98];
	s0 =	simm.s32 @p1 $0x1  }
0x15: {  	[smem:$0x3FB5] =	sst s0;
	s0 =	simm.s32 @!p2 $0x0  }
0x16: {  	s3 =	sld [smem:$0x3FDB];
	s0 =	simm.s32 @p2 $0x1  }
0x17: {  	s4 =	simm.s32 $0x1BF5;
	[smem:$0x3FB7] =	sst s0  }
0x18: {  	s0 =	sld [smem:$0x3F9A];
	_ =	swait.ge [sflag:s4], $0x0  }
0x19: {  	s7 =	sld [smem:$0x3F9B]  }
0x1a: {  	s8 =	sadd.s32 $0xFFFFE003, lr  }
0x1b: {  	s9 =	sadd.s32 $0xFFFFFEF7, lr;
	s5 =	simm.s32 $0xFFFFFFFF;
	p2 =	slt.u32 s8, $0xFFFFF086  }
0x1c: {  	p1 =	slt.u32 s9, $0xF7A;
	s5 =	simm.s32 @!p2 $0x0  }
0x1d: {  	s5 =	simm.s32 @p1 $0x1;
	p0 =	seq.s32 s7, s2  }
0x1e: {  	s7 =	smul.u32 @!p0 $0xF7A, s2;
	p2 =	seq.s32 @!p0 s5, $0x0  }
0x1f: {  	s9 =	smul.u32 $0xF7A, s1;
	s8 =	simm.s32 @!p0 $0x1BF5;
	p2 =	por !p2, p0  }
0x20: {  	[sflag:s8] =	ssyncset.s32 @!p0 $0xFFFFF086;
	s6 =	sadd.s32 @!p0 s3, s7;
	s7 =	simm.s32 @!p0 $0x108  }
0x21: {  	s3 =	sadd.s32 s3, s9;
	s6 =	sadd.s32 @!p0 $0x88, s6;
	s7 =	simm.s32 @p2 $0x1082  }
0x22: {  	[simem:s7], [sflag:s8] =	dma.local @!p0 [hbm:s6], $0xF7A  }
0x23: {  	s9 =	sor.u32 $0xD0000000, s2;
	s6 =	simm.s32 $0x108;
	_ =	swait.ge @!p0 [sflag:s8], $0x0  }
0x24: {  	s3 =	sadd.s32 $0x88, s3;
	s6 =	simm.s32 @!p1 $0x1082;
	[sflag:s4] =	ssyncset.s32 $0xFFFFF086  }
0x25: {  	[simem:s6], [sflag:s4] =	dma.local [hbm:s3], $0xF7A  }
0x26: {  	[smem:$0x3F9B] =	sst s1;
	(tag) =	ssettag s2;
	_ =	strace s9  }
0x27: {  	s1 =	sld [smem:$0x3FAB]  }
0x28: {  	s2 =	sld [smem:$0x3FAC]  }
0x29: {  	s4 =	sld [smem:$0x3FAE]  }
0x2a: {  	p0 =	seq.s32 s5, $0x0;
	s5 =	sld [smem:$0x3FAF]  }
0x2b: {  	s6 =	sld [smem:$0x3FB0]  }
0x2c: {  	s7 =	sld [smem:$0x3FB1]  }
0x2d: {  	s3 =	simm.s32 $0x108;
	s8 =	sld [smem:$0x3FB2]  }
0x2e: {  	s3 =	simm.s32 @!p0 $0x1082;
	s9 =	sld [smem:$0x3FB3]  }
0x2f: {  	lr =	sadd.s32 s0, s3;
	s0 =	sld [smem:$0x3FAA]  }
0x30: {  	s3 =	sld [smem:$0x3FAD]  }
0x31: {  	[smem:$0x3FB6] =	sst s10  }
0x32: {  	s10 =	sld [smem:$0x3FB4];
	_ =	sdelay $0x3  }
0x33: {  	p0 =	seq.s32 s10, $0x1;
	s10 =	sld [smem:$0x3FB6];
	_ =	sdelay $0x3  }
0x34: {  	[smem:$0x3FB6] =	sst s10  }
0x35: {  	s10 =	sld [smem:$0x3FB5];
	_ =	sdelay $0x3  }
0x36: {  	p1 =	seq.s32 s10, $0x1;
	s10 =	sld [smem:$0x3FB6];
	_ =	sdelay $0x3  }
0x37: {  	[smem:$0x3FB6] =	sst s10  }
0x38: {  	s10 =	sld [smem:$0x3FB7]  }
0x39: {  	_ = 	snop;
	(pc) =	sbr.ind lr, $3  }
0x3a: {  	_ = 	snop  }
0x3b: {  	_ = 	snop  }
0x3c: {  	p2 =	seq.s32 s10, $0x1;
	s10 =	sld [smem:$0x3FB6]  }
0x3d: {  	_ =	shalt  }
0x3e: {  	_ =	shalt  }
0x3f: {  	_ =	shalt  }
0x40: {  	_ =	shalt  }
0x41: {  	_ =	shalt  }
0x42: {  	_ =	shalt  }
0x43: {  	_ =	shalt  }
0x44: {  	_ =	shalt  }
0x45: {  	_ =	shalt  }
0x46: {  	_ =	shalt  }
0x47: {  	_ =	shalt  }
0x48: {  	_ =	shalt  }
0x49: {  	_ =	shalt  }
0x4a: {  	_ =	shalt  }
0x4b: {  	_ =	shalt  }
0x4c: {  	_ =	shalt  }
0x4d: {  	_ =	shalt  }
0x4e: {  	_ =	shalt  }
0x4f: {  	_ =	shalt  }
0x50: {  	_ =	shalt  }
0x51: {  	_ =	shalt  }
0x52: {  	_ =	shalt  }
0x53: {  	_ =	shalt  }
0x54: {  	_ =	shalt  }
0x55: {  	_ =	shalt  }
0x56: {  	_ =	shalt  }
0x57: {  	_ =	shalt  }
0x58: {  	_ =	shalt  }
0x59: {  	_ =	shalt  }
0x5a: {  	_ =	shalt  }
0x5b: {  	_ =	shalt  }
0x5c: {  	_ =	shalt  }
0x5d: {  	_ =	shalt  }
0x5e: {  	_ =	shalt  }
0x5f: {  	_ =	shalt  }
0x60: {  	_ =	shalt  }
0x61: {  	_ =	shalt  }
0x62: {  	_ =	shalt  }
0x63: {  	_ =	shalt  }
0x64: {  	_ =	shalt  }
0x65: {  	_ =	shalt  }
0x66: {  	_ =	shalt  }
0x67: {  	_ =	shalt  }
0x68: {  	_ =	shalt  }
0x69: {  	_ =	shalt  }
0x6a: {  	_ =	shalt  }
0x6b: {  	_ =	shalt  }
0x6c: {  	_ =	shalt  }
0x6d: {  	_ =	shalt  }
0x6e: {  	_ =	shalt  }
0x6f: {  	_ =	shalt  }
0x70: {  	_ =	shalt  }
0x71: {  	_ =	shalt  }
0x72: {  	_ =	shalt  }
0x73: {  	_ =	shalt  }
0x74: {  	_ =	shalt  }
0x75: {  	_ =	shalt  }
0x76: {  	_ =	shalt  }
0x77: {  	_ =	shalt  }
0x78: {  	_ =	shalt  }
0x79: {  	_ =	shalt  }
0x7a: {  	_ =	shalt  }
0x7b: {  	_ =	shalt  }
0x7c: {  	_ =	shalt  }
0x7d: {  	_ =	shalt  }
0x7e: {  	_ =	shalt  }
0x7f: {  	_ =	shalt  }
0x80: {  	_ =	shalt  }
0x81: {  	_ =	shalt  }
0x82: {  	_ =	shalt  }
0x83: {  	_ =	shalt  }
0x84: {  	_ =	shalt  }
0x85: {  	_ =	shalt  }
0x86: {  	_ =	shalt  }
0x87: {  	_ =	shalt  }
.Lfunc_end0:
.L_simem_size_0:
called_computation.2_lowered:
.L_overlay_start_0:
0x88: {  	s2 =	sld [smem:$0x3FD9]  }
0x89: {  	s3 =	sld [smem:$0x3FFE];
	_ =	sdelay $0x1  }
0x8a: {  	s1 =	srdreg.scid  }
0x8b: {  	s0 =	sand.u32 $0x1, s1  }
0x8c: {  	s17 =	sshll.u32 s0, $0xA;
	s2 =	sadd.s32 s3, s2  }
0x8d: {  	s2 =	sadd.s32 s2, s17  }
0x8e: {  	[smem:$0x3FC2] =	sst s2  }
0x8f: {  	_ = 	snop  }
0x90: {  	s2 =	sld [smem:$0x3FD0];
	(tm) =	ssettm $0x1  }
0x91: {  	s18 =	sld [smem:$0x3FFB];
	_ =	sdelay $0x3  }
0x92: {  	_ =	strace s18  }
0x93: {  	s3 =	sld [smem:$0x3FFC];
	_ =	sdelay $0x3  }
0x94: {  	_ =	strace s3  }
0x95: {  	s3 =	sld [smem:$0x3FFD];
	_ =	sdelay $0x3  }
0x96: {  	_ =	strace s3  }
0x97: {  	_ =	strace $0x8FFFFFFF  }
0x98: {  	s19 =	sld [smem:$0x3FDB];
	_ =	sdelay $0x1  }
0x99: {  	s4 =	simm.s32 $_scs_section_size  }
0x9a: {  	s5 =	simm.s32 $_size__tile_overlayer_lowered;
	s6 =	simm.s32 $_tile_overlayer_lowered  }
0x9b: {  	s22 =	simm.s32 $0x1BFF;
	s21 =	sshll.u32 s6, $0x1;
	s3 =	sadd.s32 s4, s19  }
0x9c: {  	s7 =	simm.s32 $0x0;
	s20 =	sshll.u32 s5, $0x1;
	s5 =	sadd.s32 s21, s3  }
0x9d: {  	[timem:s7], [sflag:s22] =	dma.local [hbm:s5], s20  }
0x9e: {  	_ =	swait.ge [sflag:s22], s20  }
0x9f: {  	s4 =	ssub.s32 $0x0, s20;
	[sflag:s22] =	ssyncset.done $0x0  }
0xa0: {  	[sflag:s22] =	ssyncadd.s32 s4;
	_ =	sdelay $0x1  }
0xa1: {  	s23 =	simm.s32 $0x1B8B  }
0xa2: {  	_ =	swait.ge [sflag:s23], $0x1  }
0xa3: {  	[sflag:s23] =	ssyncset.done $0x0  }
0xa4: {  	s25 =	simm.s32 $0x1B8E;
	s24 =	sld [smem:$0x3FFE];
	[sflag:s23] =	ssyncadd.s32 $0xFFFFFFFF  }
0xa5: {  	s26 =	simm.s32 $execute0_lowered;
	[smem:$0x3FD2] =	sst s25  }
0xa6: {  	s5 =	sshll.u32 s26, $0x1;
	_ =	strace $0x8000004C;
	[dreg:$0x1] =	wrdreg $0xFFFFFFFF  }
0xa7: {  	s28 =	simm.s32 $_size_execute0_lowered;
	s3 =	sadd.s32 s3, s5;
	[dreg:$0x0] =	wrdreg $0x0  }
0xa8: {  	s5 =	sshll.u32 s28, $0x1;
	[dreg:$0x2] =	wrdreg s3  }
0xa9: {  	[dreg:$0x3] =	wrdreg s5  }
0xaa: {  	[dreg:$0x4] =	wrdreg $0xC0  }
0xab: {  	_ =	task [dreg:s7], $0x5FFFF  }
0xac: {  	[dreg:$0x1] =	wrdreg $0xFFFFFFFF  }
0xad: {  	[dreg:$0x0] =	wrdreg $0x60  }
0xae: {  	[dreg:$0x2] =	wrdreg s24  }
0xaf: {  	[dreg:$0x3] =	wrdreg s2  }
0xb0: {  	[dreg:$0x4] =	wrdreg $0xBE000  }
0xb1: {  	[dreg:$0x5] =	wrdreg $0x9  }
0xb2: {  	_ =	task.clear_ibuf [dreg:s7], $0x6FFFF;
	_ =	strace $0x9000004C  }
0xb3: {  	s29 =	simm.s32 $0x9;
	_ =	strace $0x8000004E  }
0xb4: {  	_ =	swait.ge [sflag:s29], $0x1  }
0xb5: {  	[sflag:s29] =	ssyncadd.s32 $0xFFFFFFFF  }
0xb6: {  	_ =	strace $0x9000004E  }
0xb7: {  	_ =	sfence  }
0xb8: {  	s30 =	sld [smem:$0x0];
	_ =	sdelay $0x2  }
0xb9: {  	s31 =	sshll.u32 s1, $0xD;
	s1 =	sshrl.u32 s1, $0x2  }
0xba: {  	s3 =	sand.u32 $0x4000, s31;
	s1 =	sadd.s32 s1, s30  }
0xbb: {  	s0 =	sor.u32 s3, s0;
	s1 =	sshll.u32 s1, $0x11  }
0xbc: {  	s0 =	sor.u32 s1, s0  }
0xbd: {  	s0 =	sadd.s32 $0x8F2B, s0  }
0xbe: {  	[sflag:s0] =	ssyncadd.remote.s32 $0x1  }
0xbf: {  	_ =	sfence.sel $0xFFFF  }
0xc0: {  	[dreg:$0x0] =	wrdreg $0xFFFFFFFF;
	(pc) =	sbr.abs _section_cstart, $3  }
0xc1: {  	[dreg:$0x1] =	wrdreg $0xFFFFFFFF  }
0xc2: {  	_ =	task.clear_ibuf [dreg:s7], $0x2FFFF;
	_ =	strace $0x9FFFFFFF  }
0xc3: {  	(tm) =	ssettm $0x7FFFFFFF  }
tec
execute0_lowered:
.L_overlay_start_1:
0x0: {  	(tag) =	ssettag $0x1  }
0x1: {  	s6 =	rddreg [dreg:$0x0]  }
0x2: {  	s0 =	srdreg.scid;
	s2 =	rddreg [dreg:$0x1];
	s4 =	simm.s32 $0x0  }
0x3: {  	s13 =	simm.s32 $0x2800;
	s14 =	simm.s32 $0x80;
	s15 =	simm.s32 $0x3E00  }
0x4: {  	s16 =	simm.s32 $0x1;
	s17 =	simm.s32 $0x7E00;
	s18 =	simm.s32 $0x3C00  }
0x5: {  	s19 =	simm.s32 $0x2;
	s20 =	simm.s32 $0x3C80;
	s21 =	simm.s32 $0x3D00  }
0x6: {  	s22 =	simm.s32 $0x3D80;
	s1 =	sand.u32 $0x1, s0;
	s0 =	stileid.u32  }
0x7: {  	s23 =	simm.s32 $0x0;
	[smem:$0x7FF] =	sst s4;
	s9 =	smul.u32 $0x140000, s1  }
0x8: {  	s5 =	sadd.s32 $0x11600, s6;
	s3 =	sshll.u32 s1, $0x4;
	s10 =	smul.u32 $0x14000, s0  }
0x9: {  	s26 =	smul.u32 $0x50000, s0;
	s1 =	ssub.s32 $0x2, s1;
	s7 =	sor.u32 s0, s3  }
0xa: {  	s31 =	sshll.u32 s0, $0x6;
	s3 =	rddreg [dreg:$0x2];
	s8 =	smul.u32 $0x500, s7  }
0xb: {  	_ =	strace $0x8000004D;
	s29 =	sshrl.u32 s1, $0x1;
	s7 =	smul.u32 $0x280, s7  }
0xc: {  	s9 =	sadd.s32 s10, s9;
	s30 =	sshrl.u32 s26, $0x2;
	s1 =	ssub.s32 s1, s29  }
0xd: {  	s28 =	sshrl.u32 s9, $0x3;
	s12 =	sadd.s32 s30, s3;
	s10 =	smax.u32 s1, $0x1  }
0xe: {  	s8 =	sadd.s32 s8, s6;
	s11 =	sadd.s32 s7, s6;
	s9 =	sadd.s32 s28, s6  }
0xf: {  	s6 =	sor.u32 $0x1C03, s31;
	s7 =	sadd.s32 $0x7600, s8;
	s8 =	sadd.s32 $0x2600, s11  }
0x10: {  	s9 =	sadd.s32 $0x39600, s9;
	s11 =	sshrl.u32 s12, $0x3;
	s12 =	simm.s32 $0x3  }
.LBB2_1:
0x11: {  	[spmem:s11], [sflag:s6] =	dma.local [hbm:s2], $0x2800  }
0x12: {  	_ =	swait.ge [sflag:s12], $0x2800  }
0x13: {  	[sflag:s12] =	ssyncset.done $0x0  }
0x14: {  	[sflag:s12] =	ssyncadd.s32 $0xFFFFD800  }
0x15: {  	[tilespmem:s4], [sflag:$0x3] =	stream.linear.gather [hbm4b:s7+s4], $0x2800, $0x38;
	[tilespmem:$0x1FE00] =	vst v63  }
0x16: {  	_ =	swait.ge [sflag:s12], $0x2800  }
0x17: {  	[sflag:s12] =	ssyncset.done $0x0  }
0x18: {  	[sflag:s12] =	ssyncadd.s32 $0xFFFFD800  }
0x19: {  	[tilespmem:s13], [sflag:$0x3] =	stream.linear.gather [hbm4b:s8+s4], $0x1400, $0x38;
	[tilespmem:$0x1FE00] =	vst v63  }
0x1a: {  	_ =	swait.ge [sflag:s12], $0x1400  }
0x1b: {  	[sflag:s12] =	ssyncset.done $0x0  }
0x1c: {  	[sflag:s12] =	ssyncadd.s32 $0xFFFFEC00  }
0x1d: {  	[bflag:$0x0] =	sbarrier.arrive $0xFFFF  }
0x1e: {  	v0 =	vld [tilespmem:$0x2800];
	_ =	sdelay $0x1  }
0x1f: {  	v1 =	vld [tilespmem:$0x2810];
	_ =	sdelay $0x1  }
0x20: {  	v2 =	vld [tilespmem:$0x2820]  }
0x21: {  	v3 =	vand.u32 $0xFFFF, v0  }
0x22: {  	v41 =	vld [tilespmem:$0x2830];
	v0 =	vshrl.u32 v0, $0x10;
	[tilespmem:$0x3C00] =	vst v3  }
0x23: {  	v43 =	vld [tilespmem:$0x2840];
	v42 =	vand.u32 $0xFFFF, v1;
	[tilespmem:$0x3C10] =	vst v0  }
0x24: {  	v45 =	vld [tilespmem:$0x2850];
	v1 =	vshrl.u32 v1, $0x10;
	[tilespmem:$0x3C20] =	vst v42  }
0x25: {  	v44 =	vand.u32 $0xFFFF, v2;
	[tilespmem:$0x3C30] =	vst v1  }
0x26: {  	v47 =	vld [tilespmem:$0x2860];
	v2 =	vshrl.u32 v2, $0x10;
	[tilespmem:$0x3C40] =	vst v44  }
0x27: {  	v46 =	vand.u32 $0xFFFF, v41;
	[tilespmem:$0x3C50] =	vst v2  }
0x28: {  	v49 =	vld [tilespmem:$0x2870];
	v48 =	vand.u32 $0xFFFF, v43;
	[tilespmem:$0x3C60] =	vst v46  }
0x29: {  	v50 =	vand.u32 $0xFFFF, v45;
	[tilespmem:$0x3C80] =	vst v48  }
0x2a: {  	v51 =	vshrl.u32 v45, $0x10;
	[tilespmem:$0x3CA0] =	vst v50  }
0x2b: {  	v52 =	vand.u32 $0xFFFF, v47;
	[tilespmem:$0x3CB0] =	vst v51  }
0x2c: {  	v53 =	vshrl.u32 v47, $0x10;
	[tilespmem:$0x3CC0] =	vst v52  }
0x2d: {  	v54 =	vand.u32 $0xFFFF, v49;
	[tilespmem:$0x3CD0] =	vst v53  }
0x2e: {  	v55 =	vshrl.u32 v49, $0x10;
	[tilespmem:$0x3CE0] =	vst v54  }
0x2f: {  	v3 =	vshrl.u32 v41, $0x10;
	[tilespmem:$0x3CF0] =	vst v55  }
0x30: {  	v0 =	vshrl.u32 v43, $0x10;
	[tilespmem:$0x3C70] =	vst v3  }
0x31: {  	s24 =	simm.s32 $0x28C0;
	[tilespmem:$0x3C90] =	vst v0  }
0x32: {  	[tilespmem:s15], [sflag:$0x1] =	stream.indirect.gather [hbm4b:s5+s14], $0x80, s4, s14, $0xb8;
	[tilespmem:$0x1FE00] =	vst v63  }
0x33: {  	v0 =	vld [tilespmem:s24+$0xFFFFFFC0];
	_ =	sdelay $0x4  }
0x34: {  	v56 =	vand.u32 $0xFFFF, v0  }
0x35: {  	v0 =	vshrl.u32 v0, $0x10;
	[tilespmem:$0x3D00] =	vst v56  }
0x36: {  	[tilespmem:$0x3D10] =	vst v0  }
0x37: {  	v0 =	vld [tilespmem:s24+$0xFFFFFFD0];
	_ =	sdelay $0x4  }
0x38: {  	v57 =	vand.u32 $0xFFFF, v0  }
0x39: {  	v0 =	vshrl.u32 v0, $0x10;
	[tilespmem:$0x3D20] =	vst v57  }
0x3a: {  	[tilespmem:$0x3D30] =	vst v0  }
0x3b: {  	v0 =	vld [tilespmem:s24+$0xFFFFFFE0];
	_ =	sdelay $0x4  }
0x3c: {  	v58 =	vand.u32 $0xFFFF, v0  }
0x3d: {  	v0 =	vshrl.u32 v0, $0x10;
	[tilespmem:$0x3D40] =	vst v58  }
0x3e: {  	[tilespmem:$0x3D50] =	vst v0  }
0x3f: {  	v0 =	vld [tilespmem:s24+$0xFFFFFFF0];
	_ =	sdelay $0x4  }
0x40: {  	v59 =	vand.u32 $0xFFFF, v0  }
0x41: {  	v0 =	vshrl.u32 v0, $0x10;
	[tilespmem:$0x3D60] =	vst v59  }
0x42: {  	[tilespmem:$0x3D70] =	vst v0  }
0x43: {  	v0 =	vld [tilespmem:s24+$0x0];
	_ =	sdelay $0x4  }
0x44: {  	v60 =	vand.u32 $0xFFFF, v0  }
0x45: {  	v0 =	vshrl.u32 v0, $0x10;
	[tilespmem:$0x3D80] =	vst v60  }
0x46: {  	[tilespmem:$0x3D90] =	vst v0  }
0x47: {  	v0 =	vld [tilespmem:s24+$0x10];
	_ =	sdelay $0x4  }
0x48: {  	v61 =	vand.u32 $0xFFFF, v0  }
0x49: {  	v0 =	vshrl.u32 v0, $0x10;
	[tilespmem:$0x3DA0] =	vst v61  }
0x4a: {  	[tilespmem:$0x3DB0] =	vst v0  }
0x4b: {  	v0 =	vld [tilespmem:s24+$0x20];
	_ =	sdelay $0x4  }
0x4c: {  	v62 =	vand.u32 $0xFFFF, v0  }
0x4d: {  	v0 =	vshrl.u32 v0, $0x10;
	[tilespmem:$0x3DC0] =	vst v62  }
0x4e: {  	[tilespmem:$0x3DD0] =	vst v0  }
0x4f: {  	v0 =	vld [tilespmem:s24+$0x30];
	_ =	sdelay $0x4  }
0x50: {  	v63 =	vand.u32 $0xFFFF, v0  }
0x51: {  	v0 =	vshrl.u32 v0, $0x10;
	[tilespmem:$0x3DE0] =	vst v63  }
0x52: {  	[tilespmem:$0x3DF0] =	vst v0  }
0x53: {  	_ =	swait.ge [sflag:s16], $0x4000  }
0x54: {  	[sflag:s16] =	ssyncset.done $0x0  }
0x55: {  	s1 =	simm.s32 $0x80;
	[sflag:s16] =	ssyncadd.s32 $0xFFFFC000  }
0x56: {  	[tilespmem:s17], [sflag:$0x2] =	stream.indirect.gather [hbm4b:s5+s14], $0x80, s1, s14, $0xb8;
	[tilespmem:$0x1FE00] =	vst v63  }
0x57: {  	_ = 	snop  }
0x58: {  	[spmem:s3] =	stream.indirect.scatter.add.f32 [tilespmem:s15], [sflag:$0x3], $0x80, s18, s14, $0xb8;
	[tilespmem:$0x1FE00] =	vst v63  }
0x59: {  	_ =	swait.ge [sflag:s12], $0x4000  }
0x5a: {  	[sflag:s12] =	ssyncset.done $0x0  }
0x5b: {  	[sflag:s12] =	ssyncadd.s32 $0xFFFFC000  }
0x5c: {  	_ =	swait.ge [sflag:s19], $0x4000  }
0x5d: {  	[sflag:s19] =	ssyncset.done $0x0  }
0x5e: {  	s28 =	simm.s32 $0x100;
	[sflag:s19] =	ssyncadd.s32 $0xFFFFC000  }
0x5f: {  	[tilespmem:s15], [sflag:$0x1] =	stream.indirect.gather [hbm4b:s5+s14], $0x80, s28, s14, $0xb8;
	[tilespmem:$0x1FE00] =	vst v63  }
0x60: {  	_ = 	snop  }
0x61: {  	[spmem:s3] =	stream.indirect.scatter.add.f32 [tilespmem:s17], [sflag:$0x3], $0x80, s20, s14, $0xb8;
	[tilespmem:$0x1FE00] =	vst v63  }
0x62: {  	_ =	swait.ge [sflag:s12], $0x4000  }
0x63: {  	[sflag:s12] =	ssyncset.done $0x0  }
0x64: {  	p0 =	por $0x0, $0x0;
	[sflag:s12] =	ssyncadd.s32 $0xFFFFC000  }
0x65: {  	v0 =	vld @!p0 [tilespmem:s24+$0x40];
	_ =	sdelay $0x4  }
0x66: {  	v1 =	vand.u32 @!p0 $0xFFFF, v0  }
0x67: {  	v0 =	vshrl.u32 @!p0 v0, $0x10;
	[tilespmem:$0x3C00] =	vst @!p0 v1  }
0x68: {  	[tilespmem:$0x3C10] =	vst @!p0 v0  }
0x69: {  	v0 =	vld @!p0 [tilespmem:s24+$0x50];
	_ =	sdelay $0x4  }
0x6a: {  	v1 =	vand.u32 @!p0 $0xFFFF, v0  }
0x6b: {  	v0 =	vshrl.u32 @!p0 v0, $0x10;
	[tilespmem:$0x3C20] =	vst @!p0 v1  }
0x6c: {  	[tilespmem:$0x3C30] =	vst @!p0 v0  }
0x6d: {  	v0 =	vld @!p0 [tilespmem:s24+$0x60];
	_ =	sdelay $0x4  }
0x6e: {  	v1 =	vand.u32 @!p0 $0xFFFF, v0  }
0x6f: {  	v0 =	vshrl.u32 @!p0 v0, $0x10;
	[tilespmem:$0x3C40] =	vst @!p0 v1  }
0x70: {  	[tilespmem:$0x3C50] =	vst @!p0 v0  }
0x71: {  	v0 =	vld @!p0 [tilespmem:s24+$0x70];
	_ =	sdelay $0x4  }
0x72: {  	v1 =	vand.u32 @!p0 $0xFFFF, v0  }
0x73: {  	v0 =	vshrl.u32 @!p0 v0, $0x10;
	[tilespmem:$0x3C60] =	vst @!p0 v1  }
0x74: {  	[tilespmem:$0x3C70] =	vst @!p0 v0  }
0x75: {  	v0 =	vld @!p0 [tilespmem:s24+$0x80];
	_ =	sdelay $0x4  }
0x76: {  	v1 =	vand.u32 @!p0 $0xFFFF, v0  }
0x77: {  	v0 =	vshrl.u32 @!p0 v0, $0x10;
	[tilespmem:$0x3C80] =	vst @!p0 v1  }
0x78: {  	[tilespmem:$0x3C90] =	vst @!p0 v0  }
0x79: {  	v0 =	vld @!p0 [tilespmem:s24+$0x90];
	_ =	sdelay $0x4  }
0x7a: {  	v1 =	vand.u32 @!p0 $0xFFFF, v0  }
0x7b: {  	v0 =	vshrl.u32 @!p0 v0, $0x10;
	[tilespmem:$0x3CA0] =	vst @!p0 v1  }
0x7c: {  	[tilespmem:$0x3CB0] =	vst @!p0 v0  }
0x7d: {  	v0 =	vld @!p0 [tilespmem:s24+$0xA0];
	_ =	sdelay $0x4  }
0x7e: {  	v1 =	vand.u32 @!p0 $0xFFFF, v0  }
0x7f: {  	v0 =	vshrl.u32 @!p0 v0, $0x10;
	[tilespmem:$0x3CC0] =	vst @!p0 v1  }
0x80: {  	[tilespmem:$0x3CD0] =	vst @!p0 v0  }
0x81: {  	v0 =	vld @!p0 [tilespmem:s24+$0xB0];
	_ =	sdelay $0x4  }
0x82: {  	v1 =	vand.u32 @!p0 $0xFFFF, v0  }
0x83: {  	s31 =	simm.s32 $0x180;
	p2 =	por $0x0, $0x0;
	s25 =	simm.s32 $0x29C0;
	v0 =	vshrl.u32 @!p0 v0, $0x10;
	[tilespmem:$0x3CE0] =	vst @!p0 v1  }
0x84: {  	s26 =	simm.s32 $0x1;
	s29 =	simm.s32 @!p2 $0x200;
	s30 =	simm.s32 @!p2 $0x80;
	[tilespmem:$0x3CF0] =	vst @!p0 v0  }
0x85: {  	s1 =	simm.s32 @!p2 $0x3E00;
	s24 =	simm.s32 $0x800;
	_ =	swait.ge [sflag:s16], $0x4000  }
.LBB2_2:
0x86: {  	[sflag:s16] =	ssyncset.done $0x0  }
0x87: {  	s26 =	sadd.s32 $0x2, s26;
	s28 =	smov.u32 s24;
	s24 =	sadd.s32 $0x800, s24  }
0x88: {  	p0 =	sne.s32 s24, $0xA000;
	[sflag:s16] =	ssyncadd.s32 $0xFFFFC000  }
0x89: {  	[tilespmem:s17], [sflag:$0x2] =	stream.indirect.gather [hbm4b:s5+s14], $0x80, s31, s14, $0xb8;
	[tilespmem:$0x1FE00] =	vst v63  }
0x8a: {  	_ = 	snop  }
0x8b: {  	[spmem:s3] =	stream.indirect.scatter.add.f32 [tilespmem:s15], [sflag:$0x3], $0x80, s21, s14, $0xb8;
	[tilespmem:$0x1FE00] =	vst v63  }
0x8c: {  	_ =	swait.ge [sflag:s12], $0x4000  }
0x8d: {  	[sflag:s12] =	ssyncset.done $0x0  }
0x8e: {  	[sflag:s12] =	ssyncadd.s32 $0xFFFFC000  }
0x8f: {  	_ =	swait.ge [sflag:s19], $0x4000  }
0x90: {  	[sflag:s19] =	ssyncset.done $0x0  }
0x91: {  	[sflag:s19] =	ssyncadd.s32 $0xFFFFC000  }
0x92: {  	[tilespmem:s1], [sflag:$0x1] =	stream.indirect.gather @!p2 [hbm4b:s5+s30], $0x80, s29, s30, $0xb8;
	[tilespmem:$0x1FE00] =	vst v63  }
0x93: {  	_ = 	snop  }
0x94: {  	[spmem:s3] =	stream.indirect.scatter.add.f32 [tilespmem:s17], [sflag:$0x3], $0x80, s22, s14, $0xb8;
	[tilespmem:$0x1FE00] =	vst v63  }
0x95: {  	_ =	swait.ge [sflag:s12], $0x4000  }
0x96: {  	[sflag:s12] =	ssyncset.done $0x0  }
0x97: {  	[sflag:s12] =	ssyncadd.s32 $0xFFFFC000  }
0x98: {  	v0 =	vld [tilespmem:s25+$0xFFFFFFC0];
	_ =	sdelay $0x4  }
0x99: {  	v1 =	vand.u32 $0xFFFF, v0;
	v0 =	vshrl.u32 v0, $0x10  }
0x9a: {  	[tilespmem:$0x3D00] =	vst v1  }
0x9b: {  	[tilespmem:$0x3D10] =	vst v0  }
0x9c: {  	v0 =	vld [tilespmem:s25+$0xFFFFFFD0];
	_ =	sdelay $0x4  }
0x9d: {  	v1 =	vand.u32 $0xFFFF, v0;
	v0 =	vshrl.u32 v0, $0x10  }
0x9e: {  	[tilespmem:$0x3D20] =	vst v1  }
0x9f: {  	[tilespmem:$0x3D30] =	vst v0  }
0xa0: {  	v0 =	vld [tilespmem:s25+$0xFFFFFFE0];
	_ =	sdelay $0x4  }
0xa1: {  	v1 =	vand.u32 $0xFFFF, v0;
	v0 =	vshrl.u32 v0, $0x10  }
0xa2: {  	[tilespmem:$0x3D40] =	vst v1  }
0xa3: {  	[tilespmem:$0x3D50] =	vst v0  }
0xa4: {  	v0 =	vld [tilespmem:s25+$0xFFFFFFF0];
	_ =	sdelay $0x4  }
0xa5: {  	v1 =	vand.u32 $0xFFFF, v0;
	v0 =	vshrl.u32 v0, $0x10  }
0xa6: {  	[tilespmem:$0x3D60] =	vst v1  }
0xa7: {  	[tilespmem:$0x3D70] =	vst v0  }
0xa8: {  	v0 =	vld [tilespmem:s25+$0x0];
	_ =	sdelay $0x4  }
0xa9: {  	v1 =	vand.u32 $0xFFFF, v0;
	v0 =	vshrl.u32 v0, $0x10  }
0xaa: {  	[tilespmem:$0x3D80] =	vst v1  }
0xab: {  	[tilespmem:$0x3D90] =	vst v0  }
0xac: {  	v0 =	vld [tilespmem:s25+$0x10];
	_ =	sdelay $0x4  }
0xad: {  	v1 =	vand.u32 $0xFFFF, v0;
	v0 =	vshrl.u32 v0, $0x10  }
0xae: {  	[tilespmem:$0x3DA0] =	vst v1  }
0xaf: {  	[tilespmem:$0x3DB0] =	vst v0  }
0xb0: {  	v0 =	vld [tilespmem:s25+$0x20];
	_ =	sdelay $0x4  }
0xb1: {  	v1 =	vand.u32 $0xFFFF, v0;
	v0 =	vshrl.u32 v0, $0x10  }
0xb2: {  	[tilespmem:$0x3DC0] =	vst v1  }
0xb3: {  	[tilespmem:$0x3DD0] =	vst v0  }
0xb4: {  	v0 =	vld [tilespmem:s25+$0x30]  }
0xb5: {  	s29 =	sshra.s32 s28, $0x2  }
0xb6: {  	s1 =	sadd.s32 $0x80, s29;
	_ =	sdelay $0x2  }
0xb7: {  	v1 =	vand.u32 $0xFFFF, v0;
	v0 =	vshrl.u32 v0, $0x10  }
0xb8: {  	[tilespmem:$0x3DE0] =	vst v1  }
0xb9: {  	[tilespmem:$0x3DF0] =	vst v0  }
0xba: {  	_ =	swait.ge [sflag:s16], $0x4000  }
0xbb: {  	[sflag:s16] =	ssyncset.done $0x0  }
0xbc: {  	s30 =	sadd.s32 $0x100, s29;
	[sflag:s16] =	ssyncadd.s32 $0xFFFFC000  }
0xbd: {  	[tilespmem:s17], [sflag:$0x2] =	stream.indirect.gather [hbm4b:s5+s14], $0x80, s1, s14, $0xb8;
	[tilespmem:$0x1FE00] =	vst v63  }
0xbe: {  	_ = 	snop  }
0xbf: {  	[spmem:s3] =	stream.indirect.scatter.add.f32 [tilespmem:s15], [sflag:$0x3], $0x80, s18, s14, $0xb8;
	[tilespmem:$0x1FE00] =	vst v63  }
0xc0: {  	_ =	swait.ge [sflag:s12], $0x4000  }
0xc1: {  	[sflag:s12] =	ssyncset.done $0x0  }
0xc2: {  	[sflag:s12] =	ssyncadd.s32 $0xFFFFC000  }
0xc3: {  	_ =	swait.ge [sflag:s19], $0x4000  }
0xc4: {  	[sflag:s19] =	ssyncset.done $0x0  }
0xc5: {  	[sflag:s19] =	ssyncadd.s32 $0xFFFFC000  }
0xc6: {  	[tilespmem:s15], [sflag:$0x1] =	stream.indirect.gather [hbm4b:s5+s14], $0x80, s30, s14, $0xb8;
	[tilespmem:$0x1FE00] =	vst v63  }
0xc7: {  	_ = 	snop  }
0xc8: {  	[spmem:s3] =	stream.indirect.scatter.add.f32 [tilespmem:s17], [sflag:$0x3], $0x80, s20, s14, $0xb8;
	[tilespmem:$0x1FE00] =	vst v63  }
0xc9: {  	_ =	swait.ge [sflag:s12], $0x4000  }
0xca: {  	[sflag:s12] =	ssyncset.done $0x0  }
0xcb: {  	p1 =	seq.s32 s28, $0x9800;
	[sflag:s12] =	ssyncadd.s32 $0xFFFFC000  }
0xcc: {  	v0 =	vld @!p1 [tilespmem:s25+$0x40];
	_ =	sdelay $0x4  }
0xcd: {  	v1 =	vand.u32 @!p1 $0xFFFF, v0;
	v0 =	vshrl.u32 @!p1 v0, $0x10  }
0xce: {  	[tilespmem:$0x3C00] =	vst @!p1 v1  }
0xcf: {  	[tilespmem:$0x3C10] =	vst @!p1 v0  }
0xd0: {  	v0 =	vld @!p1 [tilespmem:s25+$0x50];
	_ =	sdelay $0x4  }
0xd1: {  	v1 =	vand.u32 @!p1 $0xFFFF, v0;
	v0 =	vshrl.u32 @!p1 v0, $0x10  }
0xd2: {  	[tilespmem:$0x3C20] =	vst @!p1 v1  }
0xd3: {  	[tilespmem:$0x3C30] =	vst @!p1 v0  }
0xd4: {  	v0 =	vld @!p1 [tilespmem:s25+$0x60];
	_ =	sdelay $0x4  }
0xd5: {  	v1 =	vand.u32 @!p1 $0xFFFF, v0;
	v0 =	vshrl.u32 @!p1 v0, $0x10  }
0xd6: {  	[tilespmem:$0x3C40] =	vst @!p1 v1  }
0xd7: {  	[tilespmem:$0x3C50] =	vst @!p1 v0  }
0xd8: {  	v0 =	vld @!p1 [tilespmem:s25+$0x70];
	_ =	sdelay $0x4  }
0xd9: {  	v1 =	vand.u32 @!p1 $0xFFFF, v0;
	v0 =	vshrl.u32 @!p1 v0, $0x10  }
0xda: {  	[tilespmem:$0x3C60] =	vst @!p1 v1  }
0xdb: {  	[tilespmem:$0x3C70] =	vst @!p1 v0  }
0xdc: {  	v0 =	vld @!p1 [tilespmem:s25+$0x80];
	_ =	sdelay $0x4  }
0xdd: {  	v1 =	vand.u32 @!p1 $0xFFFF, v0;
	v0 =	vshrl.u32 @!p1 v0, $0x10  }
0xde: {  	[tilespmem:$0x3C80] =	vst @!p1 v1  }
0xdf: {  	[tilespmem:$0x3C90] =	vst @!p1 v0  }
0xe0: {  	v0 =	vld @!p1 [tilespmem:s25+$0x90];
	_ =	sdelay $0x4  }
0xe1: {  	v1 =	vand.u32 @!p1 $0xFFFF, v0;
	v0 =	vshrl.u32 @!p1 v0, $0x10  }
0xe2: {  	[tilespmem:$0x3CA0] =	vst @!p1 v1  }
0xe3: {  	[tilespmem:$0x3CB0] =	vst @!p1 v0  }
0xe4: {  	v0 =	vld @!p1 [tilespmem:s25+$0xA0];
	_ =	sdelay $0x1  }
0xe5: {  	s31 =	sadd.s32 $0x180, s29;
	_ =	sdelay $0x2  }
0xe6: {  	v1 =	vand.u32 @!p1 $0xFFFF, v0;
	v0 =	vshrl.u32 @!p1 v0, $0x10  }
0xe7: {  	[tilespmem:$0x3CC0] =	vst @!p1 v1  }
0xe8: {  	[tilespmem:$0x3CD0] =	vst @!p1 v0  }
0xe9: {  	v0 =	vld @!p1 [tilespmem:s25+$0xB0]  }
0xea: {  	p2 =	sgt.u32 s26, $0x26  }
0xeb: {  	s1 =	sshra.s32 @!p2 s28, $0x2  }
0xec: {  	s29 =	sadd.s32 @!p2 $0x200, s1;
	s1 =	simm.s32 @!p2 $0x3E00;
	s30 =	simm.s32 @!p2 $0x80  }
.Ltmp0:
0xed: {  	(pc) =	sbr.rel @p0 .LBB2_2-.Ltmp0, $4  }
0xee: {  	v1 =	vand.u32 @!p1 $0xFFFF, v0;
	v0 =	vshrl.u32 @!p1 v0, $0x10  }
0xef: {  	[tilespmem:$0x3CE0] =	vst @!p1 v1  }
0xf0: {  	[tilespmem:$0x3CF0] =	vst @!p1 v0  }
0xf1: {  	s25 =	sadd.s32 $0x100, s25;
	_ =	swait.ge [sflag:s16], $0x4000  }
0xf2: {  	[sflag:s16] =	ssyncset.done $0x0  }
0xf3: {  	[sflag:s16] =	ssyncadd.s32 $0xFFFFC000  }
0xf4: {  	[tilespmem:s17], [sflag:$0x2] =	stream.indirect.gather [hbm4b:s5+s14], $0x80, s31, s14, $0xb8;
	[tilespmem:$0x1FE00] =	vst v63  }
0xf5: {  	_ = 	snop  }
0xf6: {  	[spmem:s3] =	stream.indirect.scatter.add.f32 [tilespmem:s15], [sflag:$0x3], $0x80, s21, s14, $0xb8;
	[tilespmem:$0x1FE00] =	vst v63  }
0xf7: {  	_ =	swait.ge [sflag:s12], $0x4000  }
0xf8: {  	[sflag:s12] =	ssyncset.done $0x0  }
0xf9: {  	[sflag:s12] =	ssyncadd.s32 $0xFFFFC000  }
0xfa: {  	_ =	swait.ge [sflag:s19], $0x4000  }
0xfb: {  	[sflag:s19] =	ssyncset.done $0x0  }
0xfc: {  	[sflag:s19] =	ssyncadd.s32 $0xFFFFC000  }
0xfd: {  	[tilespmem:s1], [sflag:$0x1] =	stream.indirect.gather @!p2 [hbm4b:s5+s30], $0x80, s29, s30, $0xb8;
	[tilespmem:$0x1FE00] =	vst v63  }
0xfe: {  	_ = 	snop  }
0xff: {  	[spmem:s3] =	stream.indirect.scatter.add.f32 [tilespmem:s17], [sflag:$0x3], $0x80, s22, s14, $0xb8;
	[tilespmem:$0x1FE00] =	vst v63  }
0x100: {  	_ =	swait.ge [sflag:s12], $0x4000  }
0x101: {  	s23 =	sadd.s32 $0x1, s23;
	[sflag:s12] =	ssyncset.done $0x0  }
0x102: {  	p0 =	sne.s32 s23, s10;
	[sflag:s12] =	ssyncadd.s32 $0xFFFFC000  }
.Ltmp1:
0x103: {  	[bflag:$0x0] =	sbarrier.arrive $0xFFFF;
	(pc) =	sbr.rel @p0 .LBB2_1-.Ltmp1, $4  }
0x104: {  	[hbm:s9], [sflag:s6] =	dma.local [spmem:s11], $0x2800  }
0x105: {  	_ =	swait.ge [sflag:s12], $0x2800  }
0x106: {  	[sflag:s12] =	ssyncset.done $0x0  }
0x107: {  	[sflag:s12] =	ssyncadd.s32 $0xFFFFD800  }
0x108: {  	_ =	sfence.sel $0x180000  }
0x109: {  	[bflag:$0x0] =	sbarrier.arrive $0xFFFF  }
0x10a: {  	_ =	strace $0x9000004D  }
0x10b: {  	[bflag:$0x2] =	sbarrier.arrive $0xFFFF  }
0x10c: {  	p0 =	sne.s32 s0, $0x0;
	s0 =	rddreg [dreg:$0x3]  }
0x10d: {  	s0 =	sadd.s32 @!p0 $0x100000, s0  }
0x10e: {  	[sflag:s0] =	ssyncadd.tile.s32 @!p0 $0x1;
	_ =	shalt  }
.Lfunc_end2:
_tile_overlayer_lowered:
.L_overlay_start_2:
0x10f: {  	(tag) =	ssettag $0x2  }
0x110: {  	s0 =	rddreg [dreg:$0x0];
	s2 =	stileid.u32  }
0x111: {  	s1 =	rddreg [dreg:$0x1];
	p0 =	sne.s32 s2, $0x0  }
0x112: {  	s3 =	rddreg [dreg:$0x2];
	[bflag:$0x3] =	sbarrier.arrive $0xFFFF;
	s2 =	simm.s32 @!p0 $0x1C03  }
0x113: {  	[timem:s3], [sflag:s2] =	dma.local @!p0 [hbm:s0], s1  }
0x114: {  	s0 =	simm.s32 @!p0 $0x3  }
0x115: {  	_ =	swait.ge @!p0 [sflag:s0], s1  }
0x116: {  	s1 =	ssub.s32 @!p0 $0x0, s1;
	[sflag:s0] =	ssyncset.done @!p0 $0x0  }
0x117: {  	[sflag:s0] =	ssyncadd.s32 @!p0 s1  }
0x118: {  	[bflag:$0x3] =	sbarrier.arrive $0xFFFF  }
0x119: {  	_ =	shalt  }

// kernel: kernel.8.cloned.1.call-start
scs
__scs_entry_jumppad:
0x0: {  	(pc) =	sbr.rel $0x88, $3  }
0x1: {  	(tag) =	ssettag $0x0;
	lr =	simm.s32 $0x1  }
0x2: {  	[smem:$0x3F9B] =	sst lr;
	_ =	strace $0xD0000000  }
0x3: {  	_ = 	snop  }
0x4: {  	_ = 	snop  }
0x5: {  	_ = 	snop  }
0x6: {  	_ = 	snop  }
0x7: {  	_ = 	snop  }
__scs_overlays_trampoline_lowered:
0x8: {  	[smem:$0x3FAA] =	sst s0  }
0x9: {  	[smem:$0x3FAB] =	sst s1  }
0xa: {  	[smem:$0x3FAC] =	sst s2  }
0xb: {  	[smem:$0x3FAD] =	sst s3  }
0xc: {  	[smem:$0x3FAE] =	sst s4  }
0xd: {  	[smem:$0x3FAF] =	sst s5  }
0xe: {  	[smem:$0x3FB0] =	sst s6  }
0xf: {  	[smem:$0x3FB1] =	sst s7  }
0x10: {  	[smem:$0x3FB2] =	sst s8  }
0x11: {  	[smem:$0x3FB3] =	sst s9;
	s0 =	simm.s32 @!p0 $0x0  }
0x12: {  	s1 =	sld [smem:$0x3F99];
	s0 =	simm.s32 @p0 $0x1  }
0x13: {  	[smem:$0x3FB4] =	sst s0;
	s0 =	simm.s32 @!p1 $0x0  }
0x14: {  	s2 =	sld [smem:$0x3F98];
	s0 =	simm.s32 @p1 $0x1  }
0x15: {  	[smem:$0x3FB5] =	sst s0;
	s0 =	simm.s32 @!p2 $0x0  }
0x16: {  	s3 =	sld [smem:$0x3FDB];
	s0 =	simm.s32 @p2 $0x1  }
0x17: {  	s4 =	simm.s32 $0x1BF5;
	[smem:$0x3FB7] =	sst s0  }
0x18: {  	s0 =	sld [smem:$0x3F9A];
	_ =	swait.ge [sflag:s4], $0x0  }
0x19: {  	s7 =	sld [smem:$0x3F9B]  }
0x1a: {  	s8 =	sadd.s32 $0xFFFFE003, lr  }
0x1b: {  	s9 =	sadd.s32 $0xFFFFFEF7, lr;
	s5 =	simm.s32 $0xFFFFFFFF;
	p2 =	slt.u32 s8, $0xFFFFF086  }
0x1c: {  	p1 =	slt.u32 s9, $0xF7A;
	s5 =	simm.s32 @!p2 $0x0  }
0x1d: {  	s5 =	simm.s32 @p1 $0x1;
	p0 =	seq.s32 s7, s2  }
0x1e: {  	s7 =	smul.u32 @!p0 $0xF7A, s2;
	p2 =	seq.s32 @!p0 s5, $0x0  }
0x1f: {  	s9 =	smul.u32 $0xF7A, s1;
	s8 =	simm.s32 @!p0 $0x1BF5;
	p2 =	por !p2, p0  }
0x20: {  	[sflag:s8] =	ssyncset.s32 @!p0 $0xFFFFF086;
	s6 =	sadd.s32 @!p0 s3, s7;
	s7 =	simm.s32 @!p0 $0x108  }
0x21: {  	s3 =	sadd.s32 s3, s9;
	s6 =	sadd.s32 @!p0 $0x88, s6;
	s7 =	simm.s32 @p2 $0x1082  }
0x22: {  	[simem:s7], [sflag:s8] =	dma.local @!p0 [hbm:s6], $0xF7A  }
0x23: {  	s9 =	sor.u32 $0xD0000000, s2;
	s6 =	simm.s32 $0x108;
	_ =	swait.ge @!p0 [sflag:s8], $0x0  }
0x24: {  	s3 =	sadd.s32 $0x88, s3;
	s6 =	simm.s32 @!p1 $0x1082;
	[sflag:s4] =	ssyncset.s32 $0xFFFFF086  }
0x25: {  	[simem:s6], [sflag:s4] =	dma.local [hbm:s3], $0xF7A  }
0x26: {  	[smem:$0x3F9B] =	sst s1;
	(tag) =	ssettag s2;
	_ =	strace s9  }
0x27: {  	s1 =	sld [smem:$0x3FAB]  }
0x28: {  	s2 =	sld [smem:$0x3FAC]  }
0x29: {  	s4 =	sld [smem:$0x3FAE]  }
0x2a: {  	p0 =	seq.s32 s5, $0x0;
	s5 =	sld [smem:$0x3FAF]  }
0x2b: {  	s6 =	sld [smem:$0x3FB0]  }
0x2c: {  	s7 =	sld [smem:$0x3FB1]  }
0x2d: {  	s3 =	simm.s32 $0x108;
	s8 =	sld [smem:$0x3FB2]  }
0x2e: {  	s3 =	simm.s32 @!p0 $0x1082;
	s9 =	sld [smem:$0x3FB3]  }
0x2f: {  	lr =	sadd.s32 s0, s3;
	s0 =	sld [smem:$0x3FAA]  }
0x30: {  	s3 =	sld [smem:$0x3FAD]  }
0x31: {  	[smem:$0x3FB6] =	sst s10  }
0x32: {  	s10 =	sld [smem:$0x3FB4];
	_ =	sdelay $0x3  }
0x33: {  	p0 =	seq.s32 s10, $0x1;
	s10 =	sld [smem:$0x3FB6];
	_ =	sdelay $0x3  }
0x34: {  	[smem:$0x3FB6] =	sst s10  }
0x35: {  	s10 =	sld [smem:$0x3FB5];
	_ =	sdelay $0x3  }
0x36: {  	p1 =	seq.s32 s10, $0x1;
	s10 =	sld [smem:$0x3FB6];
	_ =	sdelay $0x3  }
0x37: {  	[smem:$0x3FB6] =	sst s10  }
0x38: {  	s10 =	sld [smem:$0x3FB7]  }
0x39: {  	_ = 	snop;
	(pc) =	sbr.ind lr, $3  }
0x3a: {  	_ = 	snop  }
0x3b: {  	_ = 	snop  }
0x3c: {  	p2 =	seq.s32 s10, $0x1;
	s10 =	sld [smem:$0x3FB6]  }
0x3d: {  	_ =	shalt  }
0x3e: {  	_ =	shalt  }
0x3f: {  	_ =	shalt  }
0x40: {  	_ =	shalt  }
0x41: {  	_ =	shalt  }
0x42: {  	_ =	shalt  }
0x43: {  	_ =	shalt  }
0x44: {  	_ =	shalt  }
0x45: {  	_ =	shalt  }
0x46: {  	_ =	shalt  }
0x47: {  	_ =	shalt  }
0x48: {  	_ =	shalt  }
0x49: {  	_ =	shalt  }
0x4a: {  	_ =	shalt  }
0x4b: {  	_ =	shalt  }
0x4c: {  	_ =	shalt  }
0x4d: {  	_ =	shalt  }
0x4e: {  	_ =	shalt  }
0x4f: {  	_ =	shalt  }
0x50: {  	_ =	shalt  }
0x51: {  	_ =	shalt  }
0x52: {  	_ =	shalt  }
0x53: {  	_ =	shalt  }
0x54: {  	_ =	shalt  }
0x55: {  	_ =	shalt  }
0x56: {  	_ =	shalt  }
0x57: {  	_ =	shalt  }
0x58: {  	_ =	shalt  }
0x59: {  	_ =	shalt  }
0x5a: {  	_ =	shalt  }
0x5b: {  	_ =	shalt  }
0x5c: {  	_ =	shalt  }
0x5d: {  	_ =	shalt  }
0x5e: {  	_ =	shalt  }
0x5f: {  	_ =	shalt  }
0x60: {  	_ =	shalt  }
0x61: {  	_ =	shalt  }
0x62: {  	_ =	shalt  }
0x63: {  	_ =	shalt  }
0x64: {  	_ =	shalt  }
0x65: {  	_ =	shalt  }
0x66: {  	_ =	shalt  }
0x67: {  	_ =	shalt  }
0x68: {  	_ =	shalt  }
0x69: {  	_ =	shalt  }
0x6a: {  	_ =	shalt  }
0x6b: {  	_ =	shalt  }
0x6c: {  	_ =	shalt  }
0x6d: {  	_ =	shalt  }
0x6e: {  	_ =	shalt  }
0x6f: {  	_ =	shalt  }
0x70: {  	_ =	shalt  }
0x71: {  	_ =	shalt  }
0x72: {  	_ =	shalt  }
0x73: {  	_ =	shalt  }
0x74: {  	_ =	shalt  }
0x75: {  	_ =	shalt  }
0x76: {  	_ =	shalt  }
0x77: {  	_ =	shalt  }
0x78: {  	_ =	shalt  }
0x79: {  	_ =	shalt  }
0x7a: {  	_ =	shalt  }
0x7b: {  	_ =	shalt  }
0x7c: {  	_ =	shalt  }
0x7d: {  	_ =	shalt  }
0x7e: {  	_ =	shalt  }
0x7f: {  	_ =	shalt  }
0x80: {  	_ =	shalt  }
0x81: {  	_ =	shalt  }
0x82: {  	_ =	shalt  }
0x83: {  	_ =	shalt  }
0x84: {  	_ =	shalt  }
0x85: {  	_ =	shalt  }
0x86: {  	_ =	shalt  }
0x87: {  	_ =	shalt  }
.Lfunc_end0:
.L_simem_size_0:
called_computation_lowered:
.L_overlay_start_0:
0x88: {  	s2 =	sld [smem:$0x3FD9]  }
0x89: {  	s3 =	sld [smem:$0x3FFE];
	_ =	sdelay $0x1  }
0x8a: {  	s1 =	srdreg.scid  }
0x8b: {  	s0 =	sand.u32 $0x1, s1  }
0x8c: {  	s17 =	sshll.u32 s0, $0xA;
	s2 =	sadd.s32 s3, s2  }
0x8d: {  	s2 =	sadd.s32 s2, s17  }
0x8e: {  	[smem:$0x3FC2] =	sst s2  }
0x8f: {  	_ = 	snop  }
0x90: {  	s2 =	sld [smem:$0x3FD0];
	(tm) =	ssettm $0x1  }
0x91: {  	s18 =	sld [smem:$0x3FFB];
	_ =	sdelay $0x3  }
0x92: {  	_ =	strace s18  }
0x93: {  	s3 =	sld [smem:$0x3FFC];
	_ =	sdelay $0x3  }
0x94: {  	_ =	strace s3  }
0x95: {  	s3 =	sld [smem:$0x3FFD];
	_ =	sdelay $0x3  }
0x96: {  	_ =	strace s3  }
0x97: {  	_ =	strace $0x8FFFFFFF  }
0x98: {  	s19 =	sld [smem:$0x3FDB];
	_ =	sdelay $0x1  }
0x99: {  	s4 =	simm.s32 $_scs_section_size  }
0x9a: {  	s5 =	simm.s32 $_size__tile_overlayer_lowered;
	s6 =	simm.s32 $_tile_overlayer_lowered  }
0x9b: {  	s22 =	simm.s32 $0x1BFF;
	s21 =	sshll.u32 s6, $0x1;
	s3 =	sadd.s32 s4, s19  }
0x9c: {  	s7 =	simm.s32 $0x0;
	s20 =	sshll.u32 s5, $0x1;
	s5 =	sadd.s32 s21, s3  }
0x9d: {  	[timem:s7], [sflag:s22] =	dma.local [hbm:s5], s20  }
0x9e: {  	_ =	swait.ge [sflag:s22], s20  }
0x9f: {  	s4 =	ssub.s32 $0x0, s20;
	[sflag:s22] =	ssyncset.done $0x0  }
0xa0: {  	[sflag:s22] =	ssyncadd.s32 s4;
	_ =	sdelay $0x1  }
0xa1: {  	s23 =	simm.s32 $0x1B8B  }
0xa2: {  	_ =	swait.ge [sflag:s23], $0x1  }
0xa3: {  	[sflag:s23] =	ssyncset.done $0x0  }
0xa4: {  	s25 =	simm.s32 $0x1B8E;
	s24 =	sld [smem:$0x3FFE];
	[sflag:s23] =	ssyncadd.s32 $0xFFFFFFFF  }
0xa5: {  	s26 =	simm.s32 $execute0_lowered;
	[smem:$0x3FD2] =	sst s25  }
0xa6: {  	s5 =	sshll.u32 s26, $0x1;
	_ =	strace $0x80000046;
	[dreg:$0x1] =	wrdreg $0xFFFFFFFF  }
0xa7: {  	s28 =	simm.s32 $_size_execute0_lowered;
	s3 =	sadd.s32 s3, s5;
	[dreg:$0x0] =	wrdreg $0x0  }
0xa8: {  	s5 =	sshll.u32 s28, $0x1;
	[dreg:$0x2] =	wrdreg s3  }
0xa9: {  	[dreg:$0x3] =	wrdreg s5  }
0xaa: {  	[dreg:$0x4] =	wrdreg $0xC0  }
0xab: {  	_ =	task [dreg:s7], $0x5FFFF  }
0xac: {  	[dreg:$0x1] =	wrdreg $0xFFFFFFFF  }
0xad: {  	[dreg:$0x0] =	wrdreg $0x60  }
0xae: {  	[dreg:$0x2] =	wrdreg s2  }
0xaf: {  	[dreg:$0x3] =	wrdreg s24  }
0xb0: {  	[dreg:$0x4] =	wrdreg $0x28800  }
0xb1: {  	[dreg:$0x5] =	wrdreg $0x9  }
0xb2: {  	_ =	task.clear_ibuf [dreg:s7], $0x6FFFF;
	_ =	strace $0x90000046  }
0xb3: {  	s29 =	simm.s32 $0x9;
	_ =	strace $0x80000048  }
0xb4: {  	_ =	swait.ge [sflag:s29], $0x1  }
0xb5: {  	[sflag:s29] =	ssyncadd.s32 $0xFFFFFFFF  }
0xb6: {  	_ =	strace $0x90000048  }
0xb7: {  	_ =	sfence  }
0xb8: {  	s30 =	sld [smem:$0x0];
	_ =	sdelay $0x2  }
0xb9: {  	s31 =	sshll.u32 s1, $0xD;
	s1 =	sshrl.u32 s1, $0x2  }
0xba: {  	s3 =	sand.u32 $0x4000, s31;
	s1 =	sadd.s32 s1, s30  }
0xbb: {  	s0 =	sor.u32 s3, s0;
	s1 =	sshll.u32 s1, $0x11  }
0xbc: {  	s0 =	sor.u32 s1, s0  }
0xbd: {  	s0 =	sadd.s32 $0x8F2B, s0  }
0xbe: {  	[sflag:s0] =	ssyncadd.remote.s32 $0x1  }
0xbf: {  	_ =	sfence.sel $0xFFFF  }
0xc0: {  	[dreg:$0x0] =	wrdreg $0xFFFFFFFF;
	(pc) =	sbr.abs _section_cstart, $3  }
0xc1: {  	[dreg:$0x1] =	wrdreg $0xFFFFFFFF  }
0xc2: {  	_ =	task.clear_ibuf [dreg:s7], $0x2FFFF;
	_ =	strace $0x9FFFFFFF  }
0xc3: {  	(tm) =	ssettm $0x7FFFFFFF  }
tec
execute0_lowered:
.L_overlay_start_1:
0x0: {  	(tag) =	ssettag $0x1  }
0x1: {  	s7 =	rddreg [dreg:$0x0]  }
0x2: {  	s6 =	rddreg [dreg:$0x1]  }
0x3: {  	s2 =	rddreg [dreg:$0x2]  }
0x4: {  	s0 =	rddreg [dreg:$0x3];
	s4 =	srdreg.scid  }
0x5: {  	s1 =	stileid.u32;
	s3 =	simm.s32 $0x0;
	s13 =	simm.s32 $0x80  }
0x6: {  	s14 =	simm.s32 $0x20;
	s15 =	simm.s32 $0x10;
	s16 =	simm.s32 $0x0  }
0x7: {  	s8 =	sand.u32 $0x1, s4;
	s5 =	smul.u32 $0x500, s1;
	[smem:$0x7FF] =	sst s3  }
0x8: {  	s4 =	sadd.s32 $0x1800, s6;
	s11 =	smul.u32 $0xA00, s1;
	s31 =	sshll.u32 s1, $0x6  }
0x9: {  	s9 =	sshll.u32 s8, $0x7;
	_ =	strace $0x80000047;
	s10 =	sshll.u32 s8, $0x4  }
0xa: {  	s8 =	ssub.s32 $0x2, s8;
	s9 =	sor.u32 s9, s5;
	s5 =	sadd.s32 $0x1A00, s6  }
0xb: {  	s10 =	sor.u32 s1, s10;
	s29 =	sshrl.u32 s8, $0x1;
	s30 =	sshrl.u32 s11, $0x2  }
0xc: {  	s9 =	sshrl.u32 s9, $0x3;
	s10 =	smul.u32 $0x500, s10;
	s12 =	ssub.s32 s8, s29  }
0xd: {  	s11 =	sadd.s32 s30, s2;
	s9 =	sadd.s32 s9, s6;
	s6 =	sor.u32 $0x1C01, s31  }
0xe: {  	s7 =	sadd.s32 s7, s10;
	s8 =	sadd.s32 $0x1C00, s9;
	s9 =	smax.u32 s12, $0x1  }
0xf: {  	s10 =	sshrl.u32 s11, $0x3;
	s11 =	simm.s32 $0x1;
	s12 =	simm.s32 $0x2800  }
.LBB2_1:
0x10: {  	[spmem:s10], [sflag:s6] =	dma.local [hbm:s5], $0x50  }
0x11: {  	_ =	swait.ge [sflag:s11], $0x50  }
0x12: {  	[sflag:s11] =	ssyncset.done $0x0  }
0x13: {  	[sflag:s11] =	ssyncadd.s32 $0xFFFFFFB0  }
0x14: {  	[tilespmem:s3], [sflag:$0x1] =	stream.linear.gather [hbm4b:s7+s3], $0x2800, $0x38;
	[tilespmem:$0x2B00] =	vst v63  }
0x15: {  	_ =	swait.ge [sflag:s11], $0x2800  }
0x16: {  	[sflag:s11] =	ssyncset.done $0x0  }
0x17: {  	[sflag:s11] =	ssyncadd.s32 $0xFFFFD800  }
0x18: {  	[tilespmem:s12], [sflag:$0x1] =	stream.linear.gather [hbm4b:s4+s3], $0x80, $0x38;
	[tilespmem:$0x2B00] =	vst v63  }
0x19: {  	_ =	swait.ge [sflag:s11], $0x80  }
0x1a: {  	[sflag:s11] =	ssyncset.done $0x0  }
0x1b: {  	[sflag:s11] =	ssyncadd.s32 $0xFFFFFF80  }
0x1c: {  	s17 =	simm.s32 $0x0;
	[bflag:$0x0] =	sbarrier.arrive $0xFFFF  }
0x1d: {  	[spmem:s2] =	stream.indirect.scatter.add.f32 [tilespmem:s12], [sflag:$0x1], $0x1, s17, s13, $0xb8;
	[tilespmem:$0x2B00] =	vst v63  }
0x1e: {  	_ =	swait.ge [sflag:s11], $0x80  }
0x1f: {  	s17 =	simm.s32 $0x200;
	[sflag:s11] =	ssyncset.done $0x0  }
.LBB2_2:
0x20: {  	s18 =	sshra.s32 s17, $0x2;
	[sflag:s11] =	ssyncadd.s32 $0xFFFFFF80;
	p0 =	sne.s32 s17, $0x9E00  }
0x21: {  	[spmem:s2] =	stream.indirect.scatter.add.f32 [tilespmem:s12], [sflag:$0x1], $0x1, s18, s13, $0xb8;
	[tilespmem:$0x2B00] =	vst v63  }
.Ltmp0:
0x22: {  	_ = 	snop;
	(pc) =	sbr.rel @p0 .LBB2_2-.Ltmp0, $4  }
0x23: {  	_ = 	snop  }
0x24: {  	s17 =	sadd.s32 $0x200, s17  }
0x25: {  	_ =	swait.ge [sflag:s11], $0x80  }
0x26: {  	[sflag:s11] =	ssyncset.done $0x0  }
0x27: {  	s16 =	sadd.s32 $0x1, s16  }
0x28: {  	[sflag:s11] =	ssyncadd.s32 $0xFFFFFF80;
	p0 =	sne.s32 s16, s9  }
.Ltmp1:
0x29: {  	[bflag:$0x0] =	sbarrier.arrive $0xFFFF;
	(pc) =	sbr.rel @p0 .LBB2_1-.Ltmp1, $4  }
0x2a: {  	[hbm:s8@s14], [sflag:s6] =	dma.strided [spmem:s10@s15], $0x50, s11, $0x10   }
0x2b: {  	_ =	swait.ge [sflag:s11], $0x50  }
0x2c: {  	[sflag:s11] =	ssyncset.done $0x0  }
0x2d: {  	[sflag:s11] =	ssyncadd.s32 $0xFFFFFFB0  }
0x2e: {  	_ =	sfence.sel $0x180000  }
0x2f: {  	[bflag:$0x0] =	sbarrier.arrive $0xFFFF  }
0x30: {  	p0 =	sne.s32 s1, $0x0;
	_ =	strace $0x90000047  }
0x31: {  	s0 =	sadd.s32 @!p0 $0x100000, s0;
	[bflag:$0x2] =	sbarrier.arrive $0xFFFF  }
0x32: {  	[sflag:s0] =	ssyncadd.tile.s32 @!p0 $0x1;
	_ =	shalt  }
.Lfunc_end2:
_tile_overlayer_lowered:
.L_overlay_start_2:
0x33: {  	(tag) =	ssettag $0x2  }
0x34: {  	s0 =	rddreg [dreg:$0x0];
	s2 =	stileid.u32  }
0x35: {  	s1 =	rddreg [dreg:$0x1];
	p0 =	sne.s32 s2, $0x0  }
0x36: {  	s3 =	rddreg [dreg:$0x2];
	[bflag:$0x3] =	sbarrier.arrive $0xFFFF;
	s2 =	simm.s32 @!p0 $0x1C01  }
0x37: {  	[timem:s3], [sflag:s2] =	dma.local @!p0 [hbm:s0], s1  }
0x38: {  	s0 =	simm.s32 @!p0 $0x1  }
0x39: {  	_ =	swait.ge @!p0 [sflag:s0], s1  }
0x3a: {  	s1 =	ssub.s32 @!p0 $0x0, s1;
	[sflag:s0] =	ssyncset.done @!p0 $0x0  }
0x3b: {  	[sflag:s0] =	ssyncadd.s32 @!p0 s1  }
0x3c: {  	[bflag:$0x3] =	sbarrier.arrive $0xFFFF  }
0x3d: {  	_ =	shalt  }

</sc_bundles>
